<compile_context>
chip_gen: v7x
topology: tpu7x:2x2x1
jax: 0.10.2.dev20260603
libtpu: 0.0.44.dev20260713+nightly
codegen_flags: <defaults>
</compile_context>

<pallas_src>
import functools

import jax
import jax.numpy as jnp
from jax import lax
from jax.experimental import pallas as pl
from jax.experimental.pallas import tpu as pltpu
from jax.experimental.pallas import tpu_sc as plsc

f32 = jnp.float32
i32 = jnp.int32

N = 9990
E = 140000
G = 90
F_IN = 557

N_PAD = 10240
G_PAD = 96
NC = 2
NS = 16
EB = 125
ENB = 35
E_CORE = NS * ENB * EB
AB = 64
ANB = 5
ROWS_PER_TILE = N_PAD // NS
G_PER_TILE = G_PAD // NS
BLK = 1024
NBLK = N_PAD // BLK
WF = 176


def _sc_mesh():
    return plsc.VectorSubcoreMesh(
        core_axis_name="c", subcore_axis_name="s",
        num_cores=NC, num_subcores=NS)


def _sc_params():
    return pltpu.CompilerParams(use_tc_tiling_on_sc=False)


@functools.cache
def _deg_kernel_fn():
    @functools.partial(
        pl.kernel,
        out_type=jax.ShapeDtypeStruct((NC, N_PAD, 16), f32),
        mesh=_sc_mesh(),
        compiler_params=_sc_params(),
        scratch_types=[
            pltpu.VMEM_SHARED((N_PAD, 16), f32),
            pltpu.VMEM((ENB, EB), i32),
            pltpu.VMEM((EB, 16), f32),
        ],
    )
    def _deg_kernel(dst_hbm, ones_hbm, zeros_hbm, out_hbm, acc, dst_v, ones_v):
        c = lax.axis_index("c")
        s = lax.axis_index("s")
        r0 = s * ROWS_PER_TILE
        pltpu.sync_copy(zeros_hbm.at[pl.ds(r0, ROWS_PER_TILE)],
                        acc.at[pl.ds(r0, ROWS_PER_TILE)])
        pltpu.sync_copy(dst_hbm.at[c, s], dst_v)
        pltpu.sync_copy(ones_hbm, ones_v)
        plsc.subcore_barrier()

        @pl.loop(0, ENB)
        def _(j):
            pltpu.sync_copy(ones_v, acc.at[dst_v.at[j]], add=True)

        plsc.subcore_barrier()
        pltpu.sync_copy(acc.at[pl.ds(r0, ROWS_PER_TILE)],
                        out_hbm.at[c, pl.ds(r0, ROWS_PER_TILE)])

    return _deg_kernel


@functools.cache
def _make_edge_scatter(D):

    @functools.partial(
        pl.kernel,
        out_type=jax.ShapeDtypeStruct((NC, N_PAD, D), f32),
        mesh=_sc_mesh(),
        compiler_params=_sc_params(),
        scratch_types=[
            pltpu.VMEM_SHARED((N_PAD, D), f32),
            pltpu.VMEM_SHARED((N_PAD, D), f32),
            pltpu.VMEM((ENB, EB), i32),
            pltpu.VMEM((ENB, EB), i32),
            pltpu.VMEM((EB, D), f32),
        ],
    )
    def k(y_hbm, src_hbm, dst_hbm, zeros_hbm, out_hbm, acc, y_sh, src_v,
          dst_v, rows_v):
        c = lax.axis_index("c")
        s = lax.axis_index("s")
        r0 = s * ROWS_PER_TILE
        pltpu.sync_copy(zeros_hbm.at[pl.ds(r0, ROWS_PER_TILE)],
                        acc.at[pl.ds(r0, ROWS_PER_TILE)])
        pltpu.sync_copy(y_hbm.at[pl.ds(r0, ROWS_PER_TILE)],
                        y_sh.at[pl.ds(r0, ROWS_PER_TILE)])
        pltpu.sync_copy(src_hbm.at[c, s], src_v)
        pltpu.sync_copy(dst_hbm.at[c, s], dst_v)
        plsc.subcore_barrier()

        @pl.loop(0, ENB)
        def _(j):
            pltpu.sync_copy(y_sh.at[src_v.at[j]], rows_v)
            pltpu.sync_copy(rows_v, acc.at[dst_v.at[j]], add=True)

        plsc.subcore_barrier()
        pltpu.sync_copy(acc.at[pl.ds(r0, ROWS_PER_TILE)],
                        out_hbm.at[c, pl.ds(r0, ROWS_PER_TILE)])

    return k


@functools.cache
def _agg_kernel_fn():
    @functools.partial(
        pl.kernel,
        out_type=[
            jax.ShapeDtypeStruct((NC, G_PAD, WF), f32),
            jax.ShapeDtypeStruct((NC, G_PAD, 16), f32),
        ],
        mesh=_sc_mesh(),
        compiler_params=_sc_params(),
        scratch_types=[
            pltpu.VMEM_SHARED((G_PAD, WF), f32),
            pltpu.VMEM_SHARED((G_PAD, 16), f32),
            pltpu.VMEM((ANB, AB), i32),
            pltpu.VMEM((AB, WF), f32),
            pltpu.VMEM((AB, 16), f32),
        ],
    )
    def _agg_kernel(big_hbm, batch_hbm, ones_hbm, zw_hbm, z16_hbm,
                    obig, ocnt, sbig, scnt, batch_v, bbuf, ones_v):
        c = lax.axis_index("c")
        s = lax.axis_index("s")
        wid = c * NS + s
        g0 = s * G_PER_TILE
        pltpu.sync_copy(zw_hbm.at[pl.ds(g0, G_PER_TILE)],
                        sbig.at[pl.ds(g0, G_PER_TILE)])
        pltpu.sync_copy(z16_hbm.at[pl.ds(g0, G_PER_TILE)],
                        scnt.at[pl.ds(g0, G_PER_TILE)])
        pltpu.sync_copy(batch_hbm.at[c, s], batch_v)
        pltpu.sync_copy(ones_hbm, ones_v)
        plsc.subcore_barrier()

        @pl.loop(0, ANB)
        def _(j):
            r = wid * (ANB * AB) + j * AB
            pltpu.sync_copy(big_hbm.at[pl.ds(r, AB)], bbuf)
            pltpu.sync_copy(bbuf, sbig.at[batch_v.at[j]], add=True)
            pltpu.sync_copy(ones_v, scnt.at[batch_v.at[j]], add=True)

        plsc.subcore_barrier()
        gsl = pl.ds(g0, G_PER_TILE)
        pltpu.sync_copy(sbig.at[gsl], obig.at[c, gsl])
        pltpu.sync_copy(scnt.at[gsl], ocnt.at[c, gsl])

    return _agg_kernel



def _mm1_body(x_ref, w_ref, wx_ref, degp_ref, o_ref, oxp_ref):
    x = x_ref[...]
    deg = degp_ref[0, :, 0:1] + degp_ref[1, :, 0:1] + 1.0
    o_ref[...] = lax.rsqrt(deg) * jnp.dot(x, w_ref[...],
                                          preferred_element_type=f32)
    oxp_ref[...] = jnp.dot(x, wx_ref[...], preferred_element_type=f32)


def _mm1(x, w, wx, degp):
    return pl.pallas_call(
        _mm1_body,
        grid=(NBLK,),
        in_specs=[pl.BlockSpec((BLK, F_IN), lambda i: (i, 0)),
                  pl.BlockSpec((F_IN, 64), lambda i: (0, 0)),
                  pl.BlockSpec((F_IN, 64), lambda i: (0, 0)),
                  pl.BlockSpec((2, BLK, 16), lambda i: (0, i, 0))],
        out_specs=[pl.BlockSpec((BLK, 64), lambda i: (i, 0)),
                   pl.BlockSpec((BLK, 64), lambda i: (i, 0))],
        out_shape=[jax.ShapeDtypeStruct((N_PAD, 64), f32),
                   jax.ShapeDtypeStruct((N_PAD, 64), f32)],
    )(x, w, wx, degp)


def _consume_mm_body(acc_ref, y_ref, degp_ref, b_ref, w_ref, h_ref, yn_ref):
    deg = degp_ref[0, :, 0:1] + degp_ref[1, :, 0:1] + 1.0
    dinv = lax.rsqrt(deg)
    h = jnp.maximum(dinv * (acc_ref[0] + acc_ref[1] + y_ref[...]) + b_ref[...],
                    0.0)
    h_ref[...] = h
    yn_ref[...] = dinv * jnp.dot(h, w_ref[...], preferred_element_type=f32)


def _consume_mm(acc, y, degp, b, wt):
    d = y.shape[1]
    dn = wt.shape[1]
    return pl.pallas_call(
        _consume_mm_body,
        grid=(NBLK,),
        in_specs=[pl.BlockSpec((2, BLK, d), lambda i: (0, i, 0)),
                  pl.BlockSpec((BLK, d), lambda i: (i, 0)),
                  pl.BlockSpec((2, BLK, 16), lambda i: (0, i, 0)),
                  pl.BlockSpec((1, d), lambda i: (0, 0)),
                  pl.BlockSpec((d, dn), lambda i: (0, 0))],
        out_specs=[pl.BlockSpec((BLK, d), lambda i: (i, 0)),
                   pl.BlockSpec((BLK, dn), lambda i: (i, 0))],
        out_shape=[jax.ShapeDtypeStruct((N_PAD, d), f32),
                   jax.ShapeDtypeStruct((N_PAD, dn), f32)],
    )(acc, y, degp, b, wt)


def _consume_body(acc_ref, y_ref, degp_ref, b_ref, xp_ref, h1_ref, h2_ref,
                  big_ref):
    deg = degp_ref[0, :, 0:1] + degp_ref[1, :, 0:1] + 1.0
    dinv = lax.rsqrt(deg)
    h3 = jnp.maximum(
        dinv * (acc_ref[0] + acc_ref[1] + y_ref[...]) + b_ref[...], 0.0)
    big_ref[...] = jnp.concatenate(
        [xp_ref[...], h1_ref[...], h2_ref[...], h3], axis=1)


def _consume(acc, y, degp, b, xp, h1, h2):
    d = y.shape[1]
    return pl.pallas_call(
        _consume_body,
        grid=(NBLK,),
        in_specs=[pl.BlockSpec((2, BLK, d), lambda i: (0, i, 0)),
                  pl.BlockSpec((BLK, d), lambda i: (i, 0)),
                  pl.BlockSpec((2, BLK, 16), lambda i: (0, i, 0)),
                  pl.BlockSpec((1, d), lambda i: (0, 0)),
                  pl.BlockSpec((BLK, 64), lambda i: (i, 0)),
                  pl.BlockSpec((BLK, 64), lambda i: (i, 0)),
                  pl.BlockSpec((BLK, 32), lambda i: (i, 0))],
        out_specs=pl.BlockSpec((BLK, WF), lambda i: (i, 0)),
        out_shape=jax.ShapeDtypeStruct((N_PAD, WF), f32),
    )(acc, y, degp, b, xp, h1, h2)


def _head_body(abig, acnt, wa, wb, wc, bf1, w2, bf2, o_ref):
    cnt = acnt[0, :, 0:1] + acnt[1, :, 0:1]
    scale = (1.0 / jnp.sqrt(1.0 + 1e-5)) / jnp.maximum(cnt, 1.0)
    big = (abig[0] + abig[1]) * scale
    z = (big[:, 0:64]
         + jnp.dot(big[:, 64:128], wa[...], preferred_element_type=f32)
         + jnp.dot(big[:, 128:160], wb[...], preferred_element_type=f32)
         + jnp.dot(big[:, 160:176], wc[...], preferred_element_type=f32)
         + bf1[...])
    z = jnp.maximum(z, 0.0)
    o_ref[...] = jax.nn.sigmoid(
        jnp.dot(z, w2[...], preferred_element_type=f32) + bf2[...])


def _head(abig, acnt, wa, wb, wc, bf1, w2, bf2):
    full = lambda shape: pl.BlockSpec(shape, lambda: tuple(0 for _ in shape))
    args = (abig, acnt, wa, wb, wc, bf1, w2, bf2)
    return pl.pallas_call(
        _head_body,
        in_specs=[full(a.shape) for a in args],
        out_specs=full((G_PAD, 1)),
        out_shape=jax.ShapeDtypeStruct((G_PAD, 1), f32),
    )(*args)



def kernel(x, edge_index, batch, W1, b1, W2, b2, W3, b3, Wfc1, bfc1, Wfc2,
           bfc2):
    w1t = W1.T

    srcs = edge_index[0].reshape(NC, NS, ENB, EB)
    dsts = edge_index[1].reshape(NC, NS, ENB, EB)
    batch_p = (jnp.full((N_PAD,), G, i32).at[:N].set(batch)
               .reshape(NC, NS, ANB, AB))

    ones_e = jnp.ones((EB, 16), f32)
    ones_a = jnp.ones((AB, 16), f32)
    z64 = jnp.zeros((N_PAD, 64), f32)
    z32 = jnp.zeros((N_PAD, 32), f32)
    z16 = jnp.zeros((N_PAD, 16), f32)
    zgw = jnp.zeros((G_PAD, WF), f32)
    zg16 = jnp.zeros((G_PAD, 16), f32)

    wx = Wfc1[:, :F_IN].T

    degp = _deg_kernel_fn()(dsts, ones_e, z16)
    y1, xp = _mm1(x, w1t, wx, degp)
    acc1 = _make_edge_scatter(64)(y1, srcs, dsts, z64)
    h1, y2 = _consume_mm(acc1, y1, degp, b1.reshape(1, 64), W2.T)
    acc2 = _make_edge_scatter(32)(y2, srcs, dsts, z32)
    h2, y3 = _consume_mm(acc2, y2, degp, b2.reshape(1, 32), W3.T)
    acc3 = _make_edge_scatter(16)(y3, srcs, dsts, z16)
    big = _consume(acc3, y3, degp, b3.reshape(1, 16), xp, h1, h2)

    abig, acnt = _agg_kernel_fn()(big, batch_p, ones_a, zgw, zg16)

    wa = Wfc1[:, F_IN:F_IN + 64].T
    wb = Wfc1[:, F_IN + 64:F_IN + 96].T
    wc = Wfc1[:, F_IN + 96:].T
    out = _head(abig, acnt, wa, wb, wc,
                bfc1.reshape(1, 64), Wfc2.T, bfc2.reshape(1, 1))
    return out[:G]

# --- scband reference (transcript-rebuilt; emitter-appended) ---
"""Pipeline reference for scband-gcnmodel-39350490366682 (READ-ONLY COPY).

The authoritative reference and input builder live on the scoring server;
editing this copy changes nothing except your own understanding.
"""

import jax, jax.numpy as jnp
import numpy as np

N = 9990
E = 140000
G = 90
F_IN = 557
AGG_DIM = F_IN + 64 + 32 + 16  # 669 == 3*(111+64+32+16)


def setup_inputs(seed: int = 0) -> dict:
    key = jax.random.key(seed)
    ks = jax.random.split(key, 16)
    x = jax.random.normal(ks[0], (N, F_IN), dtype=jnp.float32)
    edge_index = jax.random.randint(ks[1], (2, E), 0, N, dtype=jnp.int32)
    batch = jnp.sort(jax.random.randint(ks[2], (N,), 0, G, dtype=jnp.int32))
    W1 = jax.random.normal(ks[3], (64, F_IN), dtype=jnp.float32) * 0.05
    b1 = jnp.zeros((64,), jnp.float32)
    W2 = jax.random.normal(ks[4], (32, 64), dtype=jnp.float32) * 0.05
    b2 = jnp.zeros((32,), jnp.float32)
    W3 = jax.random.normal(ks[5], (16, 32), dtype=jnp.float32) * 0.05
    b3 = jnp.zeros((16,), jnp.float32)
    Wfc1 = jax.random.normal(ks[6], (64, AGG_DIM), dtype=jnp.float32) * 0.05
    bfc1 = jnp.zeros((64,), jnp.float32)
    Wfc2 = jax.random.normal(ks[7], (1, 64), dtype=jnp.float32) * 0.05
    bfc2 = jnp.zeros((1,), jnp.float32)
    return {"x": x, "edge_index": edge_index, "batch": batch,
            "W1": W1, "b1": b1, "W2": W2, "b2": b2, "W3": W3, "b3": b3,
            "Wfc1": Wfc1, "bfc1": bfc1, "Wfc2": Wfc2, "bfc2": bfc2}


def _gcn_conv(x, edge_index, W, b):
    # PyG GCNConv: add self loops, symmetric normalization, x @ W^T, scatter-add, + bias
    xw = x @ W.T
    loop = jnp.arange(N, dtype=edge_index.dtype)
    src = jnp.concatenate([edge_index[0], loop])
    dst = jnp.concatenate([edge_index[1], loop])
    deg = jnp.zeros((N,), jnp.float32).at[dst].add(1.0)
    dinv = jnp.where(deg > 0, jax.lax.rsqrt(deg), 0.0)
    norm = dinv[src] * dinv[dst]
    out = jnp.zeros((N, xw.shape[1]), jnp.float32).at[dst].add(norm[:, None] * xw[src])
    return out + b


def _mean_aggr(v, batch):
    s = jax.ops.segment_sum(v, batch, num_segments=G)
    cnt = jax.ops.segment_sum(jnp.ones((v.shape[0],), jnp.float32), batch, num_segments=G)
    return s / jnp.clip(cnt, 1.0, None)[:, None]


def reference(x, edge_index, batch, W1, b1, W2, b2, W3, b3, Wfc1, bfc1, Wfc2, bfc2):
    xs = [x]
    h = jax.nn.relu(_gcn_conv(x, edge_index, W1, b1))
    xs.append(h)  # dropout is identity in eval mode
    h = jax.nn.relu(_gcn_conv(h, edge_index, W2, b2))
    xs.append(h)
    h = jax.nn.relu(_gcn_conv(h, edge_index, W3, b3))
    xs.append(h)
    agg = jnp.concatenate([_mean_aggr(v, batch) for v in xs], axis=1)
    # BatchNorm in eval mode with running_mean=0, running_var=1
    agg = agg / jnp.sqrt(1.0 + 1e-5)
    z = jax.nn.relu(agg @ Wfc1.T + bfc1)
    z = z @ Wfc2.T + bfc2
    return jax.nn.sigmoid(z)

if __name__ == "__main__":
    import jax
    _d = setup_inputs()
    print(jax.jit(kernel)(*tuple(_d.values())))

</pallas_src>

<mosaic_0001>
#map = affine_map<(d0, d1) -> (0, 0)>
#map1 = affine_map<(d0, d1) -> (0, 0, 0, 0)>
#map2 = affine_map<(d0, d1) -> (0, 0, 0)>
module attributes {stable_mosaic.version = 14 : i64} {
  func.func @k(%arg0: i32, %arg1: i32, %arg2: memref<10240x16xf32, #tpu.memory_space<hbm>>, %arg3: memref<2x16x35x125xi32, #tpu.memory_space<hbm>>, %arg4: memref<2x16x35x125xi32, #tpu.memory_space<hbm>>, %arg5: memref<10240x16xf32, #tpu.memory_space<hbm>>, %arg6: memref<2x10240x16xf32, #tpu.memory_space<hbm>>, %arg7: memref<10240x16xf32, #tpu.memory_space<vmem_shared>>, %arg8: memref<10240x16xf32, #tpu.memory_space<vmem_shared>>, %arg9: memref<35x125xi32, #tpu.memory_space<vmem>>, %arg10: memref<35x125xi32, #tpu.memory_space<vmem>>, %arg11: memref<125x16xf32, #tpu.memory_space<vmem>>) attributes {dimension_semantics = [#tpu.dimension_semantics<core_parallel>, #tpu.dimension_semantics<subcore_parallel>], iteration_bounds = array<i64: 2, 16>, scalar_prefetch = 0 : i64, scratch_operands = 5 : i64, tpu.core_type = #tpu.core_type<sc_vector_subcore>, window_params = [{transform_indices = #map}, {transform_indices = #map1}, {transform_indices = #map1}, {transform_indices = #map}, {transform_indices = #map2}]} {
    %mul3A = arith.constant 640 : i32
    %mul3A_0 = arith.muli %arg1, %mul3A : i32
    "tpu.region"() ({
      %run_scoped3A = tpu.sem_alloc : memref<!tpu.dma_semaphore, #tpu.memory_space<semaphore_mem>>
      %dma_start3A = arith.constant 0 : i32
      %dma_start3A_6 = tpu.memref_slice %arg7[%mul3A_0, %dma_start3A] : memref<10240x16xf32, #tpu.memory_space<vmem_shared>> -> memref<640x16xf32, #tpu.memory_space<vmem_shared>>
      %dma_start3A_7 = arith.constant 0 : i32
      %dma_start3A_8 = tpu.memref_slice %arg5[%mul3A_0, %dma_start3A_7] : memref<10240x16xf32, #tpu.memory_space<hbm>> -> memref<640x16xf32, #tpu.memory_space<hbm>>
      tpu.enqueue_dma source(%dma_start3A_8 : memref<640x16xf32, #tpu.memory_space<hbm>>) target(%dma_start3A_6 : memref<640x16xf32, #tpu.memory_space<vmem_shared>>) target_semaphore(%run_scoped3A : memref<!tpu.dma_semaphore, #tpu.memory_space<semaphore_mem>>)
      %dma_wait3A = arith.constant 0 : i32
      %dma_wait3A_9 = tpu.memref_slice %arg7[%mul3A_0, %dma_wait3A] : memref<10240x16xf32, #tpu.memory_space<vmem_shared>> -> memref<640x16xf32, #tpu.memory_space<vmem_shared>>
      %dma_wait3A_10 = arith.constant 0 : i32
      %dma_wait3A_11 = tpu.memref_slice %arg5[%mul3A_0, %dma_wait3A_10] : memref<10240x16xf32, #tpu.memory_space<hbm>> -> memref<640x16xf32, #tpu.memory_space<hbm>>
      tpu.wait_dma2 semaphore(%run_scoped3A : memref<!tpu.dma_semaphore, #tpu.memory_space<semaphore_mem>>) src(%dma_wait3A_11 : memref<640x16xf32, #tpu.memory_space<hbm>>) dst(%dma_wait3A_9 : memref<640x16xf32, #tpu.memory_space<vmem_shared>>)
      tpu.yield
    }) : () -> ()
    "tpu.region"() ({
      %run_scoped3A = tpu.sem_alloc : memref<!tpu.dma_semaphore, #tpu.memory_space<semaphore_mem>>
      %dma_start3A = arith.constant 0 : i32
      %dma_start3A_6 = tpu.memref_slice %arg8[%mul3A_0, %dma_start3A] : memref<10240x16xf32, #tpu.memory_space<vmem_shared>> -> memref<640x16xf32, #tpu.memory_space<vmem_shared>>
      %dma_start3A_7 = arith.constant 0 : i32
      %dma_start3A_8 = tpu.memref_slice %arg2[%mul3A_0, %dma_start3A_7] : memref<10240x16xf32, #tpu.memory_space<hbm>> -> memref<640x16xf32, #tpu.memory_space<hbm>>
      tpu.enqueue_dma source(%dma_start3A_8 : memref<640x16xf32, #tpu.memory_space<hbm>>) target(%dma_start3A_6 : memref<640x16xf32, #tpu.memory_space<vmem_shared>>) target_semaphore(%run_scoped3A : memref<!tpu.dma_semaphore, #tpu.memory_space<semaphore_mem>>)
      %dma_wait3A = arith.constant 0 : i32
      %dma_wait3A_9 = tpu.memref_slice %arg8[%mul3A_0, %dma_wait3A] : memref<10240x16xf32, #tpu.memory_space<vmem_shared>> -> memref<640x16xf32, #tpu.memory_space<vmem_shared>>
      %dma_wait3A_10 = arith.constant 0 : i32
      %dma_wait3A_11 = tpu.memref_slice %arg2[%mul3A_0, %dma_wait3A_10] : memref<10240x16xf32, #tpu.memory_space<hbm>> -> memref<640x16xf32, #tpu.memory_space<hbm>>
      tpu.wait_dma2 semaphore(%run_scoped3A : memref<!tpu.dma_semaphore, #tpu.memory_space<semaphore_mem>>) src(%dma_wait3A_11 : memref<640x16xf32, #tpu.memory_space<hbm>>) dst(%dma_wait3A_9 : memref<640x16xf32, #tpu.memory_space<vmem_shared>>)
      tpu.yield
    }) : () -> ()
    "tpu.region"() ({
      %run_scoped3A = tpu.sem_alloc : memref<!tpu.dma_semaphore, #tpu.memory_space<semaphore_mem>>
      %dma_start3A = arith.constant 0 : i32
      %dma_start3A_6 = arith.constant 0 : i32
      %dma_start3A_7 = tpu.memref_slice %arg3[%arg0, %arg1, %dma_start3A, %dma_start3A_6] : memref<2x16x35x125xi32, #tpu.memory_space<hbm>> -> memref<1x1x35x125xi32, #tpu.memory_space<hbm>>
      %dma_start3A_8 = tpu.memref_squeeze %dma_start3A_7 : memref<1x1x35x125xi32, #tpu.memory_space<hbm>> -> memref<35x125xi32, #tpu.memory_space<hbm>>
      %dma_start3A_9 = arith.constant 0 : i32
      %dma_start3A_10 = arith.constant 0 : i32
      %dma_start3A_11 = tpu.memref_slice %arg3[%arg0, %arg1, %dma_start3A_9, %dma_start3A_10] : memref<2x16x35x125xi32, #tpu.memory_space<hbm>> -> memref<1x1x35x125xi32, #tpu.memory_space<hbm>>
      %dma_start3A_12 = tpu.memref_squeeze %dma_start3A_11 : memref<1x1x35x125xi32, #tpu.memory_space<hbm>> -> memref<35x125xi32, #tpu.memory_space<hbm>>
      tpu.enqueue_dma source(%dma_start3A_12 : memref<35x125xi32, #tpu.memory_space<hbm>>) target(%arg9 : memref<35x125xi32, #tpu.memory_space<vmem>>) target_semaphore(%run_scoped3A : memref<!tpu.dma_semaphore, #tpu.memory_space<semaphore_mem>>)
      %dma_wait3A = arith.constant 0 : i32
      %dma_wait3A_13 = arith.constant 0 : i32
      %dma_wait3A_14 = tpu.memref_slice %arg3[%arg0, %arg1, %dma_wait3A, %dma_wait3A_13] : memref<2x16x35x125xi32, #tpu.memory_space<hbm>> -> memref<1x1x35x125xi32, #tpu.memory_space<hbm>>
      %dma_wait3A_15 = tpu.memref_squeeze %dma_wait3A_14 : memref<1x1x35x125xi32, #tpu.memory_space<hbm>> -> memref<35x125xi32, #tpu.memory_space<hbm>>
      %dma_wait3A_16 = arith.constant 0 : i32
      %dma_wait3A_17 = arith.constant 0 : i32
      %dma_wait3A_18 = tpu.memref_slice %arg3[%arg0, %arg1, %dma_wait3A_16, %dma_wait3A_17] : memref<2x16x35x125xi32, #tpu.memory_space<hbm>> -> memref<1x1x35x125xi32, #tpu.memory_space<hbm>>
      %dma_wait3A_19 = tpu.memref_squeeze %dma_wait3A_18 : memref<1x1x35x125xi32, #tpu.memory_space<hbm>> -> memref<35x125xi32, #tpu.memory_space<hbm>>
      tpu.wait_dma2 semaphore(%run_scoped3A : memref<!tpu.dma_semaphore, #tpu.memory_space<semaphore_mem>>) src(%dma_wait3A_19 : memref<35x125xi32, #tpu.memory_space<hbm>>) dst(%arg9 : memref<35x125xi32, #tpu.memory_space<vmem>>)
      tpu.yield
    }) : () -> ()
    "tpu.region"() ({
      %run_scoped3A = tpu.sem_alloc : memref<!tpu.dma_semaphore, #tpu.memory_space<semaphore_mem>>
      %dma_start3A = arith.constant 0 : i32
      %dma_start3A_6 = arith.constant 0 : i32
      %dma_start3A_7 = tpu.memref_slice %arg4[%arg0, %arg1, %dma_start3A, %dma_start3A_6] : memref<2x16x35x125xi32, #tpu.memory_space<hbm>> -> memref<1x1x35x125xi32, #tpu.memory_space<hbm>>
      %dma_start3A_8 = tpu.memref_squeeze %dma_start3A_7 : memref<1x1x35x125xi32, #tpu.memory_space<hbm>> -> memref<35x125xi32, #tpu.memory_space<hbm>>
      %dma_start3A_9 = arith.constant 0 : i32
      %dma_start3A_10 = arith.constant 0 : i32
      %dma_start3A_11 = tpu.memref_slice %arg4[%arg0, %arg1, %dma_start3A_9, %dma_start3A_10] : memref<2x16x35x125xi32, #tpu.memory_space<hbm>> -> memref<1x1x35x125xi32, #tpu.memory_space<hbm>>
      %dma_start3A_12 = tpu.memref_squeeze %dma_start3A_11 : memref<1x1x35x125xi32, #tpu.memory_space<hbm>> -> memref<35x125xi32, #tpu.memory_space<hbm>>
      tpu.enqueue_dma source(%dma_start3A_12 : memref<35x125xi32, #tpu.memory_space<hbm>>) target(%arg10 : memref<35x125xi32, #tpu.memory_space<vmem>>) target_semaphore(%run_scoped3A : memref<!tpu.dma_semaphore, #tpu.memory_space<semaphore_mem>>)
      %dma_wait3A = arith.constant 0 : i32
      %dma_wait3A_13 = arith.constant 0 : i32
      %dma_wait3A_14 = tpu.memref_slice %arg4[%arg0, %arg1, %dma_wait3A, %dma_wait3A_13] : memref<2x16x35x125xi32, #tpu.memory_space<hbm>> -> memref<1x1x35x125xi32, #tpu.memory_space<hbm>>
      %dma_wait3A_15 = tpu.memref_squeeze %dma_wait3A_14 : memref<1x1x35x125xi32, #tpu.memory_space<hbm>> -> memref<35x125xi32, #tpu.memory_space<hbm>>
      %dma_wait3A_16 = arith.constant 0 : i32
      %dma_wait3A_17 = arith.constant 0 : i32
      %dma_wait3A_18 = tpu.memref_slice %arg4[%arg0, %arg1, %dma_wait3A_16, %dma_wait3A_17] : memref<2x16x35x125xi32, #tpu.memory_space<hbm>> -> memref<1x1x35x125xi32, #tpu.memory_space<hbm>>
      %dma_wait3A_19 = tpu.memref_squeeze %dma_wait3A_18 : memref<1x1x35x125xi32, #tpu.memory_space<hbm>> -> memref<35x125xi32, #tpu.memory_space<hbm>>
      tpu.wait_dma2 semaphore(%run_scoped3A : memref<!tpu.dma_semaphore, #tpu.memory_space<semaphore_mem>>) src(%dma_wait3A_19 : memref<35x125xi32, #tpu.memory_space<hbm>>) dst(%arg10 : memref<35x125xi32, #tpu.memory_space<vmem>>)
      tpu.yield
    }) : () -> ()
    %barrier3A = arith.constant 0 : index
    tpu.barrier barrier_id(%barrier3A)
    %scan3A = arith.constant 0 : i32
    %scan3A_1 = arith.constant 35 : i32
    %scan3A_2 = arith.addi %scan3A, %scan3A_1 : i32
    %scan3A_3 = arith.constant 1 : i32
    scf.for %scan3A_6 = %scan3A to %scan3A_2 step %scan3A_3  : i32 {
      %mul3A_7 = arith.constant 1 : i32
      %mul3A_8 = arith.muli %scan3A_6, %mul3A_7 : i32
      %add3A = arith.constant 0 : i32
      %add3A_9 = arith.addi %add3A, %mul3A_8 : i32
      "tpu.region"() ({
        %run_scoped3A = tpu.sem_alloc : memref<!tpu.dma_semaphore, #tpu.memory_space<semaphore_mem>>
        %dma_start3A = arith.constant 0 : i32
        %dma_start3A_10 = tpu.memref_slice %arg9[%add3A_9, %dma_start3A] : memref<35x125xi32, #tpu.memory_space<vmem>> -> memref<1x125xi32, #tpu.memory_space<vmem>>
        %dma_start3A_11 = tpu.memref_squeeze %dma_start3A_10 : memref<1x125xi32, #tpu.memory_space<vmem>> -> memref<125xi32, #tpu.memory_space<vmem>>
        %dma_start3A_12 = arith.constant 0 : i32
        %dma_start3A_13 = arith.constant 0 : i32
        %dma_start3A_14 = tpu.memref_slice %arg8[%dma_start3A_12, %dma_start3A_13] : memref<10240x16xf32, #tpu.memory_space<vmem_shared>> -> memref<10240x16xf32, #tpu.memory_space<vmem_shared>>
        tpu.enqueue_indirect_dma source(%dma_start3A_14 : memref<10240x16xf32, #tpu.memory_space<vmem_shared>>) target(%arg11 : memref<125x16xf32, #tpu.memory_space<vmem>>) offsets(%dma_start3A_11 : memref<125xi32, #tpu.memory_space<vmem>>) semaphore(%run_scoped3A : memref<!tpu.dma_semaphore, #tpu.memory_space<semaphore_mem>>)
        %dma_wait3A = arith.constant 0 : i32
        %dma_wait3A_15 = tpu.memref_slice %arg9[%add3A_9, %dma_wait3A] : memref<35x125xi32, #tpu.memory_space<vmem>> -> memref<1x125xi32, #tpu.memory_space<vmem>>
        %dma_wait3A_16 = tpu.memref_squeeze %dma_wait3A_15 : memref<1x125xi32, #tpu.memory_space<vmem>> -> memref<125xi32, #tpu.memory_space<vmem>>
        %dma_wait3A_17 = arith.constant 0 : i32
        %dma_wait3A_18 = arith.constant 0 : i32
        %dma_wait3A_19 = tpu.memref_slice %arg8[%dma_wait3A_17, %dma_wait3A_18] : memref<10240x16xf32, #tpu.memory_space<vmem_shared>> -> memref<10240x16xf32, #tpu.memory_space<vmem_shared>>
        tpu.wait_indirect_dma semaphore(%run_scoped3A : memref<!tpu.dma_semaphore, #tpu.memory_space<semaphore_mem>>) src(%dma_wait3A_19 : memref<10240x16xf32, #tpu.memory_space<vmem_shared>>) dst(%arg11 : memref<125x16xf32, #tpu.memory_space<vmem>>)
        tpu.yield
      }) : () -> ()
      "tpu.region"() ({
        %run_scoped3A = tpu.sem_alloc : memref<!tpu.dma_semaphore, #tpu.memory_space<semaphore_mem>>
        %dma_start3A = arith.constant 0 : i32
        %dma_start3A_10 = tpu.memref_slice %arg10[%add3A_9, %dma_start3A] : memref<35x125xi32, #tpu.memory_space<vmem>> -> memref<1x125xi32, #tpu.memory_space<vmem>>
        %dma_start3A_11 = tpu.memref_squeeze %dma_start3A_10 : memref<1x125xi32, #tpu.memory_space<vmem>> -> memref<125xi32, #tpu.memory_space<vmem>>
        %dma_start3A_12 = arith.constant 0 : i32
        %dma_start3A_13 = arith.constant 0 : i32
        %dma_start3A_14 = tpu.memref_slice %arg7[%dma_start3A_12, %dma_start3A_13] : memref<10240x16xf32, #tpu.memory_space<vmem_shared>> -> memref<10240x16xf32, #tpu.memory_space<vmem_shared>>
        tpu.enqueue_indirect_dma source(%arg11 : memref<125x16xf32, #tpu.memory_space<vmem>>) target(%dma_start3A_14 : memref<10240x16xf32, #tpu.memory_space<vmem_shared>>) offsets(%dma_start3A_11 : memref<125xi32, #tpu.memory_space<vmem>>) semaphore(%run_scoped3A : memref<!tpu.dma_semaphore, #tpu.memory_space<semaphore_mem>>) {add = true}
        %dma_wait3A = arith.constant 0 : i32
        %dma_wait3A_15 = tpu.memref_slice %arg10[%add3A_9, %dma_wait3A] : memref<35x125xi32, #tpu.memory_space<vmem>> -> memref<1x125xi32, #tpu.memory_space<vmem>>
        %dma_wait3A_16 = tpu.memref_squeeze %dma_wait3A_15 : memref<1x125xi32, #tpu.memory_space<vmem>> -> memref<125xi32, #tpu.memory_space<vmem>>
        %dma_wait3A_17 = arith.constant 0 : i32
        %dma_wait3A_18 = arith.constant 0 : i32
        %dma_wait3A_19 = tpu.memref_slice %arg7[%dma_wait3A_17, %dma_wait3A_18] : memref<10240x16xf32, #tpu.memory_space<vmem_shared>> -> memref<10240x16xf32, #tpu.memory_space<vmem_shared>>
        tpu.wait_indirect_dma semaphore(%run_scoped3A : memref<!tpu.dma_semaphore, #tpu.memory_space<semaphore_mem>>) src(%arg11 : memref<125x16xf32, #tpu.memory_space<vmem>>) dst(%dma_wait3A_19 : memref<10240x16xf32, #tpu.memory_space<vmem_shared>>)
        tpu.yield
      }) : () -> ()
    }
    %scan3A_4 = arith.constant 35 : i32
    %barrier3A_5 = arith.constant 0 : index
    tpu.barrier barrier_id(%barrier3A_5)
    "tpu.region"() ({
      %run_scoped3A = tpu.sem_alloc : memref<!tpu.dma_semaphore, #tpu.memory_space<semaphore_mem>>
      %dma_start3A = arith.constant 0 : i32
      %dma_start3A_6 = tpu.memref_slice %arg6[%arg0, %mul3A_0, %dma_start3A] : memref<2x10240x16xf32, #tpu.memory_space<hbm>> -> memref<1x640x16xf32, #tpu.memory_space<hbm>>
      %dma_start3A_7 = tpu.memref_squeeze %dma_start3A_6 : memref<1x640x16xf32, #tpu.memory_space<hbm>> -> memref<640x16xf32, #tpu.memory_space<hbm>>
      %dma_start3A_8 = arith.constant 0 : i32
      %dma_start3A_9 = tpu.memref_slice %arg7[%mul3A_0, %dma_start3A_8] : memref<10240x16xf32, #tpu.memory_space<vmem_shared>> -> memref<640x16xf32, #tpu.memory_space<vmem_shared>>
      tpu.enqueue_dma source(%dma_start3A_9 : memref<640x16xf32, #tpu.memory_space<vmem_shared>>) target(%dma_start3A_7 : memref<640x16xf32, #tpu.memory_space<hbm>>) target_semaphore(%run_scoped3A : memref<!tpu.dma_semaphore, #tpu.memory_space<semaphore_mem>>)
      %dma_wait3A = arith.constant 0 : i32
      %dma_wait3A_10 = tpu.memref_slice %arg6[%arg0, %mul3A_0, %dma_wait3A] : memref<2x10240x16xf32, #tpu.memory_space<hbm>> -> memref<1x640x16xf32, #tpu.memory_space<hbm>>
      %dma_wait3A_11 = tpu.memref_squeeze %dma_wait3A_10 : memref<1x640x16xf32, #tpu.memory_space<hbm>> -> memref<640x16xf32, #tpu.memory_space<hbm>>
      %dma_wait3A_12 = arith.constant 0 : i32
      %dma_wait3A_13 = tpu.memref_slice %arg7[%mul3A_0, %dma_wait3A_12] : memref<10240x16xf32, #tpu.memory_space<vmem_shared>> -> memref<640x16xf32, #tpu.memory_space<vmem_shared>>
      tpu.wait_dma2 semaphore(%run_scoped3A : memref<!tpu.dma_semaphore, #tpu.memory_space<semaphore_mem>>) src(%dma_wait3A_13 : memref<640x16xf32, #tpu.memory_space<vmem_shared>>) dst(%dma_wait3A_11 : memref<640x16xf32, #tpu.memory_space<hbm>>)
      tpu.yield
    }) : () -> ()
    return
  }
}

#map = affine_map<(d0, d1) -> (0, 0)>
#map1 = affine_map<(d0, d1) -> (0, 0, 0, 0)>
#map2 = affine_map<(d0, d1) -> (0, 0, 0)>
module attributes {stable_mosaic.version = 14 : i64} {
  func.func @k(%arg0: i32, %arg1: i32, %arg2: memref<10240x64xf32, #tpu.memory_space<hbm>>, %arg3: memref<2x16x35x125xi32, #tpu.memory_space<hbm>>, %arg4: memref<2x16x35x125xi32, #tpu.memory_space<hbm>>, %arg5: memref<10240x64xf32, #tpu.memory_space<hbm>>, %arg6: memref<2x10240x64xf32, #tpu.memory_space<hbm>>, %arg7: memref<10240x64xf32, #tpu.memory_space<vmem_shared>>, %arg8: memref<10240x64xf32, #tpu.memory_space<vmem_shared>>, %arg9: memref<35x125xi32, #tpu.memory_space<vmem>>, %arg10: memref<35x125xi32, #tpu.memory_space<vmem>>, %arg11: memref<125x64xf32, #tpu.memory_space<vmem>>) attributes {dimension_semantics = [#tpu.dimension_semantics<core_parallel>, #tpu.dimension_semantics<subcore_parallel>], iteration_bounds = array<i64: 2, 16>, scalar_prefetch = 0 : i64, scratch_operands = 5 : i64, tpu.core_type = #tpu.core_type<sc_vector_subcore>, window_params = [{transform_indices = #map}, {transform_indices = #map1}, {transform_indices = #map1}, {transform_indices = #map}, {transform_indices = #map2}]} {
    %mul3A = arith.constant 640 : i32
    %mul3A_0 = arith.muli %arg1, %mul3A : i32
    "tpu.region"() ({
      %run_scoped3A = tpu.sem_alloc : memref<!tpu.dma_semaphore, #tpu.memory_space<semaphore_mem>>
      %dma_start3A = arith.constant 0 : i32
      %dma_start3A_6 = tpu.memref_slice %arg7[%mul3A_0, %dma_start3A] : memref<10240x64xf32, #tpu.memory_space<vmem_shared>> -> memref<640x64xf32, #tpu.memory_space<vmem_shared>>
      %dma_start3A_7 = arith.constant 0 : i32
      %dma_start3A_8 = tpu.memref_slice %arg5[%mul3A_0, %dma_start3A_7] : memref<10240x64xf32, #tpu.memory_space<hbm>> -> memref<640x64xf32, #tpu.memory_space<hbm>>
      tpu.enqueue_dma source(%dma_start3A_8 : memref<640x64xf32, #tpu.memory_space<hbm>>) target(%dma_start3A_6 : memref<640x64xf32, #tpu.memory_space<vmem_shared>>) target_semaphore(%run_scoped3A : memref<!tpu.dma_semaphore, #tpu.memory_space<semaphore_mem>>)
      %dma_wait3A = arith.constant 0 : i32
      %dma_wait3A_9 = tpu.memref_slice %arg7[%mul3A_0, %dma_wait3A] : memref<10240x64xf32, #tpu.memory_space<vmem_shared>> -> memref<640x64xf32, #tpu.memory_space<vmem_shared>>
      %dma_wait3A_10 = arith.constant 0 : i32
      %dma_wait3A_11 = tpu.memref_slice %arg5[%mul3A_0, %dma_wait3A_10] : memref<10240x64xf32, #tpu.memory_space<hbm>> -> memref<640x64xf32, #tpu.memory_space<hbm>>
      tpu.wait_dma2 semaphore(%run_scoped3A : memref<!tpu.dma_semaphore, #tpu.memory_space<semaphore_mem>>) src(%dma_wait3A_11 : memref<640x64xf32, #tpu.memory_space<hbm>>) dst(%dma_wait3A_9 : memref<640x64xf32, #tpu.memory_space<vmem_shared>>)
      tpu.yield
    }) : () -> ()
    "tpu.region"() ({
      %run_scoped3A = tpu.sem_alloc : memref<!tpu.dma_semaphore, #tpu.memory_space<semaphore_mem>>
      %dma_start3A = arith.constant 0 : i32
      %dma_start3A_6 = tpu.memref_slice %arg8[%mul3A_0, %dma_start3A] : memref<10240x64xf32, #tpu.memory_space<vmem_shared>> -> memref<640x64xf32, #tpu.memory_space<vmem_shared>>
      %dma_start3A_7 = arith.constant 0 : i32
      %dma_start3A_8 = tpu.memref_slice %arg2[%mul3A_0, %dma_start3A_7] : memref<10240x64xf32, #tpu.memory_space<hbm>> -> memref<640x64xf32, #tpu.memory_space<hbm>>
      tpu.enqueue_dma source(%dma_start3A_8 : memref<640x64xf32, #tpu.memory_space<hbm>>) target(%dma_start3A_6 : memref<640x64xf32, #tpu.memory_space<vmem_shared>>) target_semaphore(%run_scoped3A : memref<!tpu.dma_semaphore, #tpu.memory_space<semaphore_mem>>)
      %dma_wait3A = arith.constant 0 : i32
      %dma_wait3A_9 = tpu.memref_slice %arg8[%mul3A_0, %dma_wait3A] : memref<10240x64xf32, #tpu.memory_space<vmem_shared>> -> memref<640x64xf32, #tpu.memory_space<vmem_shared>>
      %dma_wait3A_10 = arith.constant 0 : i32
      %dma_wait3A_11 = tpu.memref_slice %arg2[%mul3A_0, %dma_wait3A_10] : memref<10240x64xf32, #tpu.memory_space<hbm>> -> memref<640x64xf32, #tpu.memory_space<hbm>>
      tpu.wait_dma2 semaphore(%run_scoped3A : memref<!tpu.dma_semaphore, #tpu.memory_space<semaphore_mem>>) src(%dma_wait3A_11 : memref<640x64xf32, #tpu.memory_space<hbm>>) dst(%dma_wait3A_9 : memref<640x64xf32, #tpu.memory_space<vmem_shared>>)
      tpu.yield
    }) : () -> ()
    "tpu.region"() ({
      %run_scoped3A = tpu.sem_alloc : memref<!tpu.dma_semaphore, #tpu.memory_space<semaphore_mem>>
      %dma_start3A = arith.constant 0 : i32
      %dma_start3A_6 = arith.constant 0 : i32
      %dma_start3A_7 = tpu.memref_slice %arg3[%arg0, %arg1, %dma_start3A, %dma_start3A_6] : memref<2x16x35x125xi32, #tpu.memory_space<hbm>> -> memref<1x1x35x125xi32, #tpu.memory_space<hbm>>
      %dma_start3A_8 = tpu.memref_squeeze %dma_start3A_7 : memref<1x1x35x125xi32, #tpu.memory_space<hbm>> -> memref<35x125xi32, #tpu.memory_space<hbm>>
      %dma_start3A_9 = arith.constant 0 : i32
      %dma_start3A_10 = arith.constant 0 : i32
      %dma_start3A_11 = tpu.memref_slice %arg3[%arg0, %arg1, %dma_start3A_9, %dma_start3A_10] : memref<2x16x35x125xi32, #tpu.memory_space<hbm>> -> memref<1x1x35x125xi32, #tpu.memory_space<hbm>>
      %dma_start3A_12 = tpu.memref_squeeze %dma_start3A_11 : memref<1x1x35x125xi32, #tpu.memory_space<hbm>> -> memref<35x125xi32, #tpu.memory_space<hbm>>
      tpu.enqueue_dma source(%dma_start3A_12 : memref<35x125xi32, #tpu.memory_space<hbm>>) target(%arg9 : memref<35x125xi32, #tpu.memory_space<vmem>>) target_semaphore(%run_scoped3A : memref<!tpu.dma_semaphore, #tpu.memory_space<semaphore_mem>>)
      %dma_wait3A = arith.constant 0 : i32
      %dma_wait3A_13 = arith.constant 0 : i32
      %dma_wait3A_14 = tpu.memref_slice %arg3[%arg0, %arg1, %dma_wait3A, %dma_wait3A_13] : memref<2x16x35x125xi32, #tpu.memory_space<hbm>> -> memref<1x1x35x125xi32, #tpu.memory_space<hbm>>
      %dma_wait3A_15 = tpu.memref_squeeze %dma_wait3A_14 : memref<1x1x35x125xi32, #tpu.memory_space<hbm>> -> memref<35x125xi32, #tpu.memory_space<hbm>>
      %dma_wait3A_16 = arith.constant 0 : i32
      %dma_wait3A_17 = arith.constant 0 : i32
      %dma_wait3A_18 = tpu.memref_slice %arg3[%arg0, %arg1, %dma_wait3A_16, %dma_wait3A_17] : memref<2x16x35x125xi32, #tpu.memory_space<hbm>> -> memref<1x1x35x125xi32, #tpu.memory_space<hbm>>
      %dma_wait3A_19 = tpu.memref_squeeze %dma_wait3A_18 : memref<1x1x35x125xi32, #tpu.memory_space<hbm>> -> memref<35x125xi32, #tpu.memory_space<hbm>>
      tpu.wait_dma2 semaphore(%run_scoped3A : memref<!tpu.dma_semaphore, #tpu.memory_space<semaphore_mem>>) src(%dma_wait3A_19 : memref<35x125xi32, #tpu.memory_space<hbm>>) dst(%arg9 : memref<35x125xi32, #tpu.memory_space<vmem>>)
      tpu.yield
    }) : () -> ()
    "tpu.region"() ({
      %run_scoped3A = tpu.sem_alloc : memref<!tpu.dma_semaphore, #tpu.memory_space<semaphore_mem>>
      %dma_start3A = arith.constant 0 : i32
      %dma_start3A_6 = arith.constant 0 : i32
      %dma_start3A_7 = tpu.memref_slice %arg4[%arg0, %arg1, %dma_start3A, %dma_start3A_6] : memref<2x16x35x125xi32, #tpu.memory_space<hbm>> -> memref<1x1x35x125xi32, #tpu.memory_space<hbm>>
      %dma_start3A_8 = tpu.memref_squeeze %dma_start3A_7 : memref<1x1x35x125xi32, #tpu.memory_space<hbm>> -> memref<35x125xi32, #tpu.memory_space<hbm>>
      %dma_start3A_9 = arith.constant 0 : i32
      %dma_start3A_10 = arith.constant 0 : i32
      %dma_start3A_11 = tpu.memref_slice %arg4[%arg0, %arg1, %dma_start3A_9, %dma_start3A_10] : memref<2x16x35x125xi32, #tpu.memory_space<hbm>> -> memref<1x1x35x125xi32, #tpu.memory_space<hbm>>
      %dma_start3A_12 = tpu.memref_squeeze %dma_start3A_11 : memref<1x1x35x125xi32, #tpu.memory_space<hbm>> -> memref<35x125xi32, #tpu.memory_space<hbm>>
      tpu.enqueue_dma source(%dma_start3A_12 : memref<35x125xi32, #tpu.memory_space<hbm>>) target(%arg10 : memref<35x125xi32, #tpu.memory_space<vmem>>) target_semaphore(%run_scoped3A : memref<!tpu.dma_semaphore, #tpu.memory_space<semaphore_mem>>)
      %dma_wait3A = arith.constant 0 : i32
      %dma_wait3A_13 = arith.constant 0 : i32
      %dma_wait3A_14 = tpu.memref_slice %arg4[%arg0, %arg1, %dma_wait3A, %dma_wait3A_13] : memref<2x16x35x125xi32, #tpu.memory_space<hbm>> -> memref<1x1x35x125xi32, #tpu.memory_space<hbm>>
      %dma_wait3A_15 = tpu.memref_squeeze %dma_wait3A_14 : memref<1x1x35x125xi32, #tpu.memory_space<hbm>> -> memref<35x125xi32, #tpu.memory_space<hbm>>
      %dma_wait3A_16 = arith.constant 0 : i32
      %dma_wait3A_17 = arith.constant 0 : i32
      %dma_wait3A_18 = tpu.memref_slice %arg4[%arg0, %arg1, %dma_wait3A_16, %dma_wait3A_17] : memref<2x16x35x125xi32, #tpu.memory_space<hbm>> -> memref<1x1x35x125xi32, #tpu.memory_space<hbm>>
      %dma_wait3A_19 = tpu.memref_squeeze %dma_wait3A_18 : memref<1x1x35x125xi32, #tpu.memory_space<hbm>> -> memref<35x125xi32, #tpu.memory_space<hbm>>
      tpu.wait_dma2 semaphore(%run_scoped3A : memref<!tpu.dma_semaphore, #tpu.memory_space<semaphore_mem>>) src(%dma_wait3A_19 : memref<35x125xi32, #tpu.memory_space<hbm>>) dst(%arg10 : memref<35x125xi32, #tpu.memory_space<vmem>>)
      tpu.yield
    }) : () -> ()
    %barrier3A = arith.constant 0 : index
    tpu.barrier barrier_id(%barrier3A)
    %scan3A = arith.constant 0 : i32
    %scan3A_1 = arith.constant 35 : i32
    %scan3A_2 = arith.addi %scan3A, %scan3A_1 : i32
    %scan3A_3 = arith.constant 1 : i32
    scf.for %scan3A_6 = %scan3A to %scan3A_2 step %scan3A_3  : i32 {
      %mul3A_7 = arith.constant 1 : i32
      %mul3A_8 = arith.muli %scan3A_6, %mul3A_7 : i32
      %add3A = arith.constant 0 : i32
      %add3A_9 = arith.addi %add3A, %mul3A_8 : i32
      "tpu.region"() ({
        %run_scoped3A = tpu.sem_alloc : memref<!tpu.dma_semaphore, #tpu.memory_space<semaphore_mem>>
        %dma_start3A = arith.constant 0 : i32
        %dma_start3A_10 = tpu.memref_slice %arg9[%add3A_9, %dma_start3A] : memref<35x125xi32, #tpu.memory_space<vmem>> -> memref<1x125xi32, #tpu.memory_space<vmem>>
        %dma_start3A_11 = tpu.memref_squeeze %dma_start3A_10 : memref<1x125xi32, #tpu.memory_space<vmem>> -> memref<125xi32, #tpu.memory_space<vmem>>
        %dma_start3A_12 = arith.constant 0 : i32
        %dma_start3A_13 = arith.constant 0 : i32
        %dma_start3A_14 = tpu.memref_slice %arg8[%dma_start3A_12, %dma_start3A_13] : memref<10240x64xf32, #tpu.memory_space<vmem_shared>> -> memref<10240x64xf32, #tpu.memory_space<vmem_shared>>
        tpu.enqueue_indirect_dma source(%dma_start3A_14 : memref<10240x64xf32, #tpu.memory_space<vmem_shared>>) target(%arg11 : memref<125x64xf32, #tpu.memory_space<vmem>>) offsets(%dma_start3A_11 : memref<125xi32, #tpu.memory_space<vmem>>) semaphore(%run_scoped3A : memref<!tpu.dma_semaphore, #tpu.memory_space<semaphore_mem>>)
        %dma_wait3A = arith.constant 0 : i32
        %dma_wait3A_15 = tpu.memref_slice %arg9[%add3A_9, %dma_wait3A] : memref<35x125xi32, #tpu.memory_space<vmem>> -> memref<1x125xi32, #tpu.memory_space<vmem>>
        %dma_wait3A_16 = tpu.memref_squeeze %dma_wait3A_15 : memref<1x125xi32, #tpu.memory_space<vmem>> -> memref<125xi32, #tpu.memory_space<vmem>>
        %dma_wait3A_17 = arith.constant 0 : i32
        %dma_wait3A_18 = arith.constant 0 : i32
        %dma_wait3A_19 = tpu.memref_slice %arg8[%dma_wait3A_17, %dma_wait3A_18] : memref<10240x64xf32, #tpu.memory_space<vmem_shared>> -> memref<10240x64xf32, #tpu.memory_space<vmem_shared>>
        tpu.wait_indirect_dma semaphore(%run_scoped3A : memref<!tpu.dma_semaphore, #tpu.memory_space<semaphore_mem>>) src(%dma_wait3A_19 : memref<10240x64xf32, #tpu.memory_space<vmem_shared>>) dst(%arg11 : memref<125x64xf32, #tpu.memory_space<vmem>>)
        tpu.yield
      }) : () -> ()
      "tpu.region"() ({
        %run_scoped3A = tpu.sem_alloc : memref<!tpu.dma_semaphore, #tpu.memory_space<semaphore_mem>>
        %dma_start3A = arith.constant 0 : i32
        %dma_start3A_10 = tpu.memref_slice %arg10[%add3A_9, %dma_start3A] : memref<35x125xi32, #tpu.memory_space<vmem>> -> memref<1x125xi32, #tpu.memory_space<vmem>>
        %dma_start3A_11 = tpu.memref_squeeze %dma_start3A_10 : memref<1x125xi32, #tpu.memory_space<vmem>> -> memref<125xi32, #tpu.memory_space<vmem>>
        %dma_start3A_12 = arith.constant 0 : i32
        %dma_start3A_13 = arith.constant 0 : i32
        %dma_start3A_14 = tpu.memref_slice %arg7[%dma_start3A_12, %dma_start3A_13] : memref<10240x64xf32, #tpu.memory_space<vmem_shared>> -> memref<10240x64xf32, #tpu.memory_space<vmem_shared>>
        tpu.enqueue_indirect_dma source(%arg11 : memref<125x64xf32, #tpu.memory_space<vmem>>) target(%dma_start3A_14 : memref<10240x64xf32, #tpu.memory_space<vmem_shared>>) offsets(%dma_start3A_11 : memref<125xi32, #tpu.memory_space<vmem>>) semaphore(%run_scoped3A : memref<!tpu.dma_semaphore, #tpu.memory_space<semaphore_mem>>) {add = true}
        %dma_wait3A = arith.constant 0 : i32
        %dma_wait3A_15 = tpu.memref_slice %arg10[%add3A_9, %dma_wait3A] : memref<35x125xi32, #tpu.memory_space<vmem>> -> memref<1x125xi32, #tpu.memory_space<vmem>>
        %dma_wait3A_16 = tpu.memref_squeeze %dma_wait3A_15 : memref<1x125xi32, #tpu.memory_space<vmem>> -> memref<125xi32, #tpu.memory_space<vmem>>
        %dma_wait3A_17 = arith.constant 0 : i32
        %dma_wait3A_18 = arith.constant 0 : i32
        %dma_wait3A_19 = tpu.memref_slice %arg7[%dma_wait3A_17, %dma_wait3A_18] : memref<10240x64xf32, #tpu.memory_space<vmem_shared>> -> memref<10240x64xf32, #tpu.memory_space<vmem_shared>>
        tpu.wait_indirect_dma semaphore(%run_scoped3A : memref<!tpu.dma_semaphore, #tpu.memory_space<semaphore_mem>>) src(%arg11 : memref<125x64xf32, #tpu.memory_space<vmem>>) dst(%dma_wait3A_19 : memref<10240x64xf32, #tpu.memory_space<vmem_shared>>)
        tpu.yield
      }) : () -> ()
    }
    %scan3A_4 = arith.constant 35 : i32
    %barrier3A_5 = arith.constant 0 : index
    tpu.barrier barrier_id(%barrier3A_5)
    "tpu.region"() ({
      %run_scoped3A = tpu.sem_alloc : memref<!tpu.dma_semaphore, #tpu.memory_space<semaphore_mem>>
      %dma_start3A = arith.constant 0 : i32
      %dma_start3A_6 = tpu.memref_slice %arg6[%arg0, %mul3A_0, %dma_start3A] : memref<2x10240x64xf32, #tpu.memory_space<hbm>> -> memref<1x640x64xf32, #tpu.memory_space<hbm>>
      %dma_start3A_7 = tpu.memref_squeeze %dma_start3A_6 : memref<1x640x64xf32, #tpu.memory_space<hbm>> -> memref<640x64xf32, #tpu.memory_space<hbm>>
      %dma_start3A_8 = arith.constant 0 : i32
      %dma_start3A_9 = tpu.memref_slice %arg7[%mul3A_0, %dma_start3A_8] : memref<10240x64xf32, #tpu.memory_space<vmem_shared>> -> memref<640x64xf32, #tpu.memory_space<vmem_shared>>
      tpu.enqueue_dma source(%dma_start3A_9 : memref<640x64xf32, #tpu.memory_space<vmem_shared>>) target(%dma_start3A_7 : memref<640x64xf32, #tpu.memory_space<hbm>>) target_semaphore(%run_scoped3A : memref<!tpu.dma_semaphore, #tpu.memory_space<semaphore_mem>>)
      %dma_wait3A = arith.constant 0 : i32
      %dma_wait3A_10 = tpu.memref_slice %arg6[%arg0, %mul3A_0, %dma_wait3A] : memref<2x10240x64xf32, #tpu.memory_space<hbm>> -> memref<1x640x64xf32, #tpu.memory_space<hbm>>
      %dma_wait3A_11 = tpu.memref_squeeze %dma_wait3A_10 : memref<1x640x64xf32, #tpu.memory_space<hbm>> -> memref<640x64xf32, #tpu.memory_space<hbm>>
      %dma_wait3A_12 = arith.constant 0 : i32
      %dma_wait3A_13 = tpu.memref_slice %arg7[%mul3A_0, %dma_wait3A_12] : memref<10240x64xf32, #tpu.memory_space<vmem_shared>> -> memref<640x64xf32, #tpu.memory_space<vmem_shared>>
      tpu.wait_dma2 semaphore(%run_scoped3A : memref<!tpu.dma_semaphore, #tpu.memory_space<semaphore_mem>>) src(%dma_wait3A_13 : memref<640x64xf32, #tpu.memory_space<vmem_shared>>) dst(%dma_wait3A_11 : memref<640x64xf32, #tpu.memory_space<hbm>>)
      tpu.yield
    }) : () -> ()
    return
  }
}

#map = affine_map<(d0, d1) -> (0, 0, 0, 0)>
#map1 = affine_map<(d0, d1) -> (0, 0)>
#map2 = affine_map<(d0, d1) -> (0, 0, 0)>
module attributes {stable_mosaic.version = 14 : i64} {
  func.func @_deg_kernel(%arg0: i32, %arg1: i32, %arg2: memref<2x16x35x125xi32, #tpu.memory_space<hbm>>, %arg3: memref<125x16xf32, #tpu.memory_space<hbm>>, %arg4: memref<10240x16xf32, #tpu.memory_space<hbm>>, %arg5: memref<2x10240x16xf32, #tpu.memory_space<hbm>>, %arg6: memref<10240x16xf32, #tpu.memory_space<vmem_shared>>, %arg7: memref<35x125xi32, #tpu.memory_space<vmem>>, %arg8: memref<125x16xf32, #tpu.memory_space<vmem>>) attributes {dimension_semantics = [#tpu.dimension_semantics<core_parallel>, #tpu.dimension_semantics<subcore_parallel>], iteration_bounds = array<i64: 2, 16>, scalar_prefetch = 0 : i64, scratch_operands = 3 : i64, tpu.core_type = #tpu.core_type<sc_vector_subcore>, window_params = [{transform_indices = #map}, {transform_indices = #map1}, {transform_indices = #map1}, {transform_indices = #map2}]} {
    %mul3A = arith.constant 640 : i32
    %mul3A_0 = arith.muli %arg1, %mul3A : i32
    "tpu.region"() ({
      %run_scoped3A = tpu.sem_alloc : memref<!tpu.dma_semaphore, #tpu.memory_space<semaphore_mem>>
      %dma_start3A = arith.constant 0 : i32
      %dma_start3A_6 = tpu.memref_slice %arg6[%mul3A_0, %dma_start3A] : memref<10240x16xf32, #tpu.memory_space<vmem_shared>> -> memref<640x16xf32, #tpu.memory_space<vmem_shared>>
      %dma_start3A_7 = arith.constant 0 : i32
      %dma_start3A_8 = tpu.memref_slice %arg4[%mul3A_0, %dma_start3A_7] : memref<10240x16xf32, #tpu.memory_space<hbm>> -> memref<640x16xf32, #tpu.memory_space<hbm>>
      tpu.enqueue_dma source(%dma_start3A_8 : memref<640x16xf32, #tpu.memory_space<hbm>>) target(%dma_start3A_6 : memref<640x16xf32, #tpu.memory_space<vmem_shared>>) target_semaphore(%run_scoped3A : memref<!tpu.dma_semaphore, #tpu.memory_space<semaphore_mem>>)
      %dma_wait3A = arith.constant 0 : i32
      %dma_wait3A_9 = tpu.memref_slice %arg6[%mul3A_0, %dma_wait3A] : memref<10240x16xf32, #tpu.memory_space<vmem_shared>> -> memref<640x16xf32, #tpu.memory_space<vmem_shared>>
      %dma_wait3A_10 = arith.constant 0 : i32
      %dma_wait3A_11 = tpu.memref_slice %arg4[%mul3A_0, %dma_wait3A_10] : memref<10240x16xf32, #tpu.memory_space<hbm>> -> memref<640x16xf32, #tpu.memory_space<hbm>>
      tpu.wait_dma2 semaphore(%run_scoped3A : memref<!tpu.dma_semaphore, #tpu.memory_space<semaphore_mem>>) src(%dma_wait3A_11 : memref<640x16xf32, #tpu.memory_space<hbm>>) dst(%dma_wait3A_9 : memref<640x16xf32, #tpu.memory_space<vmem_shared>>)
      tpu.yield
    }) : () -> ()
    "tpu.region"() ({
      %run_scoped3A = tpu.sem_alloc : memref<!tpu.dma_semaphore, #tpu.memory_space<semaphore_mem>>
      %dma_start3A = arith.constant 0 : i32
      %dma_start3A_6 = arith.constant 0 : i32
      %dma_start3A_7 = tpu.memref_slice %arg2[%arg0, %arg1, %dma_start3A, %dma_start3A_6] : memref<2x16x35x125xi32, #tpu.memory_space<hbm>> -> memref<1x1x35x125xi32, #tpu.memory_space<hbm>>
      %dma_start3A_8 = tpu.memref_squeeze %dma_start3A_7 : memref<1x1x35x125xi32, #tpu.memory_space<hbm>> -> memref<35x125xi32, #tpu.memory_space<hbm>>
      %dma_start3A_9 = arith.constant 0 : i32
      %dma_start3A_10 = arith.constant 0 : i32
      %dma_start3A_11 = tpu.memref_slice %arg2[%arg0, %arg1, %dma_start3A_9, %dma_start3A_10] : memref<2x16x35x125xi32, #tpu.memory_space<hbm>> -> memref<1x1x35x125xi32, #tpu.memory_space<hbm>>
      %dma_start3A_12 = tpu.memref_squeeze %dma_start3A_11 : memref<1x1x35x125xi32, #tpu.memory_space<hbm>> -> memref<35x125xi32, #tpu.memory_space<hbm>>
      tpu.enqueue_dma source(%dma_start3A_12 : memref<35x125xi32, #tpu.memory_space<hbm>>) target(%arg7 : memref<35x125xi32, #tpu.memory_space<vmem>>) target_semaphore(%run_scoped3A : memref<!tpu.dma_semaphore, #tpu.memory_space<semaphore_mem>>)
      %dma_wait3A = arith.constant 0 : i32
      %dma_wait3A_13 = arith.constant 0 : i32
      %dma_wait3A_14 = tpu.memref_slice %arg2[%arg0, %arg1, %dma_wait3A, %dma_wait3A_13] : memref<2x16x35x125xi32, #tpu.memory_space<hbm>> -> memref<1x1x35x125xi32, #tpu.memory_space<hbm>>
      %dma_wait3A_15 = tpu.memref_squeeze %dma_wait3A_14 : memref<1x1x35x125xi32, #tpu.memory_space<hbm>> -> memref<35x125xi32, #tpu.memory_space<hbm>>
      %dma_wait3A_16 = arith.constant 0 : i32
      %dma_wait3A_17 = arith.constant 0 : i32
      %dma_wait3A_18 = tpu.memref_slice %arg2[%arg0, %arg1, %dma_wait3A_16, %dma_wait3A_17] : memref<2x16x35x125xi32, #tpu.memory_space<hbm>> -> memref<1x1x35x125xi32, #tpu.memory_space<hbm>>
      %dma_wait3A_19 = tpu.memref_squeeze %dma_wait3A_18 : memref<1x1x35x125xi32, #tpu.memory_space<hbm>> -> memref<35x125xi32, #tpu.memory_space<hbm>>
      tpu.wait_dma2 semaphore(%run_scoped3A : memref<!tpu.dma_semaphore, #tpu.memory_space<semaphore_mem>>) src(%dma_wait3A_19 : memref<35x125xi32, #tpu.memory_space<hbm>>) dst(%arg7 : memref<35x125xi32, #tpu.memory_space<vmem>>)
      tpu.yield
    }) : () -> ()
    "tpu.region"() ({
      %run_scoped3A = tpu.sem_alloc : memref<!tpu.dma_semaphore, #tpu.memory_space<semaphore_mem>>
      tpu.enqueue_dma source(%arg3 : memref<125x16xf32, #tpu.memory_space<hbm>>) target(%arg8 : memref<125x16xf32, #tpu.memory_space<vmem>>) target_semaphore(%run_scoped3A : memref<!tpu.dma_semaphore, #tpu.memory_space<semaphore_mem>>)
      tpu.wait_dma2 semaphore(%run_scoped3A : memref<!tpu.dma_semaphore, #tpu.memory_space<semaphore_mem>>) src(%arg3 : memref<125x16xf32, #tpu.memory_space<hbm>>) dst(%arg8 : memref<125x16xf32, #tpu.memory_space<vmem>>)
      tpu.yield
    }) : () -> ()
    %barrier3A = arith.constant 0 : index
    tpu.barrier barrier_id(%barrier3A)
    %scan3A = arith.constant 0 : i32
    %scan3A_1 = arith.constant 35 : i32
    %scan3A_2 = arith.addi %scan3A, %scan3A_1 : i32
    %scan3A_3 = arith.constant 1 : i32
    scf.for %scan3A_6 = %scan3A to %scan3A_2 step %scan3A_3  : i32 {
      %mul3A_7 = arith.constant 1 : i32
      %mul3A_8 = arith.muli %scan3A_6, %mul3A_7 : i32
      %add3A = arith.constant 0 : i32
      %add3A_9 = arith.addi %add3A, %mul3A_8 : i32
      "tpu.region"() ({
        %run_scoped3A = tpu.sem_alloc : memref<!tpu.dma_semaphore, #tpu.memory_space<semaphore_mem>>
        %dma_start3A = arith.constant 0 : i32
        %dma_start3A_10 = tpu.memref_slice %arg7[%add3A_9, %dma_start3A] : memref<35x125xi32, #tpu.memory_space<vmem>> -> memref<1x125xi32, #tpu.memory_space<vmem>>
        %dma_start3A_11 = tpu.memref_squeeze %dma_start3A_10 : memref<1x125xi32, #tpu.memory_space<vmem>> -> memref<125xi32, #tpu.memory_space<vmem>>
        %dma_start3A_12 = arith.constant 0 : i32
        %dma_start3A_13 = arith.constant 0 : i32
        %dma_start3A_14 = tpu.memref_slice %arg6[%dma_start3A_12, %dma_start3A_13] : memref<10240x16xf32, #tpu.memory_space<vmem_shared>> -> memref<10240x16xf32, #tpu.memory_space<vmem_shared>>
        tpu.enqueue_indirect_dma source(%arg8 : memref<125x16xf32, #tpu.memory_space<vmem>>) target(%dma_start3A_14 : memref<10240x16xf32, #tpu.memory_space<vmem_shared>>) offsets(%dma_start3A_11 : memref<125xi32, #tpu.memory_space<vmem>>) semaphore(%run_scoped3A : memref<!tpu.dma_semaphore, #tpu.memory_space<semaphore_mem>>) {add = true}
        %dma_wait3A = arith.constant 0 : i32
        %dma_wait3A_15 = tpu.memref_slice %arg7[%add3A_9, %dma_wait3A] : memref<35x125xi32, #tpu.memory_space<vmem>> -> memref<1x125xi32, #tpu.memory_space<vmem>>
        %dma_wait3A_16 = tpu.memref_squeeze %dma_wait3A_15 : memref<1x125xi32, #tpu.memory_space<vmem>> -> memref<125xi32, #tpu.memory_space<vmem>>
        %dma_wait3A_17 = arith.constant 0 : i32
        %dma_wait3A_18 = arith.constant 0 : i32
        %dma_wait3A_19 = tpu.memref_slice %arg6[%dma_wait3A_17, %dma_wait3A_18] : memref<10240x16xf32, #tpu.memory_space<vmem_shared>> -> memref<10240x16xf32, #tpu.memory_space<vmem_shared>>
        tpu.wait_indirect_dma semaphore(%run_scoped3A : memref<!tpu.dma_semaphore, #tpu.memory_space<semaphore_mem>>) src(%arg8 : memref<125x16xf32, #tpu.memory_space<vmem>>) dst(%dma_wait3A_19 : memref<10240x16xf32, #tpu.memory_space<vmem_shared>>)
        tpu.yield
      }) : () -> ()
    }
    %scan3A_4 = arith.constant 35 : i32
    %barrier3A_5 = arith.constant 0 : index
    tpu.barrier barrier_id(%barrier3A_5)
    "tpu.region"() ({
      %run_scoped3A = tpu.sem_alloc : memref<!tpu.dma_semaphore, #tpu.memory_space<semaphore_mem>>
      %dma_start3A = arith.constant 0 : i32
      %dma_start3A_6 = tpu.memref_slice %arg5[%arg0, %mul3A_0, %dma_start3A] : memref<2x10240x16xf32, #tpu.memory_space<hbm>> -> memref<1x640x16xf32, #tpu.memory_space<hbm>>
      %dma_start3A_7 = tpu.memref_squeeze %dma_start3A_6 : memref<1x640x16xf32, #tpu.memory_space<hbm>> -> memref<640x16xf32, #tpu.memory_space<hbm>>
      %dma_start3A_8 = arith.constant 0 : i32
      %dma_start3A_9 = tpu.memref_slice %arg6[%mul3A_0, %dma_start3A_8] : memref<10240x16xf32, #tpu.memory_space<vmem_shared>> -> memref<640x16xf32, #tpu.memory_space<vmem_shared>>
      tpu.enqueue_dma source(%dma_start3A_9 : memref<640x16xf32, #tpu.memory_space<vmem_shared>>) target(%dma_start3A_7 : memref<640x16xf32, #tpu.memory_space<hbm>>) target_semaphore(%run_scoped3A : memref<!tpu.dma_semaphore, #tpu.memory_space<semaphore_mem>>)
      %dma_wait3A = arith.constant 0 : i32
      %dma_wait3A_10 = tpu.memref_slice %arg5[%arg0, %mul3A_0, %dma_wait3A] : memref<2x10240x16xf32, #tpu.memory_space<hbm>> -> memref<1x640x16xf32, #tpu.memory_space<hbm>>
      %dma_wait3A_11 = tpu.memref_squeeze %dma_wait3A_10 : memref<1x640x16xf32, #tpu.memory_space<hbm>> -> memref<640x16xf32, #tpu.memory_space<hbm>>
      %dma_wait3A_12 = arith.constant 0 : i32
      %dma_wait3A_13 = tpu.memref_slice %arg6[%mul3A_0, %dma_wait3A_12] : memref<10240x16xf32, #tpu.memory_space<vmem_shared>> -> memref<640x16xf32, #tpu.memory_space<vmem_shared>>
      tpu.wait_dma2 semaphore(%run_scoped3A : memref<!tpu.dma_semaphore, #tpu.memory_space<semaphore_mem>>) src(%dma_wait3A_13 : memref<640x16xf32, #tpu.memory_space<vmem_shared>>) dst(%dma_wait3A_11 : memref<640x16xf32, #tpu.memory_space<hbm>>)
      tpu.yield
    }) : () -> ()
    return
  }
}

#map = affine_map<(d0, d1) -> (0, 0)>
#map1 = affine_map<(d0, d1) -> (0, 0, 0, 0)>
#map2 = affine_map<(d0, d1) -> (0, 0, 0)>
module attributes {stable_mosaic.version = 14 : i64} {
  func.func @k(%arg0: i32, %arg1: i32, %arg2: memref<10240x32xf32, #tpu.memory_space<hbm>>, %arg3: memref<2x16x35x125xi32, #tpu.memory_space<hbm>>, %arg4: memref<2x16x35x125xi32, #tpu.memory_space<hbm>>, %arg5: memref<10240x32xf32, #tpu.memory_space<hbm>>, %arg6: memref<2x10240x32xf32, #tpu.memory_space<hbm>>, %arg7: memref<10240x32xf32, #tpu.memory_space<vmem_shared>>, %arg8: memref<10240x32xf32, #tpu.memory_space<vmem_shared>>, %arg9: memref<35x125xi32, #tpu.memory_space<vmem>>, %arg10: memref<35x125xi32, #tpu.memory_space<vmem>>, %arg11: memref<125x32xf32, #tpu.memory_space<vmem>>) attributes {dimension_semantics = [#tpu.dimension_semantics<core_parallel>, #tpu.dimension_semantics<subcore_parallel>], iteration_bounds = array<i64: 2, 16>, scalar_prefetch = 0 : i64, scratch_operands = 5 : i64, tpu.core_type = #tpu.core_type<sc_vector_subcore>, window_params = [{transform_indices = #map}, {transform_indices = #map1}, {transform_indices = #map1}, {transform_indices = #map}, {transform_indices = #map2}]} {
    %mul3A = arith.constant 640 : i32
    %mul3A_0 = arith.muli %arg1, %mul3A : i32
    "tpu.region"() ({
      %run_scoped3A = tpu.sem_alloc : memref<!tpu.dma_semaphore, #tpu.memory_space<semaphore_mem>>
      %dma_start3A = arith.constant 0 : i32
      %dma_start3A_6 = tpu.memref_slice %arg7[%mul3A_0, %dma_start3A] : memref<10240x32xf32, #tpu.memory_space<vmem_shared>> -> memref<640x32xf32, #tpu.memory_space<vmem_shared>>
      %dma_start3A_7 = arith.constant 0 : i32
      %dma_start3A_8 = tpu.memref_slice %arg5[%mul3A_0, %dma_start3A_7] : memref<10240x32xf32, #tpu.memory_space<hbm>> -> memref<640x32xf32, #tpu.memory_space<hbm>>
      tpu.enqueue_dma source(%dma_start3A_8 : memref<640x32xf32, #tpu.memory_space<hbm>>) target(%dma_start3A_6 : memref<640x32xf32, #tpu.memory_space<vmem_shared>>) target_semaphore(%run_scoped3A : memref<!tpu.dma_semaphore, #tpu.memory_space<semaphore_mem>>)
      %dma_wait3A = arith.constant 0 : i32
      %dma_wait3A_9 = tpu.memref_slice %arg7[%mul3A_0, %dma_wait3A] : memref<10240x32xf32, #tpu.memory_space<vmem_shared>> -> memref<640x32xf32, #tpu.memory_space<vmem_shared>>
      %dma_wait3A_10 = arith.constant 0 : i32
      %dma_wait3A_11 = tpu.memref_slice %arg5[%mul3A_0, %dma_wait3A_10] : memref<10240x32xf32, #tpu.memory_space<hbm>> -> memref<640x32xf32, #tpu.memory_space<hbm>>
      tpu.wait_dma2 semaphore(%run_scoped3A : memref<!tpu.dma_semaphore, #tpu.memory_space<semaphore_mem>>) src(%dma_wait3A_11 : memref<640x32xf32, #tpu.memory_space<hbm>>) dst(%dma_wait3A_9 : memref<640x32xf32, #tpu.memory_space<vmem_shared>>)
      tpu.yield
    }) : () -> ()
    "tpu.region"() ({
      %run_scoped3A = tpu.sem_alloc : memref<!tpu.dma_semaphore, #tpu.memory_space<semaphore_mem>>
      %dma_start3A = arith.constant 0 : i32
      %dma_start3A_6 = tpu.memref_slice %arg8[%mul3A_0, %dma_start3A] : memref<10240x32xf32, #tpu.memory_space<vmem_shared>> -> memref<640x32xf32, #tpu.memory_space<vmem_shared>>
      %dma_start3A_7 = arith.constant 0 : i32
      %dma_start3A_8 = tpu.memref_slice %arg2[%mul3A_0, %dma_start3A_7] : memref<10240x32xf32, #tpu.memory_space<hbm>> -> memref<640x32xf32, #tpu.memory_space<hbm>>
      tpu.enqueue_dma source(%dma_start3A_8 : memref<640x32xf32, #tpu.memory_space<hbm>>) target(%dma_start3A_6 : memref<640x32xf32, #tpu.memory_space<vmem_shared>>) target_semaphore(%run_scoped3A : memref<!tpu.dma_semaphore, #tpu.memory_space<semaphore_mem>>)
      %dma_wait3A = arith.constant 0 : i32
      %dma_wait3A_9 = tpu.memref_slice %arg8[%mul3A_0, %dma_wait3A] : memref<10240x32xf32, #tpu.memory_space<vmem_shared>> -> memref<640x32xf32, #tpu.memory_space<vmem_shared>>
      %dma_wait3A_10 = arith.constant 0 : i32
      %dma_wait3A_11 = tpu.memref_slice %arg2[%mul3A_0, %dma_wait3A_10] : memref<10240x32xf32, #tpu.memory_space<hbm>> -> memref<640x32xf32, #tpu.memory_space<hbm>>
      tpu.wait_dma2 semaphore(%run_scoped3A : memref<!tpu.dma_semaphore, #tpu.memory_space<semaphore_mem>>) src(%dma_wait3A_11 : memref<640x32xf32, #tpu.memory_space<hbm>>) dst(%dma_wait3A_9 : memref<640x32xf32, #tpu.memory_space<vmem_shared>>)
      tpu.yield
    }) : () -> ()
    "tpu.region"() ({
      %run_scoped3A = tpu.sem_alloc : memref<!tpu.dma_semaphore, #tpu.memory_space<semaphore_mem>>
      %dma_start3A = arith.constant 0 : i32
      %dma_start3A_6 = arith.constant 0 : i32
      %dma_start3A_7 = tpu.memref_slice %arg3[%arg0, %arg1, %dma_start3A, %dma_start3A_6] : memref<2x16x35x125xi32, #tpu.memory_space<hbm>> -> memref<1x1x35x125xi32, #tpu.memory_space<hbm>>
      %dma_start3A_8 = tpu.memref_squeeze %dma_start3A_7 : memref<1x1x35x125xi32, #tpu.memory_space<hbm>> -> memref<35x125xi32, #tpu.memory_space<hbm>>
      %dma_start3A_9 = arith.constant 0 : i32
      %dma_start3A_10 = arith.constant 0 : i32
      %dma_start3A_11 = tpu.memref_slice %arg3[%arg0, %arg1, %dma_start3A_9, %dma_start3A_10] : memref<2x16x35x125xi32, #tpu.memory_space<hbm>> -> memref<1x1x35x125xi32, #tpu.memory_space<hbm>>
      %dma_start3A_12 = tpu.memref_squeeze %dma_start3A_11 : memref<1x1x35x125xi32, #tpu.memory_space<hbm>> -> memref<35x125xi32, #tpu.memory_space<hbm>>
      tpu.enqueue_dma source(%dma_start3A_12 : memref<35x125xi32, #tpu.memory_space<hbm>>) target(%arg9 : memref<35x125xi32, #tpu.memory_space<vmem>>) target_semaphore(%run_scoped3A : memref<!tpu.dma_semaphore, #tpu.memory_space<semaphore_mem>>)
      %dma_wait3A = arith.constant 0 : i32
      %dma_wait3A_13 = arith.constant 0 : i32
      %dma_wait3A_14 = tpu.memref_slice %arg3[%arg0, %arg1, %dma_wait3A, %dma_wait3A_13] : memref<2x16x35x125xi32, #tpu.memory_space<hbm>> -> memref<1x1x35x125xi32, #tpu.memory_space<hbm>>
      %dma_wait3A_15 = tpu.memref_squeeze %dma_wait3A_14 : memref<1x1x35x125xi32, #tpu.memory_space<hbm>> -> memref<35x125xi32, #tpu.memory_space<hbm>>
      %dma_wait3A_16 = arith.constant 0 : i32
      %dma_wait3A_17 = arith.constant 0 : i32
      %dma_wait3A_18 = tpu.memref_slice %arg3[%arg0, %arg1, %dma_wait3A_16, %dma_wait3A_17] : memref<2x16x35x125xi32, #tpu.memory_space<hbm>> -> memref<1x1x35x125xi32, #tpu.memory_space<hbm>>
      %dma_wait3A_19 = tpu.memref_squeeze %dma_wait3A_18 : memref<1x1x35x125xi32, #tpu.memory_space<hbm>> -> memref<35x125xi32, #tpu.memory_space<hbm>>
      tpu.wait_dma2 semaphore(%run_scoped3A : memref<!tpu.dma_semaphore, #tpu.memory_space<semaphore_mem>>) src(%dma_wait3A_19 : memref<35x125xi32, #tpu.memory_space<hbm>>) dst(%arg9 : memref<35x125xi32, #tpu.memory_space<vmem>>)
      tpu.yield
    }) : () -> ()
    "tpu.region"() ({
      %run_scoped3A = tpu.sem_alloc : memref<!tpu.dma_semaphore, #tpu.memory_space<semaphore_mem>>
      %dma_start3A = arith.constant 0 : i32
      %dma_start3A_6 = arith.constant 0 : i32
      %dma_start3A_7 = tpu.memref_slice %arg4[%arg0, %arg1, %dma_start3A, %dma_start3A_6] : memref<2x16x35x125xi32, #tpu.memory_space<hbm>> -> memref<1x1x35x125xi32, #tpu.memory_space<hbm>>
      %dma_start3A_8 = tpu.memref_squeeze %dma_start3A_7 : memref<1x1x35x125xi32, #tpu.memory_space<hbm>> -> memref<35x125xi32, #tpu.memory_space<hbm>>
      %dma_start3A_9 = arith.constant 0 : i32
      %dma_start3A_10 = arith.constant 0 : i32
      %dma_start3A_11 = tpu.memref_slice %arg4[%arg0, %arg1, %dma_start3A_9, %dma_start3A_10] : memref<2x16x35x125xi32, #tpu.memory_space<hbm>> -> memref<1x1x35x125xi32, #tpu.memory_space<hbm>>
      %dma_start3A_12 = tpu.memref_squeeze %dma_start3A_11 : memref<1x1x35x125xi32, #tpu.memory_space<hbm>> -> memref<35x125xi32, #tpu.memory_space<hbm>>
      tpu.enqueue_dma source(%dma_start3A_12 : memref<35x125xi32, #tpu.memory_space<hbm>>) target(%arg10 : memref<35x125xi32, #tpu.memory_space<vmem>>) target_semaphore(%run_scoped3A : memref<!tpu.dma_semaphore, #tpu.memory_space<semaphore_mem>>)
      %dma_wait3A = arith.constant 0 : i32
      %dma_wait3A_13 = arith.constant 0 : i32
      %dma_wait3A_14 = tpu.memref_slice %arg4[%arg0, %arg1, %dma_wait3A, %dma_wait3A_13] : memref<2x16x35x125xi32, #tpu.memory_space<hbm>> -> memref<1x1x35x125xi32, #tpu.memory_space<hbm>>
      %dma_wait3A_15 = tpu.memref_squeeze %dma_wait3A_14 : memref<1x1x35x125xi32, #tpu.memory_space<hbm>> -> memref<35x125xi32, #tpu.memory_space<hbm>>
      %dma_wait3A_16 = arith.constant 0 : i32
      %dma_wait3A_17 = arith.constant 0 : i32
      %dma_wait3A_18 = tpu.memref_slice %arg4[%arg0, %arg1, %dma_wait3A_16, %dma_wait3A_17] : memref<2x16x35x125xi32, #tpu.memory_space<hbm>> -> memref<1x1x35x125xi32, #tpu.memory_space<hbm>>
      %dma_wait3A_19 = tpu.memref_squeeze %dma_wait3A_18 : memref<1x1x35x125xi32, #tpu.memory_space<hbm>> -> memref<35x125xi32, #tpu.memory_space<hbm>>
      tpu.wait_dma2 semaphore(%run_scoped3A : memref<!tpu.dma_semaphore, #tpu.memory_space<semaphore_mem>>) src(%dma_wait3A_19 : memref<35x125xi32, #tpu.memory_space<hbm>>) dst(%arg10 : memref<35x125xi32, #tpu.memory_space<vmem>>)
      tpu.yield
    }) : () -> ()
    %barrier3A = arith.constant 0 : index
    tpu.barrier barrier_id(%barrier3A)
    %scan3A = arith.constant 0 : i32
    %scan3A_1 = arith.constant 35 : i32
    %scan3A_2 = arith.addi %scan3A, %scan3A_1 : i32
    %scan3A_3 = arith.constant 1 : i32
    scf.for %scan3A_6 = %scan3A to %scan3A_2 step %scan3A_3  : i32 {
      %mul3A_7 = arith.constant 1 : i32
      %mul3A_8 = arith.muli %scan3A_6, %mul3A_7 : i32
      %add3A = arith.constant 0 : i32
      %add3A_9 = arith.addi %add3A, %mul3A_8 : i32
      "tpu.region"() ({
        %run_scoped3A = tpu.sem_alloc : memref<!tpu.dma_semaphore, #tpu.memory_space<semaphore_mem>>
        %dma_start3A = arith.constant 0 : i32
        %dma_start3A_10 = tpu.memref_slice %arg9[%add3A_9, %dma_start3A] : memref<35x125xi32, #tpu.memory_space<vmem>> -> memref<1x125xi32, #tpu.memory_space<vmem>>
        %dma_start3A_11 = tpu.memref_squeeze %dma_start3A_10 : memref<1x125xi32, #tpu.memory_space<vmem>> -> memref<125xi32, #tpu.memory_space<vmem>>
        %dma_start3A_12 = arith.constant 0 : i32
        %dma_start3A_13 = arith.constant 0 : i32
        %dma_start3A_14 = tpu.memref_slice %arg8[%dma_start3A_12, %dma_start3A_13] : memref<10240x32xf32, #tpu.memory_space<vmem_shared>> -> memref<10240x32xf32, #tpu.memory_space<vmem_shared>>
        tpu.enqueue_indirect_dma source(%dma_start3A_14 : memref<10240x32xf32, #tpu.memory_space<vmem_shared>>) target(%arg11 : memref<125x32xf32, #tpu.memory_space<vmem>>) offsets(%dma_start3A_11 : memref<125xi32, #tpu.memory_space<vmem>>) semaphore(%run_scoped3A : memref<!tpu.dma_semaphore, #tpu.memory_space<semaphore_mem>>)
        %dma_wait3A = arith.constant 0 : i32
        %dma_wait3A_15 = tpu.memref_slice %arg9[%add3A_9, %dma_wait3A] : memref<35x125xi32, #tpu.memory_space<vmem>> -> memref<1x125xi32, #tpu.memory_space<vmem>>
        %dma_wait3A_16 = tpu.memref_squeeze %dma_wait3A_15 : memref<1x125xi32, #tpu.memory_space<vmem>> -> memref<125xi32, #tpu.memory_space<vmem>>
        %dma_wait3A_17 = arith.constant 0 : i32
        %dma_wait3A_18 = arith.constant 0 : i32
        %dma_wait3A_19 = tpu.memref_slice %arg8[%dma_wait3A_17, %dma_wait3A_18] : memref<10240x32xf32, #tpu.memory_space<vmem_shared>> -> memref<10240x32xf32, #tpu.memory_space<vmem_shared>>
        tpu.wait_indirect_dma semaphore(%run_scoped3A : memref<!tpu.dma_semaphore, #tpu.memory_space<semaphore_mem>>) src(%dma_wait3A_19 : memref<10240x32xf32, #tpu.memory_space<vmem_shared>>) dst(%arg11 : memref<125x32xf32, #tpu.memory_space<vmem>>)
        tpu.yield
      }) : () -> ()
      "tpu.region"() ({
        %run_scoped3A = tpu.sem_alloc : memref<!tpu.dma_semaphore, #tpu.memory_space<semaphore_mem>>
        %dma_start3A = arith.constant 0 : i32
        %dma_start3A_10 = tpu.memref_slice %arg10[%add3A_9, %dma_start3A] : memref<35x125xi32, #tpu.memory_space<vmem>> -> memref<1x125xi32, #tpu.memory_space<vmem>>
        %dma_start3A_11 = tpu.memref_squeeze %dma_start3A_10 : memref<1x125xi32, #tpu.memory_space<vmem>> -> memref<125xi32, #tpu.memory_space<vmem>>
        %dma_start3A_12 = arith.constant 0 : i32
        %dma_start3A_13 = arith.constant 0 : i32
        %dma_start3A_14 = tpu.memref_slice %arg7[%dma_start3A_12, %dma_start3A_13] : memref<10240x32xf32, #tpu.memory_space<vmem_shared>> -> memref<10240x32xf32, #tpu.memory_space<vmem_shared>>
        tpu.enqueue_indirect_dma source(%arg11 : memref<125x32xf32, #tpu.memory_space<vmem>>) target(%dma_start3A_14 : memref<10240x32xf32, #tpu.memory_space<vmem_shared>>) offsets(%dma_start3A_11 : memref<125xi32, #tpu.memory_space<vmem>>) semaphore(%run_scoped3A : memref<!tpu.dma_semaphore, #tpu.memory_space<semaphore_mem>>) {add = true}
        %dma_wait3A = arith.constant 0 : i32
        %dma_wait3A_15 = tpu.memref_slice %arg10[%add3A_9, %dma_wait3A] : memref<35x125xi32, #tpu.memory_space<vmem>> -> memref<1x125xi32, #tpu.memory_space<vmem>>
        %dma_wait3A_16 = tpu.memref_squeeze %dma_wait3A_15 : memref<1x125xi32, #tpu.memory_space<vmem>> -> memref<125xi32, #tpu.memory_space<vmem>>
        %dma_wait3A_17 = arith.constant 0 : i32
        %dma_wait3A_18 = arith.constant 0 : i32
        %dma_wait3A_19 = tpu.memref_slice %arg7[%dma_wait3A_17, %dma_wait3A_18] : memref<10240x32xf32, #tpu.memory_space<vmem_shared>> -> memref<10240x32xf32, #tpu.memory_space<vmem_shared>>
        tpu.wait_indirect_dma semaphore(%run_scoped3A : memref<!tpu.dma_semaphore, #tpu.memory_space<semaphore_mem>>) src(%arg11 : memref<125x32xf32, #tpu.memory_space<vmem>>) dst(%dma_wait3A_19 : memref<10240x32xf32, #tpu.memory_space<vmem_shared>>)
        tpu.yield
      }) : () -> ()
    }
    %scan3A_4 = arith.constant 35 : i32
    %barrier3A_5 = arith.constant 0 : index
    tpu.barrier barrier_id(%barrier3A_5)
    "tpu.region"() ({
      %run_scoped3A = tpu.sem_alloc : memref<!tpu.dma_semaphore, #tpu.memory_space<semaphore_mem>>
      %dma_start3A = arith.constant 0 : i32
      %dma_start3A_6 = tpu.memref_slice %arg6[%arg0, %mul3A_0, %dma_start3A] : memref<2x10240x32xf32, #tpu.memory_space<hbm>> -> memref<1x640x32xf32, #tpu.memory_space<hbm>>
      %dma_start3A_7 = tpu.memref_squeeze %dma_start3A_6 : memref<1x640x32xf32, #tpu.memory_space<hbm>> -> memref<640x32xf32, #tpu.memory_space<hbm>>
      %dma_start3A_8 = arith.constant 0 : i32
      %dma_start3A_9 = tpu.memref_slice %arg7[%mul3A_0, %dma_start3A_8] : memref<10240x32xf32, #tpu.memory_space<vmem_shared>> -> memref<640x32xf32, #tpu.memory_space<vmem_shared>>
      tpu.enqueue_dma source(%dma_start3A_9 : memref<640x32xf32, #tpu.memory_space<vmem_shared>>) target(%dma_start3A_7 : memref<640x32xf32, #tpu.memory_space<hbm>>) target_semaphore(%run_scoped3A : memref<!tpu.dma_semaphore, #tpu.memory_space<semaphore_mem>>)
      %dma_wait3A = arith.constant 0 : i32
      %dma_wait3A_10 = tpu.memref_slice %arg6[%arg0, %mul3A_0, %dma_wait3A] : memref<2x10240x32xf32, #tpu.memory_space<hbm>> -> memref<1x640x32xf32, #tpu.memory_space<hbm>>
      %dma_wait3A_11 = tpu.memref_squeeze %dma_wait3A_10 : memref<1x640x32xf32, #tpu.memory_space<hbm>> -> memref<640x32xf32, #tpu.memory_space<hbm>>
      %dma_wait3A_12 = arith.constant 0 : i32
      %dma_wait3A_13 = tpu.memref_slice %arg7[%mul3A_0, %dma_wait3A_12] : memref<10240x32xf32, #tpu.memory_space<vmem_shared>> -> memref<640x32xf32, #tpu.memory_space<vmem_shared>>
      tpu.wait_dma2 semaphore(%run_scoped3A : memref<!tpu.dma_semaphore, #tpu.memory_space<semaphore_mem>>) src(%dma_wait3A_13 : memref<640x32xf32, #tpu.memory_space<vmem_shared>>) dst(%dma_wait3A_11 : memref<640x32xf32, #tpu.memory_space<hbm>>)
      tpu.yield
    }) : () -> ()
    return
  }
}

#map = affine_map<(d0, d1) -> (0, 0)>
#map1 = affine_map<(d0, d1) -> (0, 0, 0, 0)>
#map2 = affine_map<(d0, d1) -> (0, 0, 0)>
module attributes {stable_mosaic.version = 14 : i64} {
  func.func @_agg_kernel(%arg0: i32, %arg1: i32, %arg2: memref<10240x176xf32, #tpu.memory_space<hbm>>, %arg3: memref<2x16x5x64xi32, #tpu.memory_space<hbm>>, %arg4: memref<64x16xf32, #tpu.memory_space<hbm>>, %arg5: memref<96x176xf32, #tpu.memory_space<hbm>>, %arg6: memref<96x16xf32, #tpu.memory_space<hbm>>, %arg7: memref<2x96x176xf32, #tpu.memory_space<hbm>>, %arg8: memref<2x96x16xf32, #tpu.memory_space<hbm>>, %arg9: memref<96x176xf32, #tpu.memory_space<vmem_shared>>, %arg10: memref<96x16xf32, #tpu.memory_space<vmem_shared>>, %arg11: memref<5x64xi32, #tpu.memory_space<vmem>>, %arg12: memref<64x176xf32, #tpu.memory_space<vmem>>, %arg13: memref<64x16xf32, #tpu.memory_space<vmem>>) attributes {dimension_semantics = [#tpu.dimension_semantics<core_parallel>, #tpu.dimension_semantics<subcore_parallel>], iteration_bounds = array<i64: 2, 16>, scalar_prefetch = 0 : i64, scratch_operands = 5 : i64, tpu.core_type = #tpu.core_type<sc_vector_subcore>, window_params = [{transform_indices = #map}, {transform_indices = #map1}, {transform_indices = #map}, {transform_indices = #map}, {transform_indices = #map}, {transform_indices = #map2}, {transform_indices = #map2}]} {
    %mul3A = arith.constant 16 : i32
    %mul3A_0 = arith.muli %arg0, %mul3A : i32
    %add3A = arith.addi %mul3A_0, %arg1 : i32
    %mul3A_1 = arith.constant 6 : i32
    %mul3A_2 = arith.muli %arg1, %mul3A_1 : i32
    "tpu.region"() ({
      %run_scoped3A = tpu.sem_alloc : memref<!tpu.dma_semaphore, #tpu.memory_space<semaphore_mem>>
      %dma_start3A = arith.constant 0 : i32
      %dma_start3A_8 = tpu.memref_slice %arg9[%mul3A_2, %dma_start3A] : memref<96x176xf32, #tpu.memory_space<vmem_shared>> -> memref<6x176xf32, #tpu.memory_space<vmem_shared>>
      %dma_start3A_9 = arith.constant 0 : i32
      %dma_start3A_10 = tpu.memref_slice %arg5[%mul3A_2, %dma_start3A_9] : memref<96x176xf32, #tpu.memory_space<hbm>> -> memref<6x176xf32, #tpu.memory_space<hbm>>
      tpu.enqueue_dma source(%dma_start3A_10 : memref<6x176xf32, #tpu.memory_space<hbm>>) target(%dma_start3A_8 : memref<6x176xf32, #tpu.memory_space<vmem_shared>>) target_semaphore(%run_scoped3A : memref<!tpu.dma_semaphore, #tpu.memory_space<semaphore_mem>>)
      %dma_wait3A = arith.constant 0 : i32
      %dma_wait3A_11 = tpu.memref_slice %arg9[%mul3A_2, %dma_wait3A] : memref<96x176xf32, #tpu.memory_space<vmem_shared>> -> memref<6x176xf32, #tpu.memory_space<vmem_shared>>
      %dma_wait3A_12 = arith.constant 0 : i32
      %dma_wait3A_13 = tpu.memref_slice %arg5[%mul3A_2, %dma_wait3A_12] : memref<96x176xf32, #tpu.memory_space<hbm>> -> memref<6x176xf32, #tpu.memory_space<hbm>>
      tpu.wait_dma2 semaphore(%run_scoped3A : memref<!tpu.dma_semaphore, #tpu.memory_space<semaphore_mem>>) src(%dma_wait3A_13 : memref<6x176xf32, #tpu.memory_space<hbm>>) dst(%dma_wait3A_11 : memref<6x176xf32, #tpu.memory_space<vmem_shared>>)
      tpu.yield
    }) : () -> ()
    "tpu.region"() ({
      %run_scoped3A = tpu.sem_alloc : memref<!tpu.dma_semaphore, #tpu.memory_space<semaphore_mem>>
      %dma_start3A = arith.constant 0 : i32
      %dma_start3A_8 = tpu.memref_slice %arg10[%mul3A_2, %dma_start3A] : memref<96x16xf32, #tpu.memory_space<vmem_shared>> -> memref<6x16xf32, #tpu.memory_space<vmem_shared>>
      %dma_start3A_9 = arith.constant 0 : i32
      %dma_start3A_10 = tpu.memref_slice %arg6[%mul3A_2, %dma_start3A_9] : memref<96x16xf32, #tpu.memory_space<hbm>> -> memref<6x16xf32, #tpu.memory_space<hbm>>
      tpu.enqueue_dma source(%dma_start3A_10 : memref<6x16xf32, #tpu.memory_space<hbm>>) target(%dma_start3A_8 : memref<6x16xf32, #tpu.memory_space<vmem_shared>>) target_semaphore(%run_scoped3A : memref<!tpu.dma_semaphore, #tpu.memory_space<semaphore_mem>>)
      %dma_wait3A = arith.constant 0 : i32
      %dma_wait3A_11 = tpu.memref_slice %arg10[%mul3A_2, %dma_wait3A] : memref<96x16xf32, #tpu.memory_space<vmem_shared>> -> memref<6x16xf32, #tpu.memory_space<vmem_shared>>
      %dma_wait3A_12 = arith.constant 0 : i32
      %dma_wait3A_13 = tpu.memref_slice %arg6[%mul3A_2, %dma_wait3A_12] : memref<96x16xf32, #tpu.memory_space<hbm>> -> memref<6x16xf32, #tpu.memory_space<hbm>>
      tpu.wait_dma2 semaphore(%run_scoped3A : memref<!tpu.dma_semaphore, #tpu.memory_space<semaphore_mem>>) src(%dma_wait3A_13 : memref<6x16xf32, #tpu.memory_space<hbm>>) dst(%dma_wait3A_11 : memref<6x16xf32, #tpu.memory_space<vmem_shared>>)
      tpu.yield
    }) : () -> ()
    "tpu.region"() ({
      %run_scoped3A = tpu.sem_alloc : memref<!tpu.dma_semaphore, #tpu.memory_space<semaphore_mem>>
      %dma_start3A = arith.constant 0 : i32
      %dma_start3A_8 = arith.constant 0 : i32
      %dma_start3A_9 = tpu.memref_slice %arg3[%arg0, %arg1, %dma_start3A, %dma_start3A_8] : memref<2x16x5x64xi32, #tpu.memory_space<hbm>> -> memref<1x1x5x64xi32, #tpu.memory_space<hbm>>
      %dma_start3A_10 = tpu.memref_squeeze %dma_start3A_9 : memref<1x1x5x64xi32, #tpu.memory_space<hbm>> -> memref<5x64xi32, #tpu.memory_space<hbm>>
      %dma_start3A_11 = arith.constant 0 : i32
      %dma_start3A_12 = arith.constant 0 : i32
      %dma_start3A_13 = tpu.memref_slice %arg3[%arg0, %arg1, %dma_start3A_11, %dma_start3A_12] : memref<2x16x5x64xi32, #tpu.memory_space<hbm>> -> memref<1x1x5x64xi32, #tpu.memory_space<hbm>>
      %dma_start3A_14 = tpu.memref_squeeze %dma_start3A_13 : memref<1x1x5x64xi32, #tpu.memory_space<hbm>> -> memref<5x64xi32, #tpu.memory_space<hbm>>
      tpu.enqueue_dma source(%dma_start3A_14 : memref<5x64xi32, #tpu.memory_space<hbm>>) target(%arg11 : memref<5x64xi32, #tpu.memory_space<vmem>>) target_semaphore(%run_scoped3A : memref<!tpu.dma_semaphore, #tpu.memory_space<semaphore_mem>>)
      %dma_wait3A = arith.constant 0 : i32
      %dma_wait3A_15 = arith.constant 0 : i32
      %dma_wait3A_16 = tpu.memref_slice %arg3[%arg0, %arg1, %dma_wait3A, %dma_wait3A_15] : memref<2x16x5x64xi32, #tpu.memory_space<hbm>> -> memref<1x1x5x64xi32, #tpu.memory_space<hbm>>
      %dma_wait3A_17 = tpu.memref_squeeze %dma_wait3A_16 : memref<1x1x5x64xi32, #tpu.memory_space<hbm>> -> memref<5x64xi32, #tpu.memory_space<hbm>>
      %dma_wait3A_18 = arith.constant 0 : i32
      %dma_wait3A_19 = arith.constant 0 : i32
      %dma_wait3A_20 = tpu.memref_slice %arg3[%arg0, %arg1, %dma_wait3A_18, %dma_wait3A_19] : memref<2x16x5x64xi32, #tpu.memory_space<hbm>> -> memref<1x1x5x64xi32, #tpu.memory_space<hbm>>
      %dma_wait3A_21 = tpu.memref_squeeze %dma_wait3A_20 : memref<1x1x5x64xi32, #tpu.memory_space<hbm>> -> memref<5x64xi32, #tpu.memory_space<hbm>>
      tpu.wait_dma2 semaphore(%run_scoped3A : memref<!tpu.dma_semaphore, #tpu.memory_space<semaphore_mem>>) src(%dma_wait3A_21 : memref<5x64xi32, #tpu.memory_space<hbm>>) dst(%arg11 : memref<5x64xi32, #tpu.memory_space<vmem>>)
      tpu.yield
    }) : () -> ()
    "tpu.region"() ({
      %run_scoped3A = tpu.sem_alloc : memref<!tpu.dma_semaphore, #tpu.memory_space<semaphore_mem>>
      tpu.enqueue_dma source(%arg4 : memref<64x16xf32, #tpu.memory_space<hbm>>) target(%arg13 : memref<64x16xf32, #tpu.memory_space<vmem>>) target_semaphore(%run_scoped3A : memref<!tpu.dma_semaphore, #tpu.memory_space<semaphore_mem>>)
      tpu.wait_dma2 semaphore(%run_scoped3A : memref<!tpu.dma_semaphore, #tpu.memory_space<semaphore_mem>>) src(%arg4 : memref<64x16xf32, #tpu.memory_space<hbm>>) dst(%arg13 : memref<64x16xf32, #tpu.memory_space<vmem>>)
      tpu.yield
    }) : () -> ()
    %barrier3A = arith.constant 0 : index
    tpu.barrier barrier_id(%barrier3A)
    %scan3A = arith.constant 0 : i32
    %scan3A_3 = arith.constant 5 : i32
    %scan3A_4 = arith.addi %scan3A, %scan3A_3 : i32
    %scan3A_5 = arith.constant 1 : i32
    scf.for %scan3A_8 = %scan3A to %scan3A_4 step %scan3A_5  : i32 {
      %mul3A_9 = arith.constant 1 : i32
      %mul3A_10 = arith.muli %scan3A_8, %mul3A_9 : i32
      %add3A_11 = arith.constant 0 : i32
      %add3A_12 = arith.addi %add3A_11, %mul3A_10 : i32
      %mul3A_13 = arith.constant 320 : i32
      %mul3A_14 = arith.muli %add3A, %mul3A_13 : i32
      %mul3A_15 = arith.constant 64 : i32
      %mul3A_16 = arith.muli %add3A_12, %mul3A_15 : i32
      %add3A_17 = arith.addi %mul3A_14, %mul3A_16 : i32
      "tpu.region"() ({
        %run_scoped3A = tpu.sem_alloc : memref<!tpu.dma_semaphore, #tpu.memory_space<semaphore_mem>>
        %dma_start3A = arith.constant 0 : i32
        %dma_start3A_18 = tpu.memref_slice %arg2[%add3A_17, %dma_start3A] : memref<10240x176xf32, #tpu.memory_space<hbm>> -> memref<64x176xf32, #tpu.memory_space<hbm>>
        %dma_start3A_19 = arith.constant 0 : i32
        %dma_start3A_20 = tpu.memref_slice %arg2[%add3A_17, %dma_start3A_19] : memref<10240x176xf32, #tpu.memory_space<hbm>> -> memref<64x176xf32, #tpu.memory_space<hbm>>
        tpu.enqueue_dma source(%dma_start3A_20 : memref<64x176xf32, #tpu.memory_space<hbm>>) target(%arg12 : memref<64x176xf32, #tpu.memory_space<vmem>>) target_semaphore(%run_scoped3A : memref<!tpu.dma_semaphore, #tpu.memory_space<semaphore_mem>>)
        %dma_wait3A = arith.constant 0 : i32
        %dma_wait3A_21 = tpu.memref_slice %arg2[%add3A_17, %dma_wait3A] : memref<10240x176xf32, #tpu.memory_space<hbm>> -> memref<64x176xf32, #tpu.memory_space<hbm>>
        %dma_wait3A_22 = arith.constant 0 : i32
        %dma_wait3A_23 = tpu.memref_slice %arg2[%add3A_17, %dma_wait3A_22] : memref<10240x176xf32, #tpu.memory_space<hbm>> -> memref<64x176xf32, #tpu.memory_space<hbm>>
        tpu.wait_dma2 semaphore(%run_scoped3A : memref<!tpu.dma_semaphore, #tpu.memory_space<semaphore_mem>>) src(%dma_wait3A_23 : memref<64x176xf32, #tpu.memory_space<hbm>>) dst(%arg12 : memref<64x176xf32, #tpu.memory_space<vmem>>)
        tpu.yield
      }) : () -> ()
      "tpu.region"() ({
        %run_scoped3A = tpu.sem_alloc : memref<!tpu.dma_semaphore, #tpu.memory_space<semaphore_mem>>
        %dma_start3A = arith.constant 0 : i32
        %dma_start3A_18 = tpu.memref_slice %arg11[%add3A_12, %dma_start3A] : memref<5x64xi32, #tpu.memory_space<vmem>> -> memref<1x64xi32, #tpu.memory_space<vmem>>
        %dma_start3A_19 = tpu.memref_squeeze %dma_start3A_18 : memref<1x64xi32, #tpu.memory_space<vmem>> -> memref<64xi32, #tpu.memory_space<vmem>>
        %dma_start3A_20 = arith.constant 0 : i32
        %dma_start3A_21 = arith.constant 0 : i32
        %dma_start3A_22 = tpu.memref_slice %arg9[%dma_start3A_20, %dma_start3A_21] : memref<96x176xf32, #tpu.memory_space<vmem_shared>> -> memref<96x176xf32, #tpu.memory_space<vmem_shared>>
        tpu.enqueue_indirect_dma source(%arg12 : memref<64x176xf32, #tpu.memory_space<vmem>>) target(%dma_start3A_22 : memref<96x176xf32, #tpu.memory_space<vmem_shared>>) offsets(%dma_start3A_19 : memref<64xi32, #tpu.memory_space<vmem>>) semaphore(%run_scoped3A : memref<!tpu.dma_semaphore, #tpu.memory_space<semaphore_mem>>) {add = true}
        %dma_wait3A = arith.constant 0 : i32
        %dma_wait3A_23 = tpu.memref_slice %arg11[%add3A_12, %dma_wait3A] : memref<5x64xi32, #tpu.memory_space<vmem>> -> memref<1x64xi32, #tpu.memory_space<vmem>>
        %dma_wait3A_24 = tpu.memref_squeeze %dma_wait3A_23 : memref<1x64xi32, #tpu.memory_space<vmem>> -> memref<64xi32, #tpu.memory_space<vmem>>
        %dma_wait3A_25 = arith.constant 0 : i32
        %dma_wait3A_26 = arith.constant 0 : i32
        %dma_wait3A_27 = tpu.memref_slice %arg9[%dma_wait3A_25, %dma_wait3A_26] : memref<96x176xf32, #tpu.memory_space<vmem_shared>> -> memref<96x176xf32, #tpu.memory_space<vmem_shared>>
        tpu.wait_indirect_dma semaphore(%run_scoped3A : memref<!tpu.dma_semaphore, #tpu.memory_space<semaphore_mem>>) src(%arg12 : memref<64x176xf32, #tpu.memory_space<vmem>>) dst(%dma_wait3A_27 : memref<96x176xf32, #tpu.memory_space<vmem_shared>>)
        tpu.yield
      }) : () -> ()
      "tpu.region"() ({
        %run_scoped3A = tpu.sem_alloc : memref<!tpu.dma_semaphore, #tpu.memory_space<semaphore_mem>>
        %dma_start3A = arith.constant 0 : i32
        %dma_start3A_18 = tpu.memref_slice %arg11[%add3A_12, %dma_start3A] : memref<5x64xi32, #tpu.memory_space<vmem>> -> memref<1x64xi32, #tpu.memory_space<vmem>>
        %dma_start3A_19 = tpu.memref_squeeze %dma_start3A_18 : memref<1x64xi32, #tpu.memory_space<vmem>> -> memref<64xi32, #tpu.memory_space<vmem>>
        %dma_start3A_20 = arith.constant 0 : i32
        %dma_start3A_21 = arith.constant 0 : i32
        %dma_start3A_22 = tpu.memref_slice %arg10[%dma_start3A_20, %dma_start3A_21] : memref<96x16xf32, #tpu.memory_space<vmem_shared>> -> memref<96x16xf32, #tpu.memory_space<vmem_shared>>
        tpu.enqueue_indirect_dma source(%arg13 : memref<64x16xf32, #tpu.memory_space<vmem>>) target(%dma_start3A_22 : memref<96x16xf32, #tpu.memory_space<vmem_shared>>) offsets(%dma_start3A_19 : memref<64xi32, #tpu.memory_space<vmem>>) semaphore(%run_scoped3A : memref<!tpu.dma_semaphore, #tpu.memory_space<semaphore_mem>>) {add = true}
        %dma_wait3A = arith.constant 0 : i32
        %dma_wait3A_23 = tpu.memref_slice %arg11[%add3A_12, %dma_wait3A] : memref<5x64xi32, #tpu.memory_space<vmem>> -> memref<1x64xi32, #tpu.memory_space<vmem>>
        %dma_wait3A_24 = tpu.memref_squeeze %dma_wait3A_23 : memref<1x64xi32, #tpu.memory_space<vmem>> -> memref<64xi32, #tpu.memory_space<vmem>>
        %dma_wait3A_25 = arith.constant 0 : i32
        %dma_wait3A_26 = arith.constant 0 : i32
        %dma_wait3A_27 = tpu.memref_slice %arg10[%dma_wait3A_25, %dma_wait3A_26] : memref<96x16xf32, #tpu.memory_space<vmem_shared>> -> memref<96x16xf32, #tpu.memory_space<vmem_shared>>
        tpu.wait_indirect_dma semaphore(%run_scoped3A : memref<!tpu.dma_semaphore, #tpu.memory_space<semaphore_mem>>) src(%arg13 : memref<64x16xf32, #tpu.memory_space<vmem>>) dst(%dma_wait3A_27 : memref<96x16xf32, #tpu.memory_space<vmem_shared>>)
        tpu.yield
      }) : () -> ()
    }
    %scan3A_6 = arith.constant 5 : i32
    %barrier3A_7 = arith.constant 0 : index
    tpu.barrier barrier_id(%barrier3A_7)
    "tpu.region"() ({
      %run_scoped3A = tpu.sem_alloc : memref<!tpu.dma_semaphore, #tpu.memory_space<semaphore_mem>>
      %dma_start3A = arith.constant 0 : i32
      %dma_start3A_8 = tpu.memref_slice %arg7[%arg0, %mul3A_2, %dma_start3A] : memref<2x96x176xf32, #tpu.memory_space<hbm>> -> memref<1x6x176xf32, #tpu.memory_space<hbm>>
      %dma_start3A_9 = tpu.memref_squeeze %dma_start3A_8 : memref<1x6x176xf32, #tpu.memory_space<hbm>> -> memref<6x176xf32, #tpu.memory_space<hbm>>
      %dma_start3A_10 = arith.constant 0 : i32
      %dma_start3A_11 = tpu.memref_slice %arg9[%mul3A_2, %dma_start3A_10] : memref<96x176xf32, #tpu.memory_space<vmem_shared>> -> memref<6x176xf32, #tpu.memory_space<vmem_shared>>
      tpu.enqueue_dma source(%dma_start3A_11 : memref<6x176xf32, #tpu.memory_space<vmem_shared>>) target(%dma_start3A_9 : memref<6x176xf32, #tpu.memory_space<hbm>>) target_semaphore(%run_scoped3A : memref<!tpu.dma_semaphore, #tpu.memory_space<semaphore_mem>>)
      %dma_wait3A = arith.constant 0 : i32
      %dma_wait3A_12 = tpu.memref_slice %arg7[%arg0, %mul3A_2, %dma_wait3A] : memref<2x96x176xf32, #tpu.memory_space<hbm>> -> memref<1x6x176xf32, #tpu.memory_space<hbm>>
      %dma_wait3A_13 = tpu.memref_squeeze %dma_wait3A_12 : memref<1x6x176xf32, #tpu.memory_space<hbm>> -> memref<6x176xf32, #tpu.memory_space<hbm>>
      %dma_wait3A_14 = arith.constant 0 : i32
      %dma_wait3A_15 = tpu.memref_slice %arg9[%mul3A_2, %dma_wait3A_14] : memref<96x176xf32, #tpu.memory_space<vmem_shared>> -> memref<6x176xf32, #tpu.memory_space<vmem_shared>>
      tpu.wait_dma2 semaphore(%run_scoped3A : memref<!tpu.dma_semaphore, #tpu.memory_space<semaphore_mem>>) src(%dma_wait3A_15 : memref<6x176xf32, #tpu.memory_space<vmem_shared>>) dst(%dma_wait3A_13 : memref<6x176xf32, #tpu.memory_space<hbm>>)
      tpu.yield
    }) : () -> ()
    "tpu.region"() ({
      %run_scoped3A = tpu.sem_alloc : memref<!tpu.dma_semaphore, #tpu.memory_space<semaphore_mem>>
      %dma_start3A = arith.constant 0 : i32
      %dma_start3A_8 = tpu.memref_slice %arg8[%arg0, %mul3A_2, %dma_start3A] : memref<2x96x16xf32, #tpu.memory_space<hbm>> -> memref<1x6x16xf32, #tpu.memory_space<hbm>>
      %dma_start3A_9 = tpu.memref_squeeze %dma_start3A_8 : memref<1x6x16xf32, #tpu.memory_space<hbm>> -> memref<6x16xf32, #tpu.memory_space<hbm>>
      %dma_start3A_10 = arith.constant 0 : i32
      %dma_start3A_11 = tpu.memref_slice %arg10[%mul3A_2, %dma_start3A_10] : memref<96x16xf32, #tpu.memory_space<vmem_shared>> -> memref<6x16xf32, #tpu.memory_space<vmem_shared>>
      tpu.enqueue_dma source(%dma_start3A_11 : memref<6x16xf32, #tpu.memory_space<vmem_shared>>) target(%dma_start3A_9 : memref<6x16xf32, #tpu.memory_space<hbm>>) target_semaphore(%run_scoped3A : memref<!tpu.dma_semaphore, #tpu.memory_space<semaphore_mem>>)
      %dma_wait3A = arith.constant 0 : i32
      %dma_wait3A_12 = tpu.memref_slice %arg8[%arg0, %mul3A_2, %dma_wait3A] : memref<2x96x16xf32, #tpu.memory_space<hbm>> -> memref<1x6x16xf32, #tpu.memory_space<hbm>>
      %dma_wait3A_13 = tpu.memref_squeeze %dma_wait3A_12 : memref<1x6x16xf32, #tpu.memory_space<hbm>> -> memref<6x16xf32, #tpu.memory_space<hbm>>
      %dma_wait3A_14 = arith.constant 0 : i32
      %dma_wait3A_15 = tpu.memref_slice %arg10[%mul3A_2, %dma_wait3A_14] : memref<96x16xf32, #tpu.memory_space<vmem_shared>> -> memref<6x16xf32, #tpu.memory_space<vmem_shared>>
      tpu.wait_dma2 semaphore(%run_scoped3A : memref<!tpu.dma_semaphore, #tpu.memory_space<semaphore_mem>>) src(%dma_wait3A_15 : memref<6x16xf32, #tpu.memory_space<vmem_shared>>) dst(%dma_wait3A_13 : memref<6x16xf32, #tpu.memory_space<hbm>>)
      tpu.yield
    }) : () -> ()
    return
  }
}

module attributes {stable_mosaic.version = 14 : i64} {
  func.func @_mm1_body(%arg0: i32, %arg1: memref<1024x557xf32, #tpu.memory_space<vmem>>, %arg2: memref<557x64xf32, #tpu.memory_space<vmem>>, %arg3: memref<557x64xf32, #tpu.memory_space<vmem>>, %arg4: memref<2x1024x16xf32, #tpu.memory_space<vmem>>, %arg5: memref<1024x64xf32, #tpu.memory_space<vmem>>, %arg6: memref<1024x64xf32, #tpu.memory_space<vmem>>) attributes {dimension_semantics = [#tpu.dimension_semantics<arbitrary>], iteration_bounds = array<i64: 10>, scalar_prefetch = 0 : i64, scratch_operands = 0 : i64, tpu.core_type = #tpu.core_type<tc>, window_params = [{transform_indices = @transform_0, window_bounds = array<i64: 1024, 557>}, {pipeline_mode = #tpu.pipeline_mode<synchronous>, transform_indices = @transform_1, window_bounds = array<i64: 557, 64>}, {pipeline_mode = #tpu.pipeline_mode<synchronous>, transform_indices = @transform_2, window_bounds = array<i64: 557, 64>}, {transform_indices = @transform_3, window_bounds = array<i64: 2, 1024, 16>}, {transform_indices = @transform_4, window_bounds = array<i64: 1024, 64>}, {transform_indices = @transform_5, window_bounds = array<i64: 1024, 64>}]} {
    %get3A = arith.constant 0 : index
    %get3A_0 = arith.constant 0 : index
    %get3A_1 = vector.load %arg1[%get3A, %get3A_0] : memref<1024x557xf32, #tpu.memory_space<vmem>>, vector<1024x557xf32>
    %get3A_2 = arith.constant 0 : index
    %get3A_3 = arith.constant 0 : index
    %get3A_4 = arith.constant 0 : index
    %get3A_5 = vector.load %arg4[%get3A_2, %get3A_3, %get3A_4] : memref<2x1024x16xf32, #tpu.memory_space<vmem>>, vector<1x1024x1xf32>
    %get3A_6 = vector.shape_cast %get3A_5 : vector<1x1024x1xf32> to vector<1024x1xf32>
    %get3A_7 = arith.constant 1 : index
    %get3A_8 = arith.constant 0 : index
    %get3A_9 = arith.constant 0 : index
    %get3A_10 = vector.load %arg4[%get3A_7, %get3A_8, %get3A_9] : memref<2x1024x16xf32, #tpu.memory_space<vmem>>, vector<1x1024x1xf32>
    %get3A_11 = vector.shape_cast %get3A_10 : vector<1x1024x1xf32> to vector<1024x1xf32>
    %add3A = arith.addf %get3A_6, %get3A_11 : vector<1024x1xf32>
    %add3A_12 = arith.constant 1.000000e+00 : f32
    %add3A_13 = vector.broadcast %add3A_12 : f32 to vector<1024x1xf32>
    %add3A_14 = arith.addf %add3A, %add3A_13 : vector<1024x1xf32>
    %rsqrt3A = math.rsqrt %add3A_14 : vector<1024x1xf32>
    %get3A_15 = arith.constant 0 : index
    %get3A_16 = arith.constant 0 : index
    %get3A_17 = vector.load %arg2[%get3A_15, %get3A_16] : memref<557x64xf32, #tpu.memory_space<vmem>>, vector<557x64xf32>
    %dot_general3A = arith.constant dense<0.000000e+00> : vector<1024x64xf32>
    %dot_general3A_18 = tpu.matmul %get3A_1, %get3A_17, %dot_general3A {dimension_numbers = #tpu.dot_dimension_numbers<[1], [0], [0], [1], [0, 0, 1, 1], [], []>, transpose_lhs_hint = false} : vector<1024x557xf32>, vector<557x64xf32>, vector<1024x64xf32> -> vector<1024x64xf32>
    %mul3A = vector.broadcast %rsqrt3A : vector<1024x1xf32> to vector<1024x64xf32>
    %mul3A_19 = arith.mulf %mul3A, %dot_general3A_18 : vector<1024x64xf32>
    %swap3A = arith.constant 0 : index
    %swap3A_20 = arith.constant 0 : index
    %swap3A_21 = vector.load %arg5[%swap3A, %swap3A_20] : memref<1024x64xf32, #tpu.memory_space<vmem>>, vector<1024x64xf32>
    tpu.vector_store %arg5[%swap3A, %swap3A_20], %mul3A_19 {strides = array<i32>} : memref<1024x64xf32, #tpu.memory_space<vmem>>, vector<1024x64xf32>,
    %get3A_22 = arith.constant 0 : index
    %get3A_23 = arith.constant 0 : index
    %get3A_24 = vector.load %arg3[%get3A_22, %get3A_23] : memref<557x64xf32, #tpu.memory_space<vmem>>, vector<557x64xf32>
    %dot_general3A_25 = arith.constant dense<0.000000e+00> : vector<1024x64xf32>
    %dot_general3A_26 = tpu.matmul %get3A_1, %get3A_24, %dot_general3A_25 {dimension_numbers = #tpu.dot_dimension_numbers<[1], [0], [0], [1], [0, 0, 1, 1], [], []>, transpose_lhs_hint = false} : vector<1024x557xf32>, vector<557x64xf32>, vector<1024x64xf32> -> vector<1024x64xf32>
    %swap3A_27 = arith.constant 0 : index
    %swap3A_28 = arith.constant 0 : index
    %swap3A_29 = vector.load %arg6[%swap3A_27, %swap3A_28] : memref<1024x64xf32, #tpu.memory_space<vmem>>, vector<1024x64xf32>
    tpu.vector_store %arg6[%swap3A_27, %swap3A_28], %dot_general3A_26 {strides = array<i32>} : memref<1024x64xf32, #tpu.memory_space<vmem>>, vector<1024x64xf32>,
    return
  }
  func.func @transform_0(%arg0: i32) -> (i32, i32) {
    %c0_i32 = arith.constant 0 : i32
    %c0_i32_0 = arith.constant 0 : i32
    return %arg0, %c0_i32 : i32, i32
  }
  func.func @transform_1(%arg0: i32) -> (i32, i32) {
    %c0_i32 = arith.constant 0 : i32
    %c0_i32_0 = arith.constant 0 : i32
    %c0_i32_1 = arith.constant 0 : i32
    return %c0_i32, %c0_i32_0 : i32, i32
  }
  func.func @transform_2(%arg0: i32) -> (i32, i32) {
    %c0_i32 = arith.constant 0 : i32
    %c0_i32_0 = arith.constant 0 : i32
    %c0_i32_1 = arith.constant 0 : i32
    return %c0_i32, %c0_i32_0 : i32, i32
  }
  func.func @transform_3(%arg0: i32) -> (i32, i32, i32) {
    %c0_i32 = arith.constant 0 : i32
    %c0_i32_0 = arith.constant 0 : i32
    %c0_i32_1 = arith.constant 0 : i32
    return %c0_i32, %arg0, %c0_i32_0 : i32, i32, i32
  }
  func.func @transform_4(%arg0: i32) -> (i32, i32) {
    %c0_i32 = arith.constant 0 : i32
    %c0_i32_0 = arith.constant 0 : i32
    return %arg0, %c0_i32 : i32, i32
  }
  func.func @transform_5(%arg0: i32) -> (i32, i32) {
    %c0_i32 = arith.constant 0 : i32
    %c0_i32_0 = arith.constant 0 : i32
    return %arg0, %c0_i32 : i32, i32
  }
}

module attributes {stable_mosaic.version = 14 : i64} {
  func.func @_consume_mm_body(%arg0: i32, %arg1: memref<2x1024x64xf32, #tpu.memory_space<vmem>>, %arg2: memref<1024x64xf32, #tpu.memory_space<vmem>>, %arg3: memref<2x1024x16xf32, #tpu.memory_space<vmem>>, %arg4: memref<1x64xf32, #tpu.memory_space<vmem>>, %arg5: memref<64x32xf32, #tpu.memory_space<vmem>>, %arg6: memref<1024x64xf32, #tpu.memory_space<vmem>>, %arg7: memref<1024x32xf32, #tpu.memory_space<vmem>>) attributes {dimension_semantics = [#tpu.dimension_semantics<arbitrary>], iteration_bounds = array<i64: 10>, scalar_prefetch = 0 : i64, scratch_operands = 0 : i64, tpu.core_type = #tpu.core_type<tc>, window_params = [{transform_indices = @transform_0, window_bounds = array<i64: 2, 1024, 64>}, {transform_indices = @transform_1, window_bounds = array<i64: 1024, 64>}, {transform_indices = @transform_2, window_bounds = array<i64: 2, 1024, 16>}, {pipeline_mode = #tpu.pipeline_mode<synchronous>, transform_indices = @transform_3, window_bounds = array<i64: 1, 64>}, {pipeline_mode = #tpu.pipeline_mode<synchronous>, transform_indices = @transform_4, window_bounds = array<i64: 64, 32>}, {transform_indices = @transform_5, window_bounds = array<i64: 1024, 64>}, {transform_indices = @transform_6, window_bounds = array<i64: 1024, 32>}]} {
    %get3A = arith.constant 0 : index
    %get3A_0 = arith.constant 0 : index
    %get3A_1 = arith.constant 0 : index
    %get3A_2 = vector.load %arg3[%get3A, %get3A_0, %get3A_1] : memref<2x1024x16xf32, #tpu.memory_space<vmem>>, vector<1x1024x1xf32>
    %get3A_3 = vector.shape_cast %get3A_2 : vector<1x1024x1xf32> to vector<1024x1xf32>
    %get3A_4 = arith.constant 1 : index
    %get3A_5 = arith.constant 0 : index
    %get3A_6 = arith.constant 0 : index
    %get3A_7 = vector.load %arg3[%get3A_4, %get3A_5, %get3A_6] : memref<2x1024x16xf32, #tpu.memory_space<vmem>>, vector<1x1024x1xf32>
    %get3A_8 = vector.shape_cast %get3A_7 : vector<1x1024x1xf32> to vector<1024x1xf32>
    %add3A = arith.addf %get3A_3, %get3A_8 : vector<1024x1xf32>
    %add3A_9 = arith.constant 1.000000e+00 : f32
    %add3A_10 = vector.broadcast %add3A_9 : f32 to vector<1024x1xf32>
    %add3A_11 = arith.addf %add3A, %add3A_10 : vector<1024x1xf32>
    %rsqrt3A = math.rsqrt %add3A_11 : vector<1024x1xf32>
    %get3A_12 = arith.constant 0 : index
    %get3A_13 = arith.constant 0 : index
    %get3A_14 = arith.constant 0 : index
    %get3A_15 = vector.load %arg1[%get3A_12, %get3A_13, %get3A_14] : memref<2x1024x64xf32, #tpu.memory_space<vmem>>, vector<1x1024x64xf32>
    %get3A_16 = vector.shape_cast %get3A_15 : vector<1x1024x64xf32> to vector<1024x64xf32>
    %get3A_17 = arith.constant 1 : index
    %get3A_18 = arith.constant 0 : index
    %get3A_19 = arith.constant 0 : index
    %get3A_20 = vector.load %arg1[%get3A_17, %get3A_18, %get3A_19] : memref<2x1024x64xf32, #tpu.memory_space<vmem>>, vector<1x1024x64xf32>
    %get3A_21 = vector.shape_cast %get3A_20 : vector<1x1024x64xf32> to vector<1024x64xf32>
    %add3A_22 = arith.addf %get3A_16, %get3A_21 : vector<1024x64xf32>
    %get3A_23 = arith.constant 0 : index
    %get3A_24 = arith.constant 0 : index
    %get3A_25 = vector.load %arg2[%get3A_23, %get3A_24] : memref<1024x64xf32, #tpu.memory_space<vmem>>, vector<1024x64xf32>
    %add3A_26 = arith.addf %add3A_22, %get3A_25 : vector<1024x64xf32>
    %mul3A = vector.broadcast %rsqrt3A : vector<1024x1xf32> to vector<1024x64xf32>
    %mul3A_27 = arith.mulf %mul3A, %add3A_26 : vector<1024x64xf32>
    %get3A_28 = arith.constant 0 : index
    %get3A_29 = arith.constant 0 : index
    %get3A_30 = vector.load %arg4[%get3A_28, %get3A_29] : memref<1x64xf32, #tpu.memory_space<vmem>>, vector<1x64xf32>
    %add3A_31 = vector.broadcast %get3A_30 : vector<1x64xf32> to vector<1024x64xf32>
    %add3A_32 = arith.addf %mul3A_27, %add3A_31 : vector<1024x64xf32>
    %max3A = arith.constant 0.000000e+00 : f32
    %max3A_33 = vector.broadcast %max3A : f32 to vector<1024x64xf32>
    %max3A_34 = arith.maximumf %add3A_32, %max3A_33 : vector<1024x64xf32>
    %swap3A = arith.constant 0 : index
    %swap3A_35 = arith.constant 0 : index
    %swap3A_36 = vector.load %arg6[%swap3A, %swap3A_35] : memref<1024x64xf32, #tpu.memory_space<vmem>>, vector<1024x64xf32>
    tpu.vector_store %arg6[%swap3A, %swap3A_35], %max3A_34 {strides = array<i32>} : memref<1024x64xf32, #tpu.memory_space<vmem>>, vector<1024x64xf32>,
    %get3A_37 = arith.constant 0 : index
    %get3A_38 = arith.constant 0 : index
    %get3A_39 = vector.load %arg5[%get3A_37, %get3A_38] : memref<64x32xf32, #tpu.memory_space<vmem>>, vector<64x32xf32>
    %dot_general3A = arith.constant dense<0.000000e+00> : vector<1024x32xf32>
    %dot_general3A_40 = tpu.matmul %max3A_34, %get3A_39, %dot_general3A {dimension_numbers = #tpu.dot_dimension_numbers<[1], [0], [0], [1], [0, 0, 1, 1], [], []>, transpose_lhs_hint = false} : vector<1024x64xf32>, vector<64x32xf32>, vector<1024x32xf32> -> vector<1024x32xf32>
    %mul3A_41 = vector.broadcast %rsqrt3A : vector<1024x1xf32> to vector<1024x32xf32>
    %mul3A_42 = arith.mulf %mul3A_41, %dot_general3A_40 : vector<1024x32xf32>
    %swap3A_43 = arith.constant 0 : index
    %swap3A_44 = arith.constant 0 : index
    %swap3A_45 = vector.load %arg7[%swap3A_43, %swap3A_44] : memref<1024x32xf32, #tpu.memory_space<vmem>>, vector<1024x32xf32>
    tpu.vector_store %arg7[%swap3A_43, %swap3A_44], %mul3A_42 {strides = array<i32>} : memref<1024x32xf32, #tpu.memory_space<vmem>>, vector<1024x32xf32>,
    return
  }
  func.func @transform_0(%arg0: i32) -> (i32, i32, i32) {
    %c0_i32 = arith.constant 0 : i32
    %c0_i32_0 = arith.constant 0 : i32
    %c0_i32_1 = arith.constant 0 : i32
    return %c0_i32, %arg0, %c0_i32_0 : i32, i32, i32
  }
  func.func @transform_1(%arg0: i32) -> (i32, i32) {
    %c0_i32 = arith.constant 0 : i32
    %c0_i32_0 = arith.constant 0 : i32
    return %arg0, %c0_i32 : i32, i32
  }
  func.func @transform_2(%arg0: i32) -> (i32, i32, i32) {
    %c0_i32 = arith.constant 0 : i32
    %c0_i32_0 = arith.constant 0 : i32
    %c0_i32_1 = arith.constant 0 : i32
    return %c0_i32, %arg0, %c0_i32_0 : i32, i32, i32
  }
  func.func @transform_3(%arg0: i32) -> (i32, i32) {
    %c0_i32 = arith.constant 0 : i32
    %c0_i32_0 = arith.constant 0 : i32
    %c0_i32_1 = arith.constant 0 : i32
    return %c0_i32, %c0_i32_0 : i32, i32
  }
  func.func @transform_4(%arg0: i32) -> (i32, i32) {
    %c0_i32 = arith.constant 0 : i32
    %c0_i32_0 = arith.constant 0 : i32
    %c0_i32_1 = arith.constant 0 : i32
    return %c0_i32, %c0_i32_0 : i32, i32
  }
  func.func @transform_5(%arg0: i32) -> (i32, i32) {
    %c0_i32 = arith.constant 0 : i32
    %c0_i32_0 = arith.constant 0 : i32
    return %arg0, %c0_i32 : i32, i32
  }
  func.func @transform_6(%arg0: i32) -> (i32, i32) {
    %c0_i32 = arith.constant 0 : i32
    %c0_i32_0 = arith.constant 0 : i32
    return %arg0, %c0_i32 : i32, i32
  }
}

module attributes {stable_mosaic.version = 14 : i64} {
  func.func @_consume_mm_body(%arg0: i32, %arg1: memref<2x1024x32xf32, #tpu.memory_space<vmem>>, %arg2: memref<1024x32xf32, #tpu.memory_space<vmem>>, %arg3: memref<2x1024x16xf32, #tpu.memory_space<vmem>>, %arg4: memref<1x32xf32, #tpu.memory_space<vmem>>, %arg5: memref<32x16xf32, #tpu.memory_space<vmem>>, %arg6: memref<1024x32xf32, #tpu.memory_space<vmem>>, %arg7: memref<1024x16xf32, #tpu.memory_space<vmem>>) attributes {dimension_semantics = [#tpu.dimension_semantics<arbitrary>], iteration_bounds = array<i64: 10>, scalar_prefetch = 0 : i64, scratch_operands = 0 : i64, tpu.core_type = #tpu.core_type<tc>, window_params = [{transform_indices = @transform_0, window_bounds = array<i64: 2, 1024, 32>}, {transform_indices = @transform_1, window_bounds = array<i64: 1024, 32>}, {transform_indices = @transform_2, window_bounds = array<i64: 2, 1024, 16>}, {pipeline_mode = #tpu.pipeline_mode<synchronous>, transform_indices = @transform_3, window_bounds = array<i64: 1, 32>}, {pipeline_mode = #tpu.pipeline_mode<synchronous>, transform_indices = @transform_4, window_bounds = array<i64: 32, 16>}, {transform_indices = @transform_5, window_bounds = array<i64: 1024, 32>}, {transform_indices = @transform_6, window_bounds = array<i64: 1024, 16>}]} {
    %get3A = arith.constant 0 : index
    %get3A_0 = arith.constant 0 : index
    %get3A_1 = arith.constant 0 : index
    %get3A_2 = vector.load %arg3[%get3A, %get3A_0, %get3A_1] : memref<2x1024x16xf32, #tpu.memory_space<vmem>>, vector<1x1024x1xf32>
    %get3A_3 = vector.shape_cast %get3A_2 : vector<1x1024x1xf32> to vector<1024x1xf32>
    %get3A_4 = arith.constant 1 : index
    %get3A_5 = arith.constant 0 : index
    %get3A_6 = arith.constant 0 : index
    %get3A_7 = vector.load %arg3[%get3A_4, %get3A_5, %get3A_6] : memref<2x1024x16xf32, #tpu.memory_space<vmem>>, vector<1x1024x1xf32>
    %get3A_8 = vector.shape_cast %get3A_7 : vector<1x1024x1xf32> to vector<1024x1xf32>
    %add3A = arith.addf %get3A_3, %get3A_8 : vector<1024x1xf32>
    %add3A_9 = arith.constant 1.000000e+00 : f32
    %add3A_10 = vector.broadcast %add3A_9 : f32 to vector<1024x1xf32>
    %add3A_11 = arith.addf %add3A, %add3A_10 : vector<1024x1xf32>
    %rsqrt3A = math.rsqrt %add3A_11 : vector<1024x1xf32>
    %get3A_12 = arith.constant 0 : index
    %get3A_13 = arith.constant 0 : index
    %get3A_14 = arith.constant 0 : index
    %get3A_15 = vector.load %arg1[%get3A_12, %get3A_13, %get3A_14] : memref<2x1024x32xf32, #tpu.memory_space<vmem>>, vector<1x1024x32xf32>
    %get3A_16 = vector.shape_cast %get3A_15 : vector<1x1024x32xf32> to vector<1024x32xf32>
    %get3A_17 = arith.constant 1 : index
    %get3A_18 = arith.constant 0 : index
    %get3A_19 = arith.constant 0 : index
    %get3A_20 = vector.load %arg1[%get3A_17, %get3A_18, %get3A_19] : memref<2x1024x32xf32, #tpu.memory_space<vmem>>, vector<1x1024x32xf32>
    %get3A_21 = vector.shape_cast %get3A_20 : vector<1x1024x32xf32> to vector<1024x32xf32>
    %add3A_22 = arith.addf %get3A_16, %get3A_21 : vector<1024x32xf32>
    %get3A_23 = arith.constant 0 : index
    %get3A_24 = arith.constant 0 : index
    %get3A_25 = vector.load %arg2[%get3A_23, %get3A_24] : memref<1024x32xf32, #tpu.memory_space<vmem>>, vector<1024x32xf32>
    %add3A_26 = arith.addf %add3A_22, %get3A_25 : vector<1024x32xf32>
    %mul3A = vector.broadcast %rsqrt3A : vector<1024x1xf32> to vector<1024x32xf32>
    %mul3A_27 = arith.mulf %mul3A, %add3A_26 : vector<1024x32xf32>
    %get3A_28 = arith.constant 0 : index
    %get3A_29 = arith.constant 0 : index
    %get3A_30 = vector.load %arg4[%get3A_28, %get3A_29] : memref<1x32xf32, #tpu.memory_space<vmem>>, vector<1x32xf32>
    %add3A_31 = vector.broadcast %get3A_30 : vector<1x32xf32> to vector<1024x32xf32>
    %add3A_32 = arith.addf %mul3A_27, %add3A_31 : vector<1024x32xf32>
    %max3A = arith.constant 0.000000e+00 : f32
    %max3A_33 = vector.broadcast %max3A : f32 to vector<1024x32xf32>
    %max3A_34 = arith.maximumf %add3A_32, %max3A_33 : vector<1024x32xf32>
    %swap3A = arith.constant 0 : index
    %swap3A_35 = arith.constant 0 : index
    %swap3A_36 = vector.load %arg6[%swap3A, %swap3A_35] : memref<1024x32xf32, #tpu.memory_space<vmem>>, vector<1024x32xf32>
    tpu.vector_store %arg6[%swap3A, %swap3A_35], %max3A_34 {strides = array<i32>} : memref<1024x32xf32, #tpu.memory_space<vmem>>, vector<1024x32xf32>,
    %get3A_37 = arith.constant 0 : index
    %get3A_38 = arith.constant 0 : index
    %get3A_39 = vector.load %arg5[%get3A_37, %get3A_38] : memref<32x16xf32, #tpu.memory_space<vmem>>, vector<32x16xf32>
    %dot_general3A = arith.constant dense<0.000000e+00> : vector<1024x16xf32>
    %dot_general3A_40 = tpu.matmul %max3A_34, %get3A_39, %dot_general3A {dimension_numbers = #tpu.dot_dimension_numbers<[1], [0], [0], [1], [0, 0, 1, 1], [], []>, transpose_lhs_hint = false} : vector<1024x32xf32>, vector<32x16xf32>, vector<1024x16xf32> -> vector<1024x16xf32>
    %mul3A_41 = vector.broadcast %rsqrt3A : vector<1024x1xf32> to vector<1024x16xf32>
    %mul3A_42 = arith.mulf %mul3A_41, %dot_general3A_40 : vector<1024x16xf32>
    %swap3A_43 = arith.constant 0 : index
    %swap3A_44 = arith.constant 0 : index
    %swap3A_45 = vector.load %arg7[%swap3A_43, %swap3A_44] : memref<1024x16xf32, #tpu.memory_space<vmem>>, vector<1024x16xf32>
    tpu.vector_store %arg7[%swap3A_43, %swap3A_44], %mul3A_42 {strides = array<i32>} : memref<1024x16xf32, #tpu.memory_space<vmem>>, vector<1024x16xf32>,
    return
  }
  func.func @transform_0(%arg0: i32) -> (i32, i32, i32) {
    %c0_i32 = arith.constant 0 : i32
    %c0_i32_0 = arith.constant 0 : i32
    %c0_i32_1 = arith.constant 0 : i32
    return %c0_i32, %arg0, %c0_i32_0 : i32, i32, i32
  }
  func.func @transform_1(%arg0: i32) -> (i32, i32) {
    %c0_i32 = arith.constant 0 : i32
    %c0_i32_0 = arith.constant 0 : i32
    return %arg0, %c0_i32 : i32, i32
  }
  func.func @transform_2(%arg0: i32) -> (i32, i32, i32) {
    %c0_i32 = arith.constant 0 : i32
    %c0_i32_0 = arith.constant 0 : i32
    %c0_i32_1 = arith.constant 0 : i32
    return %c0_i32, %arg0, %c0_i32_0 : i32, i32, i32
  }
  func.func @transform_3(%arg0: i32) -> (i32, i32) {
    %c0_i32 = arith.constant 0 : i32
    %c0_i32_0 = arith.constant 0 : i32
    %c0_i32_1 = arith.constant 0 : i32
    return %c0_i32, %c0_i32_0 : i32, i32
  }
  func.func @transform_4(%arg0: i32) -> (i32, i32) {
    %c0_i32 = arith.constant 0 : i32
    %c0_i32_0 = arith.constant 0 : i32
    %c0_i32_1 = arith.constant 0 : i32
    return %c0_i32, %c0_i32_0 : i32, i32
  }
  func.func @transform_5(%arg0: i32) -> (i32, i32) {
    %c0_i32 = arith.constant 0 : i32
    %c0_i32_0 = arith.constant 0 : i32
    return %arg0, %c0_i32 : i32, i32
  }
  func.func @transform_6(%arg0: i32) -> (i32, i32) {
    %c0_i32 = arith.constant 0 : i32
    %c0_i32_0 = arith.constant 0 : i32
    return %arg0, %c0_i32 : i32, i32
  }
}

module attributes {stable_mosaic.version = 14 : i64} {
  func.func @_consume_body(%arg0: i32, %arg1: memref<2x1024x16xf32, #tpu.memory_space<vmem>>, %arg2: memref<1024x16xf32, #tpu.memory_space<vmem>>, %arg3: memref<2x1024x16xf32, #tpu.memory_space<vmem>>, %arg4: memref<1x16xf32, #tpu.memory_space<vmem>>, %arg5: memref<1024x64xf32, #tpu.memory_space<vmem>>, %arg6: memref<1024x64xf32, #tpu.memory_space<vmem>>, %arg7: memref<1024x32xf32, #tpu.memory_space<vmem>>, %arg8: memref<1024x176xf32, #tpu.memory_space<vmem>>) attributes {dimension_semantics = [#tpu.dimension_semantics<arbitrary>], iteration_bounds = array<i64: 10>, scalar_prefetch = 0 : i64, scratch_operands = 0 : i64, tpu.core_type = #tpu.core_type<tc>, window_params = [{transform_indices = @transform_0, window_bounds = array<i64: 2, 1024, 16>}, {transform_indices = @transform_1, window_bounds = array<i64: 1024, 16>}, {transform_indices = @transform_2, window_bounds = array<i64: 2, 1024, 16>}, {pipeline_mode = #tpu.pipeline_mode<synchronous>, transform_indices = @transform_3, window_bounds = array<i64: 1, 16>}, {transform_indices = @transform_4, window_bounds = array<i64: 1024, 64>}, {transform_indices = @transform_5, window_bounds = array<i64: 1024, 64>}, {transform_indices = @transform_6, window_bounds = array<i64: 1024, 32>}, {transform_indices = @transform_7, window_bounds = array<i64: 1024, 176>}]} {
    %get3A = arith.constant 0 : index
    %get3A_0 = arith.constant 0 : index
    %get3A_1 = arith.constant 0 : index
    %get3A_2 = vector.load %arg3[%get3A, %get3A_0, %get3A_1] : memref<2x1024x16xf32, #tpu.memory_space<vmem>>, vector<1x1024x1xf32>
    %get3A_3 = vector.shape_cast %get3A_2 : vector<1x1024x1xf32> to vector<1024x1xf32>
    %get3A_4 = arith.constant 1 : index
    %get3A_5 = arith.constant 0 : index
    %get3A_6 = arith.constant 0 : index
    %get3A_7 = vector.load %arg3[%get3A_4, %get3A_5, %get3A_6] : memref<2x1024x16xf32, #tpu.memory_space<vmem>>, vector<1x1024x1xf32>
    %get3A_8 = vector.shape_cast %get3A_7 : vector<1x1024x1xf32> to vector<1024x1xf32>
    %add3A = arith.addf %get3A_3, %get3A_8 : vector<1024x1xf32>
    %add3A_9 = arith.constant 1.000000e+00 : f32
    %add3A_10 = vector.broadcast %add3A_9 : f32 to vector<1024x1xf32>
    %add3A_11 = arith.addf %add3A, %add3A_10 : vector<1024x1xf32>
    %rsqrt3A = math.rsqrt %add3A_11 : vector<1024x1xf32>
    %get3A_12 = arith.constant 0 : index
    %get3A_13 = arith.constant 0 : index
    %get3A_14 = arith.constant 0 : index
    %get3A_15 = vector.load %arg1[%get3A_12, %get3A_13, %get3A_14] : memref<2x1024x16xf32, #tpu.memory_space<vmem>>, vector<1x1024x16xf32>
    %get3A_16 = vector.shape_cast %get3A_15 : vector<1x1024x16xf32> to vector<1024x16xf32>
    %get3A_17 = arith.constant 1 : index
    %get3A_18 = arith.constant 0 : index
    %get3A_19 = arith.constant 0 : index
    %get3A_20 = vector.load %arg1[%get3A_17, %get3A_18, %get3A_19] : memref<2x1024x16xf32, #tpu.memory_space<vmem>>, vector<1x1024x16xf32>
    %get3A_21 = vector.shape_cast %get3A_20 : vector<1x1024x16xf32> to vector<1024x16xf32>
    %add3A_22 = arith.addf %get3A_16, %get3A_21 : vector<1024x16xf32>
    %get3A_23 = arith.constant 0 : index
    %get3A_24 = arith.constant 0 : index
    %get3A_25 = vector.load %arg2[%get3A_23, %get3A_24] : memref<1024x16xf32, #tpu.memory_space<vmem>>, vector<1024x16xf32>
    %add3A_26 = arith.addf %add3A_22, %get3A_25 : vector<1024x16xf32>
    %mul3A = vector.broadcast %rsqrt3A : vector<1024x1xf32> to vector<1024x16xf32>
    %mul3A_27 = arith.mulf %mul3A, %add3A_26 : vector<1024x16xf32>
    %get3A_28 = arith.constant 0 : index
    %get3A_29 = arith.constant 0 : index
    %get3A_30 = vector.load %arg4[%get3A_28, %get3A_29] : memref<1x16xf32, #tpu.memory_space<vmem>>, vector<1x16xf32>
    %add3A_31 = vector.broadcast %get3A_30 : vector<1x16xf32> to vector<1024x16xf32>
    %add3A_32 = arith.addf %mul3A_27, %add3A_31 : vector<1024x16xf32>
    %max3A = arith.constant 0.000000e+00 : f32
    %max3A_33 = vector.broadcast %max3A : f32 to vector<1024x16xf32>
    %max3A_34 = arith.maximumf %add3A_32, %max3A_33 : vector<1024x16xf32>
    %get3A_35 = arith.constant 0 : index
    %get3A_36 = arith.constant 0 : index
    %get3A_37 = vector.load %arg5[%get3A_35, %get3A_36] : memref<1024x64xf32, #tpu.memory_space<vmem>>, vector<1024x64xf32>
    %get3A_38 = arith.constant 0 : index
    %get3A_39 = arith.constant 0 : index
    %get3A_40 = vector.load %arg6[%get3A_38, %get3A_39] : memref<1024x64xf32, #tpu.memory_space<vmem>>, vector<1024x64xf32>
    %get3A_41 = arith.constant 0 : index
    %get3A_42 = arith.constant 0 : index
    %get3A_43 = vector.load %arg7[%get3A_41, %get3A_42] : memref<1024x32xf32, #tpu.memory_space<vmem>>, vector<1024x32xf32>
    %concatenate3A = tpu.concatenate %get3A_37, %get3A_40, %get3A_43, %max3A_34 in 1 : vector<1024x64xf32>, vector<1024x64xf32>, vector<1024x32xf32>, vector<1024x16xf32> -> vector<1024x176xf32>
    %swap3A = arith.constant 0 : index
    %swap3A_44 = arith.constant 0 : index
    %swap3A_45 = vector.load %arg8[%swap3A, %swap3A_44] : memref<1024x176xf32, #tpu.memory_space<vmem>>, vector<1024x176xf32>
    tpu.vector_store %arg8[%swap3A, %swap3A_44], %concatenate3A {strides = array<i32>} : memref<1024x176xf32, #tpu.memory_space<vmem>>, vector<1024x176xf32>,
    return
  }
  func.func @transform_0(%arg0: i32) -> (i32, i32, i32) {
    %c0_i32 = arith.constant 0 : i32
    %c0_i32_0 = arith.constant 0 : i32
    %c0_i32_1 = arith.constant 0 : i32
    return %c0_i32, %arg0, %c0_i32_0 : i32, i32, i32
  }
  func.func @transform_1(%arg0: i32) -> (i32, i32) {
    %c0_i32 = arith.constant 0 : i32
    %c0_i32_0 = arith.constant 0 : i32
    return %arg0, %c0_i32 : i32, i32
  }
  func.func @transform_2(%arg0: i32) -> (i32, i32, i32) {
    %c0_i32 = arith.constant 0 : i32
    %c0_i32_0 = arith.constant 0 : i32
    %c0_i32_1 = arith.constant 0 : i32
    return %c0_i32, %arg0, %c0_i32_0 : i32, i32, i32
  }
  func.func @transform_3(%arg0: i32) -> (i32, i32) {
    %c0_i32 = arith.constant 0 : i32
    %c0_i32_0 = arith.constant 0 : i32
    %c0_i32_1 = arith.constant 0 : i32
    return %c0_i32, %c0_i32_0 : i32, i32
  }
  func.func @transform_4(%arg0: i32) -> (i32, i32) {
    %c0_i32 = arith.constant 0 : i32
    %c0_i32_0 = arith.constant 0 : i32
    return %arg0, %c0_i32 : i32, i32
  }
  func.func @transform_5(%arg0: i32) -> (i32, i32) {
    %c0_i32 = arith.constant 0 : i32
    %c0_i32_0 = arith.constant 0 : i32
    return %arg0, %c0_i32 : i32, i32
  }
  func.func @transform_6(%arg0: i32) -> (i32, i32) {
    %c0_i32 = arith.constant 0 : i32
    %c0_i32_0 = arith.constant 0 : i32
    return %arg0, %c0_i32 : i32, i32
  }
  func.func @transform_7(%arg0: i32) -> (i32, i32) {
    %c0_i32 = arith.constant 0 : i32
    %c0_i32_0 = arith.constant 0 : i32
    return %arg0, %c0_i32 : i32, i32
  }
}

module attributes {stable_mosaic.version = 14 : i64} {
  func.func @_head_body(%arg0: memref<2x96x176xf32, #tpu.memory_space<vmem>>, %arg1: memref<2x96x16xf32, #tpu.memory_space<vmem>>, %arg2: memref<64x64xf32, #tpu.memory_space<vmem>>, %arg3: memref<32x64xf32, #tpu.memory_space<vmem>>, %arg4: memref<16x64xf32, #tpu.memory_space<vmem>>, %arg5: memref<1x64xf32, #tpu.memory_space<vmem>>, %arg6: memref<64x1xf32, #tpu.memory_space<vmem>>, %arg7: memref<1x1xf32, #tpu.memory_space<vmem>>, %arg8: memref<96x1xf32, #tpu.memory_space<vmem>>) attributes {dimension_semantics = [], scalar_prefetch = 0 : i64, scratch_operands = 0 : i64, tpu.core_type = #tpu.core_type<tc>} {
    %get3A = arith.constant 0 : index
    %get3A_0 = arith.constant 0 : index
    %get3A_1 = arith.constant 0 : index
    %get3A_2 = vector.load %arg1[%get3A, %get3A_0, %get3A_1] : memref<2x96x16xf32, #tpu.memory_space<vmem>>, vector<1x96x1xf32>
    %get3A_3 = vector.shape_cast %get3A_2 : vector<1x96x1xf32> to vector<96x1xf32>
    %get3A_4 = arith.constant 1 : index
    %get3A_5 = arith.constant 0 : index
    %get3A_6 = arith.constant 0 : index
    %get3A_7 = vector.load %arg1[%get3A_4, %get3A_5, %get3A_6] : memref<2x96x16xf32, #tpu.memory_space<vmem>>, vector<1x96x1xf32>
    %get3A_8 = vector.shape_cast %get3A_7 : vector<1x96x1xf32> to vector<96x1xf32>
    %add3A = arith.addf %get3A_3, %get3A_8 : vector<96x1xf32>
    %sqrt3A = arith.constant 1.000010e+00 : f32
    %sqrt3A_9 = math.sqrt %sqrt3A : f32
    %div3A = arith.constant 1.000000e+00 : f32
    %div3A_10 = arith.divf %div3A, %sqrt3A_9 : f32
    %max3A = arith.constant 1.000000e+00 : f32
    %max3A_11 = vector.broadcast %max3A : f32 to vector<96x1xf32>
    %max3A_12 = arith.maximumf %add3A, %max3A_11 : vector<96x1xf32>
    %div3A_13 = vector.broadcast %div3A_10 : f32 to vector<96x1xf32>
    %div3A_14 = arith.divf %div3A_13, %max3A_12 : vector<96x1xf32>
    %get3A_15 = arith.constant 0 : index
    %get3A_16 = arith.constant 0 : index
    %get3A_17 = arith.constant 0 : index
    %get3A_18 = vector.load %arg0[%get3A_15, %get3A_16, %get3A_17] : memref<2x96x176xf32, #tpu.memory_space<vmem>>, vector<1x96x176xf32>
    %get3A_19 = vector.shape_cast %get3A_18 : vector<1x96x176xf32> to vector<96x176xf32>
    %get3A_20 = arith.constant 1 : index
    %get3A_21 = arith.constant 0 : index
    %get3A_22 = arith.constant 0 : index
    %get3A_23 = vector.load %arg0[%get3A_20, %get3A_21, %get3A_22] : memref<2x96x176xf32, #tpu.memory_space<vmem>>, vector<1x96x176xf32>
    %get3A_24 = vector.shape_cast %get3A_23 : vector<1x96x176xf32> to vector<96x176xf32>
    %add3A_25 = arith.addf %get3A_19, %get3A_24 : vector<96x176xf32>
    %mul3A = vector.broadcast %div3A_14 : vector<96x1xf32> to vector<96x176xf32>
    %mul3A_26 = arith.mulf %add3A_25, %mul3A : vector<96x176xf32>
    %slice3A = vector.extract_strided_slice %mul3A_26 {offsets = [0, 0], sizes = [96, 64], strides = [1, 1]} : vector<96x176xf32> to vector<96x64xf32>
    %slice3A_27 = vector.extract_strided_slice %mul3A_26 {offsets = [0, 64], sizes = [96, 64], strides = [1, 1]} : vector<96x176xf32> to vector<96x64xf32>
    %get3A_28 = arith.constant 0 : index
    %get3A_29 = arith.constant 0 : index
    %get3A_30 = vector.load %arg2[%get3A_28, %get3A_29] : memref<64x64xf32, #tpu.memory_space<vmem>>, vector<64x64xf32>
    %dot_general3A = arith.constant dense<0.000000e+00> : vector<96x64xf32>
    %dot_general3A_31 = tpu.matmul %slice3A_27, %get3A_30, %dot_general3A {dimension_numbers = #tpu.dot_dimension_numbers<[1], [0], [0], [1], [0, 0, 1, 1], [], []>, transpose_lhs_hint = false} : vector<96x64xf32>, vector<64x64xf32>, vector<96x64xf32> -> vector<96x64xf32>
    %add3A_32 = arith.addf %slice3A, %dot_general3A_31 : vector<96x64xf32>
    %slice3A_33 = vector.extract_strided_slice %mul3A_26 {offsets = [0, 128], sizes = [96, 32], strides = [1, 1]} : vector<96x176xf32> to vector<96x32xf32>
    %get3A_34 = arith.constant 0 : index
    %get3A_35 = arith.constant 0 : index
    %get3A_36 = vector.load %arg3[%get3A_34, %get3A_35] : memref<32x64xf32, #tpu.memory_space<vmem>>, vector<32x64xf32>
    %dot_general3A_37 = arith.constant dense<0.000000e+00> : vector<96x64xf32>
    %dot_general3A_38 = tpu.matmul %slice3A_33, %get3A_36, %dot_general3A_37 {dimension_numbers = #tpu.dot_dimension_numbers<[1], [0], [0], [1], [0, 0, 1, 1], [], []>, transpose_lhs_hint = false} : vector<96x32xf32>, vector<32x64xf32>, vector<96x64xf32> -> vector<96x64xf32>
    %add3A_39 = arith.addf %add3A_32, %dot_general3A_38 : vector<96x64xf32>
    %slice3A_40 = vector.extract_strided_slice %mul3A_26 {offsets = [0, 160], sizes = [96, 16], strides = [1, 1]} : vector<96x176xf32> to vector<96x16xf32>
    %get3A_41 = arith.constant 0 : index
    %get3A_42 = arith.constant 0 : index
    %get3A_43 = vector.load %arg4[%get3A_41, %get3A_42] : memref<16x64xf32, #tpu.memory_space<vmem>>, vector<16x64xf32>
    %dot_general3A_44 = arith.constant dense<0.000000e+00> : vector<96x64xf32>
    %dot_general3A_45 = tpu.matmul %slice3A_40, %get3A_43, %dot_general3A_44 {dimension_numbers = #tpu.dot_dimension_numbers<[1], [0], [0], [1], [0, 0, 1, 1], [], []>, transpose_lhs_hint = false} : vector<96x16xf32>, vector<16x64xf32>, vector<96x64xf32> -> vector<96x64xf32>
    %add3A_46 = arith.addf %add3A_39, %dot_general3A_45 : vector<96x64xf32>
    %get3A_47 = arith.constant 0 : index
    %get3A_48 = arith.constant 0 : index
    %get3A_49 = vector.load %arg5[%get3A_47, %get3A_48] : memref<1x64xf32, #tpu.memory_space<vmem>>, vector<1x64xf32>
    %add3A_50 = vector.broadcast %get3A_49 : vector<1x64xf32> to vector<96x64xf32>
    %add3A_51 = arith.addf %add3A_46, %add3A_50 : vector<96x64xf32>
    %max3A_52 = arith.constant 0.000000e+00 : f32
    %max3A_53 = vector.broadcast %max3A_52 : f32 to vector<96x64xf32>
    %max3A_54 = arith.maximumf %add3A_51, %max3A_53 : vector<96x64xf32>
    %get3A_55 = arith.constant 0 : index
    %get3A_56 = arith.constant 0 : index
    %get3A_57 = vector.load %arg6[%get3A_55, %get3A_56] : memref<64x1xf32, #tpu.memory_space<vmem>>, vector<64x1xf32>
    %dot_general3A_58 = arith.constant dense<0.000000e+00> : vector<96x1xf32>
    %dot_general3A_59 = tpu.matmul %max3A_54, %get3A_57, %dot_general3A_58 {dimension_numbers = #tpu.dot_dimension_numbers<[1], [0], [0], [1], [0, 0, 1, 1], [], []>, transpose_lhs_hint = false} : vector<96x64xf32>, vector<64x1xf32>, vector<96x1xf32> -> vector<96x1xf32>
    %get3A_60 = arith.constant 0 : index
    %get3A_61 = arith.constant 0 : index
    %get3A_62 = vector.load %arg7[%get3A_60, %get3A_61] : memref<1x1xf32, #tpu.memory_space<vmem>>, vector<1x1xf32>
    %add3A_63 = vector.broadcast %get3A_62 : vector<1x1xf32> to vector<96x1xf32>
    %add3A_64 = arith.addf %dot_general3A_59, %add3A_63 : vector<96x1xf32>
    %logistic3A = arith.negf %add3A_64 : vector<96x1xf32>
    %logistic3A_65 = math.exp %logistic3A : vector<96x1xf32>
    %logistic3A_66 = arith.constant 1.000000e+00 : f32
    %logistic3A_67 = vector.broadcast %logistic3A_66 : f32 to vector<96x1xf32>
    %logistic3A_68 = arith.addf %logistic3A_67, %logistic3A_65 : vector<96x1xf32>
    %logistic3A_69 = arith.divf %logistic3A_67, %logistic3A_68 : vector<96x1xf32>
    %swap3A = arith.constant 0 : index
    %swap3A_70 = arith.constant 0 : index
    %swap3A_71 = vector.load %arg8[%swap3A, %swap3A_70] : memref<96x1xf32, #tpu.memory_space<vmem>>, vector<96x1xf32>
    tpu.vector_store %arg8[%swap3A, %swap3A_70], %logistic3A_69 {strides = array<i32>} : memref<96x1xf32, #tpu.memory_space<vmem>>, vector<96x1xf32>,
    return
  }
}

</mosaic_0001>

<sc_bundles>
// kernel: kernel.12.cloned.1.call-start
scs
__scs_entry_jumppad:
0x0: {  	(pc) =	sbr.rel $0x88, $3  }
0x1: {  	(tag) =	ssettag $0x0;
	lr =	simm.s32 $0x1  }
0x2: {  	[smem:$0x3F94] =	sst lr;
	_ =	strace $0xD0000000  }
0x3: {  	_ = 	snop  }
0x4: {  	_ = 	snop  }
0x5: {  	_ = 	snop  }
0x6: {  	_ = 	snop  }
0x7: {  	_ = 	snop  }
__scs_overlays_trampoline_lowered:
0x8: {  	[smem:$0x3FA3] =	sst s0  }
0x9: {  	[smem:$0x3FA4] =	sst s1  }
0xa: {  	[smem:$0x3FA5] =	sst s2  }
0xb: {  	[smem:$0x3FA6] =	sst s3  }
0xc: {  	[smem:$0x3FA7] =	sst s4  }
0xd: {  	[smem:$0x3FA8] =	sst s5  }
0xe: {  	[smem:$0x3FA9] =	sst s6  }
0xf: {  	[smem:$0x3FAA] =	sst s7  }
0x10: {  	[smem:$0x3FAB] =	sst s8  }
0x11: {  	[smem:$0x3FAC] =	sst s9;
	s0 =	simm.s32 @!p0 $0x0  }
0x12: {  	s1 =	sld [smem:$0x3F92];
	s0 =	simm.s32 @p0 $0x1  }
0x13: {  	[smem:$0x3FAD] =	sst s0;
	s0 =	simm.s32 @!p1 $0x0  }
0x14: {  	s2 =	sld [smem:$0x3F91];
	s0 =	simm.s32 @p1 $0x1  }
0x15: {  	[smem:$0x3FAE] =	sst s0;
	s0 =	simm.s32 @!p2 $0x0  }
0x16: {  	s3 =	sld [smem:$0x3FDB];
	s0 =	simm.s32 @p2 $0x1  }
0x17: {  	s4 =	simm.s32 $0x1BF5;
	[smem:$0x3FB0] =	sst s0  }
0x18: {  	s0 =	sld [smem:$0x3F93];
	_ =	swait.ge [sflag:s4], $0x0  }
0x19: {  	s7 =	sld [smem:$0x3F94]  }
0x1a: {  	s8 =	sadd.s32 $0xFFFFE003, lr  }
0x1b: {  	s9 =	sadd.s32 $0xFFFFFEF7, lr;
	s5 =	simm.s32 $0xFFFFFFFF;
	p2 =	slt.u32 s8, $0xFFFFF086  }
0x1c: {  	p1 =	slt.u32 s9, $0xF7A;
	s5 =	simm.s32 @!p2 $0x0  }
0x1d: {  	s5 =	simm.s32 @p1 $0x1;
	p0 =	seq.s32 s7, s2  }
0x1e: {  	s7 =	smul.u32 @!p0 $0xF7A, s2;
	p2 =	seq.s32 @!p0 s5, $0x0  }
0x1f: {  	s9 =	smul.u32 $0xF7A, s1;
	s8 =	simm.s32 @!p0 $0x1BF5;
	p2 =	por !p2, p0  }
0x20: {  	[sflag:s8] =	ssyncset.s32 @!p0 $0xFFFFF086;
	s6 =	sadd.s32 @!p0 s3, s7;
	s7 =	simm.s32 @!p0 $0x108  }
0x21: {  	s3 =	sadd.s32 s3, s9;
	s6 =	sadd.s32 @!p0 $0x88, s6;
	s7 =	simm.s32 @p2 $0x1082  }
0x22: {  	[simem:s7], [sflag:s8] =	dma.local @!p0 [hbm:s6], $0xF7A  }
0x23: {  	s9 =	sor.u32 $0xD0000000, s2;
	s6 =	simm.s32 $0x108;
	_ =	swait.ge @!p0 [sflag:s8], $0x0  }
0x24: {  	s3 =	sadd.s32 $0x88, s3;
	s6 =	simm.s32 @!p1 $0x1082;
	[sflag:s4] =	ssyncset.s32 $0xFFFFF086  }
0x25: {  	[simem:s6], [sflag:s4] =	dma.local [hbm:s3], $0xF7A  }
0x26: {  	[smem:$0x3F94] =	sst s1;
	(tag) =	ssettag s2;
	_ =	strace s9  }
0x27: {  	s1 =	sld [smem:$0x3FA4]  }
0x28: {  	s2 =	sld [smem:$0x3FA5]  }
0x29: {  	s4 =	sld [smem:$0x3FA7]  }
0x2a: {  	p0 =	seq.s32 s5, $0x0;
	s5 =	sld [smem:$0x3FA8]  }
0x2b: {  	s6 =	sld [smem:$0x3FA9]  }
0x2c: {  	s7 =	sld [smem:$0x3FAA]  }
0x2d: {  	s3 =	simm.s32 $0x108;
	s8 =	sld [smem:$0x3FAB]  }
0x2e: {  	s3 =	simm.s32 @!p0 $0x1082;
	s9 =	sld [smem:$0x3FAC]  }
0x2f: {  	lr =	sadd.s32 s0, s3;
	s0 =	sld [smem:$0x3FA3]  }
0x30: {  	s3 =	sld [smem:$0x3FA6]  }
0x31: {  	[smem:$0x3FAF] =	sst s10  }
0x32: {  	s10 =	sld [smem:$0x3FAD];
	_ =	sdelay $0x3  }
0x33: {  	p0 =	seq.s32 s10, $0x1;
	s10 =	sld [smem:$0x3FAF];
	_ =	sdelay $0x3  }
0x34: {  	[smem:$0x3FAF] =	sst s10  }
0x35: {  	s10 =	sld [smem:$0x3FAE];
	_ =	sdelay $0x3  }
0x36: {  	p1 =	seq.s32 s10, $0x1;
	s10 =	sld [smem:$0x3FAF];
	_ =	sdelay $0x3  }
0x37: {  	[smem:$0x3FAF] =	sst s10  }
0x38: {  	s10 =	sld [smem:$0x3FB0]  }
0x39: {  	_ = 	snop;
	(pc) =	sbr.ind lr, $3  }
0x3a: {  	_ = 	snop  }
0x3b: {  	_ = 	snop  }
0x3c: {  	p2 =	seq.s32 s10, $0x1;
	s10 =	sld [smem:$0x3FAF]  }
0x3d: {  	_ =	shalt  }
0x3e: {  	_ =	shalt  }
0x3f: {  	_ =	shalt  }
0x40: {  	_ =	shalt  }
0x41: {  	_ =	shalt  }
0x42: {  	_ =	shalt  }
0x43: {  	_ =	shalt  }
0x44: {  	_ =	shalt  }
0x45: {  	_ =	shalt  }
0x46: {  	_ =	shalt  }
0x47: {  	_ =	shalt  }
0x48: {  	_ =	shalt  }
0x49: {  	_ =	shalt  }
0x4a: {  	_ =	shalt  }
0x4b: {  	_ =	shalt  }
0x4c: {  	_ =	shalt  }
0x4d: {  	_ =	shalt  }
0x4e: {  	_ =	shalt  }
0x4f: {  	_ =	shalt  }
0x50: {  	_ =	shalt  }
0x51: {  	_ =	shalt  }
0x52: {  	_ =	shalt  }
0x53: {  	_ =	shalt  }
0x54: {  	_ =	shalt  }
0x55: {  	_ =	shalt  }
0x56: {  	_ =	shalt  }
0x57: {  	_ =	shalt  }
0x58: {  	_ =	shalt  }
0x59: {  	_ =	shalt  }
0x5a: {  	_ =	shalt  }
0x5b: {  	_ =	shalt  }
0x5c: {  	_ =	shalt  }
0x5d: {  	_ =	shalt  }
0x5e: {  	_ =	shalt  }
0x5f: {  	_ =	shalt  }
0x60: {  	_ =	shalt  }
0x61: {  	_ =	shalt  }
0x62: {  	_ =	shalt  }
0x63: {  	_ =	shalt  }
0x64: {  	_ =	shalt  }
0x65: {  	_ =	shalt  }
0x66: {  	_ =	shalt  }
0x67: {  	_ =	shalt  }
0x68: {  	_ =	shalt  }
0x69: {  	_ =	shalt  }
0x6a: {  	_ =	shalt  }
0x6b: {  	_ =	shalt  }
0x6c: {  	_ =	shalt  }
0x6d: {  	_ =	shalt  }
0x6e: {  	_ =	shalt  }
0x6f: {  	_ =	shalt  }
0x70: {  	_ =	shalt  }
0x71: {  	_ =	shalt  }
0x72: {  	_ =	shalt  }
0x73: {  	_ =	shalt  }
0x74: {  	_ =	shalt  }
0x75: {  	_ =	shalt  }
0x76: {  	_ =	shalt  }
0x77: {  	_ =	shalt  }
0x78: {  	_ =	shalt  }
0x79: {  	_ =	shalt  }
0x7a: {  	_ =	shalt  }
0x7b: {  	_ =	shalt  }
0x7c: {  	_ =	shalt  }
0x7d: {  	_ =	shalt  }
0x7e: {  	_ =	shalt  }
0x7f: {  	_ =	shalt  }
0x80: {  	_ =	shalt  }
0x81: {  	_ =	shalt  }
0x82: {  	_ =	shalt  }
0x83: {  	_ =	shalt  }
0x84: {  	_ =	shalt  }
0x85: {  	_ =	shalt  }
0x86: {  	_ =	shalt  }
0x87: {  	_ =	shalt  }
.Lfunc_end0:
.L_simem_size_0:
called_computation_lowered:
.L_overlay_start_0:
0x88: {  	s2 =	sld [smem:$0x3FD9]  }
0x89: {  	s3 =	sld [smem:$0x3FFE];
	_ =	sdelay $0x1  }
0x8a: {  	s1 =	srdreg.scid  }
0x8b: {  	s0 =	sand.u32 $0x1, s1  }
0x8c: {  	s16 =	sshll.u32 s0, $0xA;
	s2 =	sadd.s32 s3, s2  }
0x8d: {  	s2 =	sadd.s32 s2, s16  }
0x8e: {  	[smem:$0x3FBB] =	sst s2  }
0x8f: {  	_ = 	snop  }
0x90: {  	(tm) =	ssettm $0x1  }
0x91: {  	s17 =	sld [smem:$0x3FFB];
	_ =	sdelay $0x3  }
0x92: {  	_ =	strace s17  }
0x93: {  	s2 =	sld [smem:$0x3FFC];
	_ =	sdelay $0x3  }
0x94: {  	_ =	strace s2  }
0x95: {  	s2 =	sld [smem:$0x3FFD];
	_ =	sdelay $0x3  }
0x96: {  	_ =	strace s2  }
0x97: {  	_ =	strace $0x8FFFFFFF  }
0x98: {  	s18 =	sld [smem:$0x3FDB];
	_ =	sdelay $0x1  }
0x99: {  	s19 =	simm.s32 $_scs_section_size  }
0x9a: {  	s4 =	simm.s32 $_size__tile_overlayer_lowered;
	s5 =	simm.s32 $_tile_overlayer_lowered  }
0x9b: {  	s22 =	simm.s32 $0x1BFF;
	s21 =	sshll.u32 s5, $0x1;
	s2 =	sadd.s32 s19, s18  }
0x9c: {  	s6 =	simm.s32 $0x0;
	s20 =	sshll.u32 s4, $0x1;
	s4 =	sadd.s32 s21, s2  }
0x9d: {  	[timem:s6], [sflag:s22] =	dma.local [hbm:s4], s20  }
0x9e: {  	_ =	swait.ge [sflag:s22], s20  }
0x9f: {  	s3 =	ssub.s32 $0x0, s20;
	[sflag:s22] =	ssyncset.done $0x0  }
0xa0: {  	[sflag:s22] =	ssyncadd.s32 s3;
	_ =	sdelay $0x1  }
0xa1: {  	s23 =	simm.s32 $0x1B8B  }
0xa2: {  	_ =	swait.ge [sflag:s23], $0x1  }
0xa3: {  	[sflag:s23] =	ssyncset.done $0x0  }
0xa4: {  	s25 =	simm.s32 $0x1B8E;
	s24 =	sld [smem:$0x3FFE];
	[sflag:s23] =	ssyncadd.s32 $0xFFFFFFFF  }
0xa5: {  	s26 =	simm.s32 $execute0_lowered;
	[smem:$0x3FD2] =	sst s25  }
0xa6: {  	s4 =	sshll.u32 s26, $0x1;
	_ =	strace $0x80000046;
	[dreg:$0x1] =	wrdreg $0xFFFFFFFF  }
0xa7: {  	s28 =	simm.s32 $_size_execute0_lowered;
	s2 =	sadd.s32 s2, s4;
	[dreg:$0x0] =	wrdreg $0x0  }
0xa8: {  	s4 =	sshll.u32 s28, $0x1;
	[dreg:$0x2] =	wrdreg s2  }
0xa9: {  	[dreg:$0x3] =	wrdreg s4  }
0xaa: {  	[dreg:$0x4] =	wrdreg $0xC0  }
0xab: {  	_ =	task [dreg:s6], $0x5FFFF  }
0xac: {  	[dreg:$0x1] =	wrdreg $0xFFFFFFFF  }
0xad: {  	[dreg:$0x0] =	wrdreg $0x60  }
0xae: {  	[dreg:$0x2] =	wrdreg s24  }
0xaf: {  	[dreg:$0x3] =	wrdreg $0x0  }
0xb0: {  	[dreg:$0x4] =	wrdreg $0x9  }
0xb1: {  	_ =	task.clear_ibuf [dreg:s6], $0x5FFFF;
	_ =	strace $0x90000046  }
0xb2: {  	s29 =	simm.s32 $0x9;
	_ =	strace $0x80000048  }
0xb3: {  	_ =	swait.ge [sflag:s29], $0x1  }
0xb4: {  	[sflag:s29] =	ssyncadd.s32 $0xFFFFFFFF  }
0xb5: {  	_ =	strace $0x90000048  }
0xb6: {  	_ =	sfence  }
0xb7: {  	s30 =	sld [smem:$0x0];
	_ =	sdelay $0x2  }
0xb8: {  	s31 =	sshll.u32 s1, $0xD;
	s1 =	sshrl.u32 s1, $0x2  }
0xb9: {  	s3 =	sand.u32 $0x4000, s31;
	s1 =	sadd.s32 s1, s30  }
0xba: {  	s0 =	sor.u32 s3, s0;
	s1 =	sshll.u32 s1, $0x11  }
0xbb: {  	s0 =	sor.u32 s1, s0  }
0xbc: {  	s0 =	sadd.s32 $0x8F2B, s0  }
0xbd: {  	[sflag:s0] =	ssyncadd.remote.s32 $0x1  }
0xbe: {  	_ =	sfence.sel $0xFFFF  }
0xbf: {  	[dreg:$0x0] =	wrdreg $0xFFFFFFFF;
	(pc) =	sbr.abs _section_cstart, $3  }
0xc0: {  	[dreg:$0x1] =	wrdreg $0xFFFFFFFF  }
0xc1: {  	_ =	task.clear_ibuf [dreg:s6], $0x2FFFF;
	_ =	strace $0x9FFFFFFF  }
0xc2: {  	(tm) =	ssettm $0x7FFFFFFF  }
0xc3: {  	_ =	shalt  }
tec
execute0_lowered:
.L_overlay_start_1:
0x0: {  	(tag) =	ssettag $0x1  }
0x1: {  	s5 =	rddreg [dreg:$0x0]  }
0x2: {  	s0 =	srdreg.scid;
	s2 =	rddreg [dreg:$0x1]  }
0x3: {  	s1 =	rddreg [dreg:$0x2];
	s6 =	sand.u32 $0x1, s0  }
0x4: {  	s3 =	simm.s32 $0x0;
	s0 =	stileid.u32;
	s4 =	smul.u32 $0x11800, s6  }
0x5: {  	s13 =	simm.s32 $0x3980;
	s14 =	simm.s32 $0x7D;
	s7 =	smul.u32 $0x1180, s0  }
0x6: {  	s15 =	simm.s32 $0x0;
	[smem:$0x7FF] =	sst s3;
	s30 =	smul.u32 $0x2800, s0  }
0x7: {  	s8 =	smul.u32 $0x28000, s6;
	_ =	strace $0x80000047;
	s6 =	ssub.s32 $0x2, s6  }
0x8: {  	s31 =	sshll.u32 s0, $0x6;
	s11 =	sshrl.u32 s6, $0x1;
	s4 =	sadd.s32 s7, s4  }
0x9: {  	s10 =	sshrl.u32 s30, $0x3;
	s8 =	sadd.s32 s30, s8;
	s11 =	ssub.s32 s6, s11  }
0xa: {  	s12 =	sadd.s32 s30, s2;
	s6 =	sor.u32 $0x1C01, s31;
	s4 =	sshrl.u32 s4, $0x3  }
0xb: {  	s10 =	sadd.s32 s10, s5;
	s8 =	sshrl.u32 s8, $0x3;
	s9 =	sadd.s32 s4, s5  }
0xc: {  	s4 =	sadd.s32 $0xD400, s5;
	s8 =	sadd.s32 s8, s5;
	s5 =	sadd.s32 $0x8400, s10  }
0xd: {  	s10 =	sshrl.u32 s12, $0x3;
	s12 =	simm.s32 $0x2800;
	s7 =	sadd.s32 $0x3E00, s9  }
0xe: {  	s8 =	sadd.s32 $0xD600, s8;
	s9 =	smax.u32 s11, $0x1;
	s11 =	simm.s32 $0x1  }
.LBB2_1:
0xf: {  	[spmem:s10], [sflag:s6] =	dma.local [hbm:s5], $0x500  }
0x10: {  	_ =	swait.ge [sflag:s11], $0x500  }
0x11: {  	[sflag:s11] =	ssyncset.done $0x0  }
0x12: {  	[sflag:s11] =	ssyncadd.s32 $0xFFFFFB00  }
0x13: {  	[tilespmem:s12], [sflag:$0x1] =	stream.linear.gather [hbm4b:s7+s3], $0x1180, $0x38;
	[tilespmem:$0x4150] =	vst v63  }
0x14: {  	_ =	swait.ge [sflag:s11], $0x1180  }
0x15: {  	[sflag:s11] =	ssyncset.done $0x0  }
0x16: {  	[sflag:s11] =	ssyncadd.s32 $0xFFFFEE80  }
0x17: {  	[tilespmem:s13], [sflag:$0x1] =	stream.linear.gather [hbm4b:s4+s3], $0x7D0, $0x38;
	[tilespmem:$0x4150] =	vst v63  }
0x18: {  	_ =	swait.ge [sflag:s11], $0x7D0  }
0x19: {  	[sflag:s11] =	ssyncset.done $0x0  }
0x1a: {  	[sflag:s11] =	ssyncadd.s32 $0xFFFFF830  }
0x1b: {  	s16 =	simm.s32 $0x2800;
	[bflag:$0x0] =	sbarrier.arrive $0xFFFF  }
0x1c: {  	[spmem:s2] =	stream.indirect.scatter.add.f32 [tilespmem:s13], [sflag:$0x1], $0x10, s16, s14, $0xb8;
	[tilespmem:$0x4150] =	vst v63  }
0x1d: {  	s16 =	simm.s32 $0x200;
	_ =	swait.ge [sflag:s11], $0x7D0  }
.LBB2_2:
0x1e: {  	s17 =	sshra.s32 s16, $0x2;
	[sflag:s11] =	ssyncset.done $0x0;
	p0 =	sne.s32 s16, $0x4400  }
.Ltmp0:
0x1f: {  	s17 =	sadd.s32 $0x2800, s17;
	[sflag:s11] =	ssyncadd.s32 $0xFFFFF830;
	(pc) =	sbr.rel @p0 .LBB2_2-.Ltmp0, $3  }
0x20: {  	[spmem:s2] =	stream.indirect.scatter.add.f32 [tilespmem:s13], [sflag:$0x1], $0x10, s17, s14, $0xb8;
	[tilespmem:$0x4150] =	vst v63  }
0x21: {  	s16 =	sadd.s32 $0x200, s16;
	_ =	sdelay $0x1  }
0x22: {  	_ =	swait.ge [sflag:s11], $0x7D0  }
0x23: {  	[sflag:s11] =	ssyncset.done $0x0;
	s15 =	sadd.s32 $0x1, s15  }
0x24: {  	[sflag:s11] =	ssyncadd.s32 $0xFFFFF830;
	p0 =	sne.s32 s15, s9  }
.Ltmp1:
0x25: {  	[bflag:$0x0] =	sbarrier.arrive $0xFFFF;
	(pc) =	sbr.rel @p0 .LBB2_1-.Ltmp1, $4  }
0x26: {  	[hbm:s8], [sflag:s6] =	dma.local [spmem:s10], $0x500  }
0x27: {  	_ =	swait.ge [sflag:s11], $0x500  }
0x28: {  	[sflag:s11] =	ssyncset.done $0x0  }
0x29: {  	[sflag:s11] =	ssyncadd.s32 $0xFFFFFB00  }
0x2a: {  	_ =	sfence.sel $0x180000  }
0x2b: {  	[bflag:$0x0] =	sbarrier.arrive $0xFFFF  }
0x2c: {  	p0 =	sne.s32 s0, $0x0;
	_ =	strace $0x90000047  }
0x2d: {  	s0 =	sadd.s32 @!p0 $0x100000, s1;
	[bflag:$0x2] =	sbarrier.arrive $0xFFFF  }
0x2e: {  	[sflag:s0] =	ssyncadd.tile.s32 @!p0 $0x1;
	_ =	shalt  }
.Lfunc_end2:
_tile_overlayer_lowered:
.L_overlay_start_2:
0x2f: {  	(tag) =	ssettag $0x2  }
0x30: {  	s0 =	rddreg [dreg:$0x0];
	s2 =	stileid.u32  }
0x31: {  	s1 =	rddreg [dreg:$0x1];
	p0 =	sne.s32 s2, $0x0  }
0x32: {  	s3 =	rddreg [dreg:$0x2];
	[bflag:$0x3] =	sbarrier.arrive $0xFFFF;
	s2 =	simm.s32 @!p0 $0x1C01  }
0x33: {  	[timem:s3], [sflag:s2] =	dma.local @!p0 [hbm:s0], s1  }
0x34: {  	s0 =	simm.s32 @!p0 $0x1  }
0x35: {  	_ =	swait.ge @!p0 [sflag:s0], s1  }
0x36: {  	s1 =	ssub.s32 @!p0 $0x0, s1;
	[sflag:s0] =	ssyncset.done @!p0 $0x0  }
0x37: {  	[sflag:s0] =	ssyncadd.s32 @!p0 s1  }
0x38: {  	[bflag:$0x3] =	sbarrier.arrive $0xFFFF  }
0x39: {  	_ =	shalt  }

// kernel: kernel.15.cloned.1.call-start
scs
__scs_entry_jumppad:
0x0: {  	(pc) =	sbr.rel $0x88, $3  }
0x1: {  	(tag) =	ssettag $0x0;
	lr =	simm.s32 $0x1  }
0x2: {  	[smem:$0x3F94] =	sst lr;
	_ =	strace $0xD0000000  }
0x3: {  	_ = 	snop  }
0x4: {  	_ = 	snop  }
0x5: {  	_ = 	snop  }
0x6: {  	_ = 	snop  }
0x7: {  	_ = 	snop  }
__scs_overlays_trampoline_lowered:
0x8: {  	[smem:$0x3FA3] =	sst s0  }
0x9: {  	[smem:$0x3FA4] =	sst s1  }
0xa: {  	[smem:$0x3FA5] =	sst s2  }
0xb: {  	[smem:$0x3FA6] =	sst s3  }
0xc: {  	[smem:$0x3FA7] =	sst s4  }
0xd: {  	[smem:$0x3FA8] =	sst s5  }
0xe: {  	[smem:$0x3FA9] =	sst s6  }
0xf: {  	[smem:$0x3FAA] =	sst s7  }
0x10: {  	[smem:$0x3FAB] =	sst s8  }
0x11: {  	[smem:$0x3FAC] =	sst s9;
	s0 =	simm.s32 @!p0 $0x0  }
0x12: {  	s1 =	sld [smem:$0x3F92];
	s0 =	simm.s32 @p0 $0x1  }
0x13: {  	[smem:$0x3FAD] =	sst s0;
	s0 =	simm.s32 @!p1 $0x0  }
0x14: {  	s2 =	sld [smem:$0x3F91];
	s0 =	simm.s32 @p1 $0x1  }
0x15: {  	[smem:$0x3FAE] =	sst s0;
	s0 =	simm.s32 @!p2 $0x0  }
0x16: {  	s3 =	sld [smem:$0x3FDB];
	s0 =	simm.s32 @p2 $0x1  }
0x17: {  	s4 =	simm.s32 $0x1BF5;
	[smem:$0x3FB0] =	sst s0  }
0x18: {  	s0 =	sld [smem:$0x3F93];
	_ =	swait.ge [sflag:s4], $0x0  }
0x19: {  	s7 =	sld [smem:$0x3F94]  }
0x1a: {  	s8 =	sadd.s32 $0xFFFFE003, lr  }
0x1b: {  	s9 =	sadd.s32 $0xFFFFFEF7, lr;
	s5 =	simm.s32 $0xFFFFFFFF;
	p2 =	slt.u32 s8, $0xFFFFF086  }
0x1c: {  	p1 =	slt.u32 s9, $0xF7A;
	s5 =	simm.s32 @!p2 $0x0  }
0x1d: {  	s5 =	simm.s32 @p1 $0x1;
	p0 =	seq.s32 s7, s2  }
0x1e: {  	s7 =	smul.u32 @!p0 $0xF7A, s2;
	p2 =	seq.s32 @!p0 s5, $0x0  }
0x1f: {  	s9 =	smul.u32 $0xF7A, s1;
	s8 =	simm.s32 @!p0 $0x1BF5;
	p2 =	por !p2, p0  }
0x20: {  	[sflag:s8] =	ssyncset.s32 @!p0 $0xFFFFF086;
	s6 =	sadd.s32 @!p0 s3, s7;
	s7 =	simm.s32 @!p0 $0x108  }
0x21: {  	s3 =	sadd.s32 s3, s9;
	s6 =	sadd.s32 @!p0 $0x88, s6;
	s7 =	simm.s32 @p2 $0x1082  }
0x22: {  	[simem:s7], [sflag:s8] =	dma.local @!p0 [hbm:s6], $0xF7A  }
0x23: {  	s9 =	sor.u32 $0xD0000000, s2;
	s6 =	simm.s32 $0x108;
	_ =	swait.ge @!p0 [sflag:s8], $0x0  }
0x24: {  	s3 =	sadd.s32 $0x88, s3;
	s6 =	simm.s32 @!p1 $0x1082;
	[sflag:s4] =	ssyncset.s32 $0xFFFFF086  }
0x25: {  	[simem:s6], [sflag:s4] =	dma.local [hbm:s3], $0xF7A  }
0x26: {  	[smem:$0x3F94] =	sst s1;
	(tag) =	ssettag s2;
	_ =	strace s9  }
0x27: {  	s1 =	sld [smem:$0x3FA4]  }
0x28: {  	s2 =	sld [smem:$0x3FA5]  }
0x29: {  	s4 =	sld [smem:$0x3FA7]  }
0x2a: {  	p0 =	seq.s32 s5, $0x0;
	s5 =	sld [smem:$0x3FA8]  }
0x2b: {  	s6 =	sld [smem:$0x3FA9]  }
0x2c: {  	s7 =	sld [smem:$0x3FAA]  }
0x2d: {  	s3 =	simm.s32 $0x108;
	s8 =	sld [smem:$0x3FAB]  }
0x2e: {  	s3 =	simm.s32 @!p0 $0x1082;
	s9 =	sld [smem:$0x3FAC]  }
0x2f: {  	lr =	sadd.s32 s0, s3;
	s0 =	sld [smem:$0x3FA3]  }
0x30: {  	s3 =	sld [smem:$0x3FA6]  }
0x31: {  	[smem:$0x3FAF] =	sst s10  }
0x32: {  	s10 =	sld [smem:$0x3FAD];
	_ =	sdelay $0x3  }
0x33: {  	p0 =	seq.s32 s10, $0x1;
	s10 =	sld [smem:$0x3FAF];
	_ =	sdelay $0x3  }
0x34: {  	[smem:$0x3FAF] =	sst s10  }
0x35: {  	s10 =	sld [smem:$0x3FAE];
	_ =	sdelay $0x3  }
0x36: {  	p1 =	seq.s32 s10, $0x1;
	s10 =	sld [smem:$0x3FAF];
	_ =	sdelay $0x3  }
0x37: {  	[smem:$0x3FAF] =	sst s10  }
0x38: {  	s10 =	sld [smem:$0x3FB0]  }
0x39: {  	_ = 	snop;
	(pc) =	sbr.ind lr, $3  }
0x3a: {  	_ = 	snop  }
0x3b: {  	_ = 	snop  }
0x3c: {  	p2 =	seq.s32 s10, $0x1;
	s10 =	sld [smem:$0x3FAF]  }
0x3d: {  	_ =	shalt  }
0x3e: {  	_ =	shalt  }
0x3f: {  	_ =	shalt  }
0x40: {  	_ =	shalt  }
0x41: {  	_ =	shalt  }
0x42: {  	_ =	shalt  }
0x43: {  	_ =	shalt  }
0x44: {  	_ =	shalt  }
0x45: {  	_ =	shalt  }
0x46: {  	_ =	shalt  }
0x47: {  	_ =	shalt  }
0x48: {  	_ =	shalt  }
0x49: {  	_ =	shalt  }
0x4a: {  	_ =	shalt  }
0x4b: {  	_ =	shalt  }
0x4c: {  	_ =	shalt  }
0x4d: {  	_ =	shalt  }
0x4e: {  	_ =	shalt  }
0x4f: {  	_ =	shalt  }
0x50: {  	_ =	shalt  }
0x51: {  	_ =	shalt  }
0x52: {  	_ =	shalt  }
0x53: {  	_ =	shalt  }
0x54: {  	_ =	shalt  }
0x55: {  	_ =	shalt  }
0x56: {  	_ =	shalt  }
0x57: {  	_ =	shalt  }
0x58: {  	_ =	shalt  }
0x59: {  	_ =	shalt  }
0x5a: {  	_ =	shalt  }
0x5b: {  	_ =	shalt  }
0x5c: {  	_ =	shalt  }
0x5d: {  	_ =	shalt  }
0x5e: {  	_ =	shalt  }
0x5f: {  	_ =	shalt  }
0x60: {  	_ =	shalt  }
0x61: {  	_ =	shalt  }
0x62: {  	_ =	shalt  }
0x63: {  	_ =	shalt  }
0x64: {  	_ =	shalt  }
0x65: {  	_ =	shalt  }
0x66: {  	_ =	shalt  }
0x67: {  	_ =	shalt  }
0x68: {  	_ =	shalt  }
0x69: {  	_ =	shalt  }
0x6a: {  	_ =	shalt  }
0x6b: {  	_ =	shalt  }
0x6c: {  	_ =	shalt  }
0x6d: {  	_ =	shalt  }
0x6e: {  	_ =	shalt  }
0x6f: {  	_ =	shalt  }
0x70: {  	_ =	shalt  }
0x71: {  	_ =	shalt  }
0x72: {  	_ =	shalt  }
0x73: {  	_ =	shalt  }
0x74: {  	_ =	shalt  }
0x75: {  	_ =	shalt  }
0x76: {  	_ =	shalt  }
0x77: {  	_ =	shalt  }
0x78: {  	_ =	shalt  }
0x79: {  	_ =	shalt  }
0x7a: {  	_ =	shalt  }
0x7b: {  	_ =	shalt  }
0x7c: {  	_ =	shalt  }
0x7d: {  	_ =	shalt  }
0x7e: {  	_ =	shalt  }
0x7f: {  	_ =	shalt  }
0x80: {  	_ =	shalt  }
0x81: {  	_ =	shalt  }
0x82: {  	_ =	shalt  }
0x83: {  	_ =	shalt  }
0x84: {  	_ =	shalt  }
0x85: {  	_ =	shalt  }
0x86: {  	_ =	shalt  }
0x87: {  	_ =	shalt  }
.Lfunc_end0:
.L_simem_size_0:
called_computation.1_lowered:
.L_overlay_start_0:
0x88: {  	s2 =	sld [smem:$0x3FD9]  }
0x89: {  	s3 =	sld [smem:$0x3FFE];
	_ =	sdelay $0x1  }
0x8a: {  	s1 =	srdreg.scid  }
0x8b: {  	s0 =	sand.u32 $0x1, s1  }
0x8c: {  	s16 =	sshll.u32 s0, $0xA;
	s2 =	sadd.s32 s3, s2  }
0x8d: {  	s2 =	sadd.s32 s2, s16  }
0x8e: {  	[smem:$0x3FBB] =	sst s2  }
0x8f: {  	_ = 	snop  }
0x90: {  	(tm) =	ssettm $0x1  }
0x91: {  	s17 =	sld [smem:$0x3FFB];
	_ =	sdelay $0x3  }
0x92: {  	_ =	strace s17  }
0x93: {  	s2 =	sld [smem:$0x3FFC];
	_ =	sdelay $0x3  }
0x94: {  	_ =	strace s2  }
0x95: {  	s2 =	sld [smem:$0x3FFD];
	_ =	sdelay $0x3  }
0x96: {  	_ =	strace s2  }
0x97: {  	_ =	strace $0x8FFFFFFF  }
0x98: {  	s18 =	sld [smem:$0x3FDB];
	_ =	sdelay $0x1  }
0x99: {  	s19 =	simm.s32 $_scs_section_size  }
0x9a: {  	s4 =	simm.s32 $_size__tile_overlayer_lowered;
	s5 =	simm.s32 $_tile_overlayer_lowered  }
0x9b: {  	s22 =	simm.s32 $0x1BFF;
	s21 =	sshll.u32 s5, $0x1;
	s2 =	sadd.s32 s19, s18  }
0x9c: {  	s6 =	simm.s32 $0x0;
	s20 =	sshll.u32 s4, $0x1;
	s4 =	sadd.s32 s21, s2  }
0x9d: {  	[timem:s6], [sflag:s22] =	dma.local [hbm:s4], s20  }
0x9e: {  	_ =	swait.ge [sflag:s22], s20  }
0x9f: {  	s3 =	ssub.s32 $0x0, s20;
	[sflag:s22] =	ssyncset.done $0x0  }
0xa0: {  	[sflag:s22] =	ssyncadd.s32 s3;
	_ =	sdelay $0x1  }
0xa1: {  	s23 =	simm.s32 $0x1B8B  }
0xa2: {  	_ =	swait.ge [sflag:s23], $0x1  }
0xa3: {  	[sflag:s23] =	ssyncset.done $0x0  }
0xa4: {  	s25 =	simm.s32 $0x1B8E;
	s24 =	sld [smem:$0x3FFE];
	[sflag:s23] =	ssyncadd.s32 $0xFFFFFFFF  }
0xa5: {  	s26 =	simm.s32 $execute0_lowered;
	[smem:$0x3FD2] =	sst s25  }
0xa6: {  	s4 =	sshll.u32 s26, $0x1;
	_ =	strace $0x80000049;
	[dreg:$0x1] =	wrdreg $0xFFFFFFFF  }
0xa7: {  	s28 =	simm.s32 $_size_execute0_lowered;
	s2 =	sadd.s32 s2, s4;
	[dreg:$0x0] =	wrdreg $0x0  }
0xa8: {  	s4 =	sshll.u32 s28, $0x1;
	[dreg:$0x2] =	wrdreg s2  }
0xa9: {  	[dreg:$0x3] =	wrdreg s4  }
0xaa: {  	[dreg:$0x4] =	wrdreg $0xC0  }
0xab: {  	_ =	task [dreg:s6], $0x5FFFF  }
0xac: {  	[dreg:$0x1] =	wrdreg $0xFFFFFFFF  }
0xad: {  	[dreg:$0x0] =	wrdreg $0x60  }
0xae: {  	[dreg:$0x2] =	wrdreg s24  }
0xaf: {  	[dreg:$0x3] =	wrdreg $0x0  }
0xb0: {  	[dreg:$0x4] =	wrdreg $0xA0000  }
0xb1: {  	[dreg:$0x5] =	wrdreg $0x9  }
0xb2: {  	_ =	task.clear_ibuf [dreg:s6], $0x6FFFF;
	_ =	strace $0x90000049  }
0xb3: {  	s29 =	simm.s32 $0x9;
	_ =	strace $0x8000004B  }
0xb4: {  	_ =	swait.ge [sflag:s29], $0x1  }
0xb5: {  	[sflag:s29] =	ssyncadd.s32 $0xFFFFFFFF  }
0xb6: {  	_ =	strace $0x9000004B  }
0xb7: {  	_ =	sfence  }
0xb8: {  	s30 =	sld [smem:$0x0];
	_ =	sdelay $0x2  }
0xb9: {  	s31 =	sshll.u32 s1, $0xD;
	s1 =	sshrl.u32 s1, $0x2  }
0xba: {  	s3 =	sand.u32 $0x4000, s31;
	s1 =	sadd.s32 s1, s30  }
0xbb: {  	s0 =	sor.u32 s3, s0;
	s1 =	sshll.u32 s1, $0x11  }
0xbc: {  	s0 =	sor.u32 s1, s0  }
0xbd: {  	s0 =	sadd.s32 $0x8F2B, s0  }
0xbe: {  	[sflag:s0] =	ssyncadd.remote.s32 $0x1  }
0xbf: {  	_ =	sfence.sel $0xFFFF  }
0xc0: {  	[dreg:$0x0] =	wrdreg $0xFFFFFFFF;
	(pc) =	sbr.abs _section_cstart, $3  }
0xc1: {  	[dreg:$0x1] =	wrdreg $0xFFFFFFFF  }
0xc2: {  	_ =	task.clear_ibuf [dreg:s6], $0x2FFFF;
	_ =	strace $0x9FFFFFFF  }
0xc3: {  	(tm) =	ssettm $0x7FFFFFFF  }
tec
execute0_lowered:
.L_overlay_start_1:
0x0: {  	(tag) =	ssettag $0x1  }
0x1: {  	s5 =	rddreg [dreg:$0x0];
	s0 =	stileid.u32  }
0x2: {  	s1 =	srdreg.scid;
	s2 =	rddreg [dreg:$0x1]  }
0x3: {  	s3 =	rddreg [dreg:$0x2];
	s4 =	simm.s32 $0x0;
	s16 =	simm.s32 $0x15180  }
0x4: {  	s17 =	simm.s32 $0x7D;
	s18 =	simm.s32 $0x16300;
	s7 =	smul.u32 $0xA000, s0  }
0x5: {  	s6 =	sand.u32 $0x1, s1;
	s1 =	rddreg [dreg:$0x3];
	s9 =	smul.u32 $0x1180, s0  }
0x6: {  	s19 =	simm.s32 $0x0;
	[smem:$0x7FF] =	sst s4;
	s8 =	smul.u32 $0x11800, s6  }
0x7: {  	s31 =	sshll.u32 s0, $0x6;
	s11 =	smul.u32 $0xA0000, s6;
	s6 =	ssub.s32 $0x2, s6  }
0x8: {  	_ =	strace $0x8000004A;
	s10 =	sshrl.u32 s7, $0x3;
	s30 =	sshrl.u32 s6, $0x1  }
0x9: {  	s14 =	sadd.s32 s7, s2;
	s15 =	sadd.s32 s7, s3;
	s10 =	sadd.s32 s10, s5  }
0xa: {  	s8 =	sadd.s32 s9, s8;
	s29 =	sadd.s32 s7, s11;
	s11 =	ssub.s32 s6, s30  }
0xb: {  	s6 =	sor.u32 $0x1C01, s31;
	s8 =	sshrl.u32 s8, $0x3;
	s9 =	sshrl.u32 s29, $0x3  }
0xc: {  	s7 =	sadd.s32 $0x5D400, s10;
	s11 =	smax.u32 s11, $0x1;
	s12 =	sadd.s32 s8, s5  }
0xd: {  	s13 =	sadd.s32 s9, s5;
	s5 =	sadd.s32 $0x71400, s10;
	s8 =	sadd.s32 $0xDAA00, s12  }
0xe: {  	s9 =	sadd.s32 $0x3E00, s12;
	s10 =	sadd.s32 $0x85400, s13;
	s12 =	sshrl.u32 s14, $0x3  }
0xf: {  	s13 =	simm.s32 $0x1;
	s14 =	sshrl.u32 s15, $0x3;
	s15 =	simm.s32 $0x14000  }
.LBB2_1:
0x10: {  	[spmem:s12], [sflag:s6] =	dma.local [hbm:s5], $0x1400  }
0x11: {  	_ =	swait.ge [sflag:s13], $0x1400  }
0x12: {  	[sflag:s13] =	ssyncset.done $0x0  }
0x13: {  	[sflag:s13] =	ssyncadd.s32 $0xFFFFEC00  }
0x14: {  	[spmem:s14], [sflag:s6] =	dma.local [hbm:s7], $0x1400  }
0x15: {  	_ =	swait.ge [sflag:s13], $0x1400  }
0x16: {  	[sflag:s13] =	ssyncset.done $0x0  }
0x17: {  	[sflag:s13] =	ssyncadd.s32 $0xFFFFEC00  }
0x18: {  	[tilespmem:s15], [sflag:$0x1] =	stream.linear.gather [hbm4b:s8+s4], $0x1180, $0x38;
	[tilespmem:$0x18240] =	vst v63  }
0x19: {  	_ =	swait.ge [sflag:s13], $0x1180  }
0x1a: {  	[sflag:s13] =	ssyncset.done $0x0  }
0x1b: {  	[sflag:s13] =	ssyncadd.s32 $0xFFFFEE80  }
0x1c: {  	[tilespmem:s16], [sflag:$0x1] =	stream.linear.gather [hbm4b:s9+s4], $0x1180, $0x38;
	[tilespmem:$0x18240] =	vst v63  }
0x1d: {  	_ =	swait.ge [sflag:s13], $0x1180  }
0x1e: {  	[sflag:s13] =	ssyncset.done $0x0  }
0x1f: {  	[sflag:s13] =	ssyncadd.s32 $0xFFFFEE80  }
0x20: {  	s20 =	simm.s32 $0x14000;
	[bflag:$0x0] =	sbarrier.arrive $0xFFFF  }
0x21: {  	[tilespmem:s18], [sflag:$0x1] =	stream.indirect.gather [spmem:s3], $0x40, s20, s17, $0xb8;
	[tilespmem:$0x18240] =	vst v63  }
0x22: {  	_ =	swait.ge [sflag:s13], $0x1F40  }
0x23: {  	[sflag:s13] =	ssyncset.done $0x0  }
0x24: {  	s31 =	simm.s32 $0x15180;
	[sflag:s13] =	ssyncadd.s32 $0xFFFFE0C0  }
0x25: {  	[spmem:s2] =	stream.indirect.scatter.add.f32 [tilespmem:s18], [sflag:$0x1], $0x40, s31, s17, $0xb8;
	[tilespmem:$0x18240] =	vst v63  }
0x26: {  	_ =	swait.ge [sflag:s13], $0x1F40  }
0x27: {  	s21 =	simm.s32 $0x400;
	s20 =	simm.s32 $0x80;
	[sflag:s13] =	ssyncset.done $0x0  }
.LBB2_2:
0x28: {  	s22 =	sadd.s32 $0x14000, s20  }
0x29: {  	[sflag:s13] =	ssyncadd.s32 $0xFFFFE0C0;
	s23 =	smov.u32 s21;
	s24 =	sadd.s32 $0x200, s21  }
0x2a: {  	[tilespmem:s18], [sflag:$0x1] =	stream.indirect.gather [spmem:s3], $0x40, s22, s17, $0xb8;
	[tilespmem:$0x18240] =	vst v63  }
0x2b: {  	p0 =	sne.s32 s21, $0x4400;
	_ =	swait.ge [sflag:s13], $0x1F40  }
.Ltmp0:
0x2c: {  	[sflag:s13] =	ssyncset.done $0x0;
	(pc) =	sbr.rel @p0 .LBB2_2-.Ltmp0, $4  }
0x2d: {  	s20 =	sadd.s32 $0x15180, s20;
	[sflag:s13] =	ssyncadd.s32 $0xFFFFE0C0  }
0x2e: {  	[spmem:s2] =	stream.indirect.scatter.add.f32 [tilespmem:s18], [sflag:$0x1], $0x40, s20, s17, $0xb8;
	[tilespmem:$0x18240] =	vst v63  }
0x2f: {  	_ =	swait.ge [sflag:s13], $0x1F40  }
0x30: {  	s21 =	smov.u32 s24;
	s20 =	sshra.s32 s23, $0x2;
	[sflag:s13] =	ssyncset.done $0x0  }
0x31: {  	s21 =	sadd.s32 $0x14000, s20;
	[sflag:s13] =	ssyncadd.s32 $0xFFFFE0C0  }
0x32: {  	[tilespmem:s18], [sflag:$0x1] =	stream.indirect.gather [spmem:s3], $0x40, s21, s17, $0xb8;
	[tilespmem:$0x18240] =	vst v63  }
0x33: {  	_ =	swait.ge [sflag:s13], $0x1F40  }
0x34: {  	[sflag:s13] =	ssyncset.done $0x0  }
0x35: {  	s31 =	sadd.s32 $0x15180, s20;
	[sflag:s13] =	ssyncadd.s32 $0xFFFFE0C0  }
0x36: {  	[spmem:s2] =	stream.indirect.scatter.add.f32 [tilespmem:s18], [sflag:$0x1], $0x40, s31, s17, $0xb8;
	[tilespmem:$0x18240] =	vst v63  }
0x37: {  	_ =	swait.ge [sflag:s13], $0x1F40  }
0x38: {  	s19 =	sadd.s32 $0x1, s19;
	[sflag:s13] =	ssyncset.done $0x0  }
0x39: {  	p0 =	sne.s32 s19, s11;
	[sflag:s13] =	ssyncadd.s32 $0xFFFFE0C0  }
.Ltmp1:
0x3a: {  	[bflag:$0x0] =	sbarrier.arrive $0xFFFF;
	(pc) =	sbr.rel @p0 .LBB2_1-.Ltmp1, $4  }
0x3b: {  	[hbm:s10], [sflag:s6] =	dma.local [spmem:s12], $0x1400  }
0x3c: {  	_ =	swait.ge [sflag:s13], $0x1400  }
0x3d: {  	[sflag:s13] =	ssyncset.done $0x0  }
0x3e: {  	[sflag:s13] =	ssyncadd.s32 $0xFFFFEC00  }
0x3f: {  	_ =	sfence.sel $0x180000  }
0x40: {  	[bflag:$0x0] =	sbarrier.arrive $0xFFFF  }
0x41: {  	p0 =	sne.s32 s0, $0x0;
	_ =	strace $0x9000004A  }
0x42: {  	s0 =	sadd.s32 @!p0 $0x100000, s1;
	[bflag:$0x2] =	sbarrier.arrive $0xFFFF  }
0x43: {  	[sflag:s0] =	ssyncadd.tile.s32 @!p0 $0x1;
	_ =	shalt  }
.Lfunc_end2:
_tile_overlayer_lowered:
.L_overlay_start_2:
0x44: {  	(tag) =	ssettag $0x2  }
0x45: {  	s0 =	rddreg [dreg:$0x0];
	s2 =	stileid.u32  }
0x46: {  	s1 =	rddreg [dreg:$0x1];
	p0 =	sne.s32 s2, $0x0  }
0x47: {  	s3 =	rddreg [dreg:$0x2];
	[bflag:$0x3] =	sbarrier.arrive $0xFFFF;
	s2 =	simm.s32 @!p0 $0x1C01  }
0x48: {  	[timem:s3], [sflag:s2] =	dma.local @!p0 [hbm:s0], s1  }
0x49: {  	s0 =	simm.s32 @!p0 $0x1  }
0x4a: {  	_ =	swait.ge @!p0 [sflag:s0], s1  }
0x4b: {  	s1 =	ssub.s32 @!p0 $0x0, s1;
	[sflag:s0] =	ssyncset.done @!p0 $0x0  }
0x4c: {  	[sflag:s0] =	ssyncadd.s32 @!p0 s1  }
0x4d: {  	[bflag:$0x3] =	sbarrier.arrive $0xFFFF  }
0x4e: {  	_ =	shalt  }

// kernel: kernel.18.cloned.1.call-start
scs
__scs_entry_jumppad:
0x0: {  	(pc) =	sbr.rel $0x88, $3  }
0x1: {  	(tag) =	ssettag $0x0;
	lr =	simm.s32 $0x1  }
0x2: {  	[smem:$0x3F94] =	sst lr;
	_ =	strace $0xD0000000  }
0x3: {  	_ = 	snop  }
0x4: {  	_ = 	snop  }
0x5: {  	_ = 	snop  }
0x6: {  	_ = 	snop  }
0x7: {  	_ = 	snop  }
__scs_overlays_trampoline_lowered:
0x8: {  	[smem:$0x3FA3] =	sst s0  }
0x9: {  	[smem:$0x3FA4] =	sst s1  }
0xa: {  	[smem:$0x3FA5] =	sst s2  }
0xb: {  	[smem:$0x3FA6] =	sst s3  }
0xc: {  	[smem:$0x3FA7] =	sst s4  }
0xd: {  	[smem:$0x3FA8] =	sst s5  }
0xe: {  	[smem:$0x3FA9] =	sst s6  }
0xf: {  	[smem:$0x3FAA] =	sst s7  }
0x10: {  	[smem:$0x3FAB] =	sst s8  }
0x11: {  	[smem:$0x3FAC] =	sst s9;
	s0 =	simm.s32 @!p0 $0x0  }
0x12: {  	s1 =	sld [smem:$0x3F92];
	s0 =	simm.s32 @p0 $0x1  }
0x13: {  	[smem:$0x3FAD] =	sst s0;
	s0 =	simm.s32 @!p1 $0x0  }
0x14: {  	s2 =	sld [smem:$0x3F91];
	s0 =	simm.s32 @p1 $0x1  }
0x15: {  	[smem:$0x3FAE] =	sst s0;
	s0 =	simm.s32 @!p2 $0x0  }
0x16: {  	s3 =	sld [smem:$0x3FDB];
	s0 =	simm.s32 @p2 $0x1  }
0x17: {  	s4 =	simm.s32 $0x1BF5;
	[smem:$0x3FB0] =	sst s0  }
0x18: {  	s0 =	sld [smem:$0x3F93];
	_ =	swait.ge [sflag:s4], $0x0  }
0x19: {  	s7 =	sld [smem:$0x3F94]  }
0x1a: {  	s8 =	sadd.s32 $0xFFFFE003, lr  }
0x1b: {  	s9 =	sadd.s32 $0xFFFFFEF7, lr;
	s5 =	simm.s32 $0xFFFFFFFF;
	p2 =	slt.u32 s8, $0xFFFFF086  }
0x1c: {  	p1 =	slt.u32 s9, $0xF7A;
	s5 =	simm.s32 @!p2 $0x0  }
0x1d: {  	s5 =	simm.s32 @p1 $0x1;
	p0 =	seq.s32 s7, s2  }
0x1e: {  	s7 =	smul.u32 @!p0 $0xF7A, s2;
	p2 =	seq.s32 @!p0 s5, $0x0  }
0x1f: {  	s9 =	smul.u32 $0xF7A, s1;
	s8 =	simm.s32 @!p0 $0x1BF5;
	p2 =	por !p2, p0  }
0x20: {  	[sflag:s8] =	ssyncset.s32 @!p0 $0xFFFFF086;
	s6 =	sadd.s32 @!p0 s3, s7;
	s7 =	simm.s32 @!p0 $0x108  }
0x21: {  	s3 =	sadd.s32 s3, s9;
	s6 =	sadd.s32 @!p0 $0x88, s6;
	s7 =	simm.s32 @p2 $0x1082  }
0x22: {  	[simem:s7], [sflag:s8] =	dma.local @!p0 [hbm:s6], $0xF7A  }
0x23: {  	s9 =	sor.u32 $0xD0000000, s2;
	s6 =	simm.s32 $0x108;
	_ =	swait.ge @!p0 [sflag:s8], $0x0  }
0x24: {  	s3 =	sadd.s32 $0x88, s3;
	s6 =	simm.s32 @!p1 $0x1082;
	[sflag:s4] =	ssyncset.s32 $0xFFFFF086  }
0x25: {  	[simem:s6], [sflag:s4] =	dma.local [hbm:s3], $0xF7A  }
0x26: {  	[smem:$0x3F94] =	sst s1;
	(tag) =	ssettag s2;
	_ =	strace s9  }
0x27: {  	s1 =	sld [smem:$0x3FA4]  }
0x28: {  	s2 =	sld [smem:$0x3FA5]  }
0x29: {  	s4 =	sld [smem:$0x3FA7]  }
0x2a: {  	p0 =	seq.s32 s5, $0x0;
	s5 =	sld [smem:$0x3FA8]  }
0x2b: {  	s6 =	sld [smem:$0x3FA9]  }
0x2c: {  	s7 =	sld [smem:$0x3FAA]  }
0x2d: {  	s3 =	simm.s32 $0x108;
	s8 =	sld [smem:$0x3FAB]  }
0x2e: {  	s3 =	simm.s32 @!p0 $0x1082;
	s9 =	sld [smem:$0x3FAC]  }
0x2f: {  	lr =	sadd.s32 s0, s3;
	s0 =	sld [smem:$0x3FA3]  }
0x30: {  	s3 =	sld [smem:$0x3FA6]  }
0x31: {  	[smem:$0x3FAF] =	sst s10  }
0x32: {  	s10 =	sld [smem:$0x3FAD];
	_ =	sdelay $0x3  }
0x33: {  	p0 =	seq.s32 s10, $0x1;
	s10 =	sld [smem:$0x3FAF];
	_ =	sdelay $0x3  }
0x34: {  	[smem:$0x3FAF] =	sst s10  }
0x35: {  	s10 =	sld [smem:$0x3FAE];
	_ =	sdelay $0x3  }
0x36: {  	p1 =	seq.s32 s10, $0x1;
	s10 =	sld [smem:$0x3FAF];
	_ =	sdelay $0x3  }
0x37: {  	[smem:$0x3FAF] =	sst s10  }
0x38: {  	s10 =	sld [smem:$0x3FB0]  }
0x39: {  	_ = 	snop;
	(pc) =	sbr.ind lr, $3  }
0x3a: {  	_ = 	snop  }
0x3b: {  	_ = 	snop  }
0x3c: {  	p2 =	seq.s32 s10, $0x1;
	s10 =	sld [smem:$0x3FAF]  }
0x3d: {  	_ =	shalt  }
0x3e: {  	_ =	shalt  }
0x3f: {  	_ =	shalt  }
0x40: {  	_ =	shalt  }
0x41: {  	_ =	shalt  }
0x42: {  	_ =	shalt  }
0x43: {  	_ =	shalt  }
0x44: {  	_ =	shalt  }
0x45: {  	_ =	shalt  }
0x46: {  	_ =	shalt  }
0x47: {  	_ =	shalt  }
0x48: {  	_ =	shalt  }
0x49: {  	_ =	shalt  }
0x4a: {  	_ =	shalt  }
0x4b: {  	_ =	shalt  }
0x4c: {  	_ =	shalt  }
0x4d: {  	_ =	shalt  }
0x4e: {  	_ =	shalt  }
0x4f: {  	_ =	shalt  }
0x50: {  	_ =	shalt  }
0x51: {  	_ =	shalt  }
0x52: {  	_ =	shalt  }
0x53: {  	_ =	shalt  }
0x54: {  	_ =	shalt  }
0x55: {  	_ =	shalt  }
0x56: {  	_ =	shalt  }
0x57: {  	_ =	shalt  }
0x58: {  	_ =	shalt  }
0x59: {  	_ =	shalt  }
0x5a: {  	_ =	shalt  }
0x5b: {  	_ =	shalt  }
0x5c: {  	_ =	shalt  }
0x5d: {  	_ =	shalt  }
0x5e: {  	_ =	shalt  }
0x5f: {  	_ =	shalt  }
0x60: {  	_ =	shalt  }
0x61: {  	_ =	shalt  }
0x62: {  	_ =	shalt  }
0x63: {  	_ =	shalt  }
0x64: {  	_ =	shalt  }
0x65: {  	_ =	shalt  }
0x66: {  	_ =	shalt  }
0x67: {  	_ =	shalt  }
0x68: {  	_ =	shalt  }
0x69: {  	_ =	shalt  }
0x6a: {  	_ =	shalt  }
0x6b: {  	_ =	shalt  }
0x6c: {  	_ =	shalt  }
0x6d: {  	_ =	shalt  }
0x6e: {  	_ =	shalt  }
0x6f: {  	_ =	shalt  }
0x70: {  	_ =	shalt  }
0x71: {  	_ =	shalt  }
0x72: {  	_ =	shalt  }
0x73: {  	_ =	shalt  }
0x74: {  	_ =	shalt  }
0x75: {  	_ =	shalt  }
0x76: {  	_ =	shalt  }
0x77: {  	_ =	shalt  }
0x78: {  	_ =	shalt  }
0x79: {  	_ =	shalt  }
0x7a: {  	_ =	shalt  }
0x7b: {  	_ =	shalt  }
0x7c: {  	_ =	shalt  }
0x7d: {  	_ =	shalt  }
0x7e: {  	_ =	shalt  }
0x7f: {  	_ =	shalt  }
0x80: {  	_ =	shalt  }
0x81: {  	_ =	shalt  }
0x82: {  	_ =	shalt  }
0x83: {  	_ =	shalt  }
0x84: {  	_ =	shalt  }
0x85: {  	_ =	shalt  }
0x86: {  	_ =	shalt  }
0x87: {  	_ =	shalt  }
.Lfunc_end0:
.L_simem_size_0:
called_computation.2_lowered:
.L_overlay_start_0:
0x88: {  	s2 =	sld [smem:$0x3FD9]  }
0x89: {  	s3 =	sld [smem:$0x3FFE];
	_ =	sdelay $0x1  }
0x8a: {  	s1 =	srdreg.scid  }
0x8b: {  	s0 =	sand.u32 $0x1, s1  }
0x8c: {  	s16 =	sshll.u32 s0, $0xA;
	s2 =	sadd.s32 s3, s2  }
0x8d: {  	s2 =	sadd.s32 s2, s16  }
0x8e: {  	[smem:$0x3FBB] =	sst s2  }
0x8f: {  	_ = 	snop  }
0x90: {  	(tm) =	ssettm $0x1  }
0x91: {  	s17 =	sld [smem:$0x3FFB];
	_ =	sdelay $0x3  }
0x92: {  	_ =	strace s17  }
0x93: {  	s2 =	sld [smem:$0x3FFC];
	_ =	sdelay $0x3  }
0x94: {  	_ =	strace s2  }
0x95: {  	s2 =	sld [smem:$0x3FFD];
	_ =	sdelay $0x3  }
0x96: {  	_ =	strace s2  }
0x97: {  	_ =	strace $0x8FFFFFFF  }
0x98: {  	s18 =	sld [smem:$0x3FDB];
	_ =	sdelay $0x1  }
0x99: {  	s19 =	simm.s32 $_scs_section_size  }
0x9a: {  	s4 =	simm.s32 $_size__tile_overlayer_lowered;
	s5 =	simm.s32 $_tile_overlayer_lowered  }
0x9b: {  	s22 =	simm.s32 $0x1BFF;
	s21 =	sshll.u32 s5, $0x1;
	s2 =	sadd.s32 s19, s18  }
0x9c: {  	s6 =	simm.s32 $0x0;
	s20 =	sshll.u32 s4, $0x1;
	s4 =	sadd.s32 s21, s2  }
0x9d: {  	[timem:s6], [sflag:s22] =	dma.local [hbm:s4], s20  }
0x9e: {  	_ =	swait.ge [sflag:s22], s20  }
0x9f: {  	s3 =	ssub.s32 $0x0, s20;
	[sflag:s22] =	ssyncset.done $0x0  }
0xa0: {  	[sflag:s22] =	ssyncadd.s32 s3;
	_ =	sdelay $0x1  }
0xa1: {  	s23 =	simm.s32 $0x1B8B  }
0xa2: {  	_ =	swait.ge [sflag:s23], $0x1  }
0xa3: {  	[sflag:s23] =	ssyncset.done $0x0  }
0xa4: {  	s25 =	simm.s32 $0x1B8E;
	s24 =	sld [smem:$0x3FFE];
	[sflag:s23] =	ssyncadd.s32 $0xFFFFFFFF  }
0xa5: {  	s26 =	simm.s32 $execute0_lowered;
	[smem:$0x3FD2] =	sst s25  }
0xa6: {  	s4 =	sshll.u32 s26, $0x1;
	_ =	strace $0x8000004C;
	[dreg:$0x1] =	wrdreg $0xFFFFFFFF  }
0xa7: {  	s28 =	simm.s32 $_size_execute0_lowered;
	s2 =	sadd.s32 s2, s4;
	[dreg:$0x0] =	wrdreg $0x0  }
0xa8: {  	s4 =	sshll.u32 s28, $0x1;
	[dreg:$0x2] =	wrdreg s2  }
0xa9: {  	[dreg:$0x3] =	wrdreg s4  }
0xaa: {  	[dreg:$0x4] =	wrdreg $0xC0  }
0xab: {  	_ =	task [dreg:s6], $0x5FFFF  }
0xac: {  	[dreg:$0x1] =	wrdreg $0xFFFFFFFF  }
0xad: {  	[dreg:$0x0] =	wrdreg $0x60  }
0xae: {  	[dreg:$0x2] =	wrdreg s24  }
0xaf: {  	[dreg:$0x3] =	wrdreg $0x0  }
0xb0: {  	[dreg:$0x4] =	wrdreg $0x50000  }
0xb1: {  	[dreg:$0x5] =	wrdreg $0x9  }
0xb2: {  	_ =	task.clear_ibuf [dreg:s6], $0x6FFFF;
	_ =	strace $0x9000004C  }
0xb3: {  	s29 =	simm.s32 $0x9;
	_ =	strace $0x8000004E  }
0xb4: {  	_ =	swait.ge [sflag:s29], $0x1  }
0xb5: {  	[sflag:s29] =	ssyncadd.s32 $0xFFFFFFFF  }
0xb6: {  	_ =	strace $0x9000004E  }
0xb7: {  	_ =	sfence  }
0xb8: {  	s30 =	sld [smem:$0x0];
	_ =	sdelay $0x2  }
0xb9: {  	s31 =	sshll.u32 s1, $0xD;
	s1 =	sshrl.u32 s1, $0x2  }
0xba: {  	s3 =	sand.u32 $0x4000, s31;
	s1 =	sadd.s32 s1, s30  }
0xbb: {  	s0 =	sor.u32 s3, s0;
	s1 =	sshll.u32 s1, $0x11  }
0xbc: {  	s0 =	sor.u32 s1, s0  }
0xbd: {  	s0 =	sadd.s32 $0x8F2B, s0  }
0xbe: {  	[sflag:s0] =	ssyncadd.remote.s32 $0x1  }
0xbf: {  	_ =	sfence.sel $0xFFFF  }
0xc0: {  	[dreg:$0x0] =	wrdreg $0xFFFFFFFF;
	(pc) =	sbr.abs _section_cstart, $3  }
0xc1: {  	[dreg:$0x1] =	wrdreg $0xFFFFFFFF  }
0xc2: {  	_ =	task.clear_ibuf [dreg:s6], $0x2FFFF;
	_ =	strace $0x9FFFFFFF  }
0xc3: {  	(tm) =	ssettm $0x7FFFFFFF  }
tec
execute0_lowered:
.L_overlay_start_1:
0x0: {  	(tag) =	ssettag $0x1  }
0x1: {  	s5 =	rddreg [dreg:$0x0];
	s0 =	stileid.u32  }
0x2: {  	s1 =	srdreg.scid;
	s2 =	rddreg [dreg:$0x1]  }
0x3: {  	s3 =	rddreg [dreg:$0x2];
	s4 =	simm.s32 $0x0;
	s16 =	simm.s32 $0xB180  }
0x4: {  	s17 =	simm.s32 $0x7D;
	s18 =	simm.s32 $0xC300;
	s7 =	smul.u32 $0x5000, s0  }
0x5: {  	s6 =	sand.u32 $0x1, s1;
	s1 =	rddreg [dreg:$0x3];
	s9 =	smul.u32 $0x1180, s0  }
0x6: {  	s19 =	simm.s32 $0x0;
	[smem:$0x7FF] =	sst s4;
	s8 =	smul.u32 $0x11800, s6  }
0x7: {  	s31 =	sshll.u32 s0, $0x6;
	s11 =	smul.u32 $0x50000, s6;
	s6 =	ssub.s32 $0x2, s6  }
0x8: {  	_ =	strace $0x8000004D;
	s10 =	sshrl.u32 s7, $0x3;
	s30 =	sshrl.u32 s6, $0x1  }
0x9: {  	s14 =	sadd.s32 s7, s2;
	s15 =	sadd.s32 s7, s3;
	s10 =	sadd.s32 s10, s5  }
0xa: {  	s8 =	sadd.s32 s9, s8;
	s29 =	sadd.s32 s7, s11;
	s11 =	ssub.s32 s6, s30  }
0xb: {  	s6 =	sor.u32 $0x1C01, s31;
	s8 =	sshrl.u32 s8, $0x3;
	s9 =	sshrl.u32 s29, $0x3  }
0xc: {  	s7 =	sadd.s32 $0xD400, s10;
	s11 =	smax.u32 s11, $0x1;
	s12 =	sadd.s32 s8, s5  }
0xd: {  	s13 =	sadd.s32 s9, s5;
	s5 =	sadd.s32 $0x17400, s10;
	s8 =	sadd.s32 $0xDAA00, s12  }
0xe: {  	s9 =	sadd.s32 $0x3E00, s12;
	s10 =	sadd.s32 $0x21400, s13;
	s12 =	sshrl.u32 s14, $0x3  }
0xf: {  	s13 =	simm.s32 $0x1;
	s14 =	sshrl.u32 s15, $0x3;
	s15 =	simm.s32 $0xA000  }
.LBB2_1:
0x10: {  	[spmem:s12], [sflag:s6] =	dma.local [hbm:s5], $0xA00  }
0x11: {  	_ =	swait.ge [sflag:s13], $0xA00  }
0x12: {  	[sflag:s13] =	ssyncset.done $0x0  }
0x13: {  	[sflag:s13] =	ssyncadd.s32 $0xFFFFF600  }
0x14: {  	[spmem:s14], [sflag:s6] =	dma.local [hbm:s7], $0xA00  }
0x15: {  	_ =	swait.ge [sflag:s13], $0xA00  }
0x16: {  	[sflag:s13] =	ssyncset.done $0x0  }
0x17: {  	[sflag:s13] =	ssyncadd.s32 $0xFFFFF600  }
0x18: {  	[tilespmem:s15], [sflag:$0x1] =	stream.linear.gather [hbm4b:s8+s4], $0x1180, $0x38;
	[tilespmem:$0xD2A0] =	vst v63  }
0x19: {  	_ =	swait.ge [sflag:s13], $0x1180  }
0x1a: {  	[sflag:s13] =	ssyncset.done $0x0  }
0x1b: {  	[sflag:s13] =	ssyncadd.s32 $0xFFFFEE80  }
0x1c: {  	[tilespmem:s16], [sflag:$0x1] =	stream.linear.gather [hbm4b:s9+s4], $0x1180, $0x38;
	[tilespmem:$0xD2A0] =	vst v63  }
0x1d: {  	_ =	swait.ge [sflag:s13], $0x1180  }
0x1e: {  	[sflag:s13] =	ssyncset.done $0x0  }
0x1f: {  	[sflag:s13] =	ssyncadd.s32 $0xFFFFEE80  }
0x20: {  	s20 =	simm.s32 $0xA000;
	[bflag:$0x0] =	sbarrier.arrive $0xFFFF  }
0x21: {  	[tilespmem:s18], [sflag:$0x1] =	stream.indirect.gather [spmem:s3], $0x20, s20, s17, $0xb8;
	[tilespmem:$0xD2A0] =	vst v63  }
0x22: {  	_ =	swait.ge [sflag:s13], $0xFA0  }
0x23: {  	[sflag:s13] =	ssyncset.done $0x0  }
0x24: {  	s31 =	simm.s32 $0xB180;
	[sflag:s13] =	ssyncadd.s32 $0xFFFFF060  }
0x25: {  	[spmem:s2] =	stream.indirect.scatter.add.f32 [tilespmem:s18], [sflag:$0x1], $0x20, s31, s17, $0xb8;
	[tilespmem:$0xD2A0] =	vst v63  }
0x26: {  	_ =	swait.ge [sflag:s13], $0xFA0  }
0x27: {  	s21 =	simm.s32 $0x400;
	s20 =	simm.s32 $0x80;
	[sflag:s13] =	ssyncset.done $0x0  }
.LBB2_2:
0x28: {  	s22 =	sadd.s32 $0xA000, s20  }
0x29: {  	[sflag:s13] =	ssyncadd.s32 $0xFFFFF060;
	s23 =	smov.u32 s21;
	s24 =	sadd.s32 $0x200, s21  }
0x2a: {  	[tilespmem:s18], [sflag:$0x1] =	stream.indirect.gather [spmem:s3], $0x20, s22, s17, $0xb8;
	[tilespmem:$0xD2A0] =	vst v63  }
0x2b: {  	p0 =	sne.s32 s21, $0x4400;
	_ =	swait.ge [sflag:s13], $0xFA0  }
.Ltmp0:
0x2c: {  	[sflag:s13] =	ssyncset.done $0x0;
	(pc) =	sbr.rel @p0 .LBB2_2-.Ltmp0, $4  }
0x2d: {  	s20 =	sadd.s32 $0xB180, s20;
	[sflag:s13] =	ssyncadd.s32 $0xFFFFF060  }
0x2e: {  	[spmem:s2] =	stream.indirect.scatter.add.f32 [tilespmem:s18], [sflag:$0x1], $0x20, s20, s17, $0xb8;
	[tilespmem:$0xD2A0] =	vst v63  }
0x2f: {  	_ =	swait.ge [sflag:s13], $0xFA0  }
0x30: {  	s21 =	smov.u32 s24;
	s20 =	sshra.s32 s23, $0x2;
	[sflag:s13] =	ssyncset.done $0x0  }
0x31: {  	s21 =	sadd.s32 $0xA000, s20;
	[sflag:s13] =	ssyncadd.s32 $0xFFFFF060  }
0x32: {  	[tilespmem:s18], [sflag:$0x1] =	stream.indirect.gather [spmem:s3], $0x20, s21, s17, $0xb8;
	[tilespmem:$0xD2A0] =	vst v63  }
0x33: {  	_ =	swait.ge [sflag:s13], $0xFA0  }
0x34: {  	[sflag:s13] =	ssyncset.done $0x0  }
0x35: {  	s31 =	sadd.s32 $0xB180, s20;
	[sflag:s13] =	ssyncadd.s32 $0xFFFFF060  }
0x36: {  	[spmem:s2] =	stream.indirect.scatter.add.f32 [tilespmem:s18], [sflag:$0x1], $0x20, s31, s17, $0xb8;
	[tilespmem:$0xD2A0] =	vst v63  }
0x37: {  	_ =	swait.ge [sflag:s13], $0xFA0  }
0x38: {  	s19 =	sadd.s32 $0x1, s19;
	[sflag:s13] =	ssyncset.done $0x0  }
0x39: {  	p0 =	sne.s32 s19, s11;
	[sflag:s13] =	ssyncadd.s32 $0xFFFFF060  }
.Ltmp1:
0x3a: {  	[bflag:$0x0] =	sbarrier.arrive $0xFFFF;
	(pc) =	sbr.rel @p0 .LBB2_1-.Ltmp1, $4  }
0x3b: {  	[hbm:s10], [sflag:s6] =	dma.local [spmem:s12], $0xA00  }
0x3c: {  	_ =	swait.ge [sflag:s13], $0xA00  }
0x3d: {  	[sflag:s13] =	ssyncset.done $0x0  }
0x3e: {  	[sflag:s13] =	ssyncadd.s32 $0xFFFFF600  }
0x3f: {  	_ =	sfence.sel $0x180000  }
0x40: {  	[bflag:$0x0] =	sbarrier.arrive $0xFFFF  }
0x41: {  	p0 =	sne.s32 s0, $0x0;
	_ =	strace $0x9000004D  }
0x42: {  	s0 =	sadd.s32 @!p0 $0x100000, s1;
	[bflag:$0x2] =	sbarrier.arrive $0xFFFF  }
0x43: {  	[sflag:s0] =	ssyncadd.tile.s32 @!p0 $0x1;
	_ =	shalt  }
.Lfunc_end2:
_tile_overlayer_lowered:
.L_overlay_start_2:
0x44: {  	(tag) =	ssettag $0x2  }
0x45: {  	s0 =	rddreg [dreg:$0x0];
	s2 =	stileid.u32  }
0x46: {  	s1 =	rddreg [dreg:$0x1];
	p0 =	sne.s32 s2, $0x0  }
0x47: {  	s3 =	rddreg [dreg:$0x2];
	[bflag:$0x3] =	sbarrier.arrive $0xFFFF;
	s2 =	simm.s32 @!p0 $0x1C01  }
0x48: {  	[timem:s3], [sflag:s2] =	dma.local @!p0 [hbm:s0], s1  }
0x49: {  	s0 =	simm.s32 @!p0 $0x1  }
0x4a: {  	_ =	swait.ge @!p0 [sflag:s0], s1  }
0x4b: {  	s1 =	ssub.s32 @!p0 $0x0, s1;
	[sflag:s0] =	ssyncset.done @!p0 $0x0  }
0x4c: {  	[sflag:s0] =	ssyncadd.s32 @!p0 s1  }
0x4d: {  	[bflag:$0x3] =	sbarrier.arrive $0xFFFF  }
0x4e: {  	_ =	shalt  }

// kernel: kernel.21.cloned.1.call-start
scs
__scs_entry_jumppad:
0x0: {  	(pc) =	sbr.rel $0x88, $3  }
0x1: {  	(tag) =	ssettag $0x0;
	lr =	simm.s32 $0x1  }
0x2: {  	[smem:$0x3F94] =	sst lr;
	_ =	strace $0xD0000000  }
0x3: {  	_ = 	snop  }
0x4: {  	_ = 	snop  }
0x5: {  	_ = 	snop  }
0x6: {  	_ = 	snop  }
0x7: {  	_ = 	snop  }
__scs_overlays_trampoline_lowered:
0x8: {  	[smem:$0x3FA3] =	sst s0  }
0x9: {  	[smem:$0x3FA4] =	sst s1  }
0xa: {  	[smem:$0x3FA5] =	sst s2  }
0xb: {  	[smem:$0x3FA6] =	sst s3  }
0xc: {  	[smem:$0x3FA7] =	sst s4  }
0xd: {  	[smem:$0x3FA8] =	sst s5  }
0xe: {  	[smem:$0x3FA9] =	sst s6  }
0xf: {  	[smem:$0x3FAA] =	sst s7  }
0x10: {  	[smem:$0x3FAB] =	sst s8  }
0x11: {  	[smem:$0x3FAC] =	sst s9;
	s0 =	simm.s32 @!p0 $0x0  }
0x12: {  	s1 =	sld [smem:$0x3F92];
	s0 =	simm.s32 @p0 $0x1  }
0x13: {  	[smem:$0x3FAD] =	sst s0;
	s0 =	simm.s32 @!p1 $0x0  }
0x14: {  	s2 =	sld [smem:$0x3F91];
	s0 =	simm.s32 @p1 $0x1  }
0x15: {  	[smem:$0x3FAE] =	sst s0;
	s0 =	simm.s32 @!p2 $0x0  }
0x16: {  	s3 =	sld [smem:$0x3FDB];
	s0 =	simm.s32 @p2 $0x1  }
0x17: {  	s4 =	simm.s32 $0x1BF5;
	[smem:$0x3FB0] =	sst s0  }
0x18: {  	s0 =	sld [smem:$0x3F93];
	_ =	swait.ge [sflag:s4], $0x0  }
0x19: {  	s7 =	sld [smem:$0x3F94]  }
0x1a: {  	s8 =	sadd.s32 $0xFFFFE003, lr  }
0x1b: {  	s9 =	sadd.s32 $0xFFFFFEF7, lr;
	s5 =	simm.s32 $0xFFFFFFFF;
	p2 =	slt.u32 s8, $0xFFFFF086  }
0x1c: {  	p1 =	slt.u32 s9, $0xF7A;
	s5 =	simm.s32 @!p2 $0x0  }
0x1d: {  	s5 =	simm.s32 @p1 $0x1;
	p0 =	seq.s32 s7, s2  }
0x1e: {  	s7 =	smul.u32 @!p0 $0xF7A, s2;
	p2 =	seq.s32 @!p0 s5, $0x0  }
0x1f: {  	s9 =	smul.u32 $0xF7A, s1;
	s8 =	simm.s32 @!p0 $0x1BF5;
	p2 =	por !p2, p0  }
0x20: {  	[sflag:s8] =	ssyncset.s32 @!p0 $0xFFFFF086;
	s6 =	sadd.s32 @!p0 s3, s7;
	s7 =	simm.s32 @!p0 $0x108  }
0x21: {  	s3 =	sadd.s32 s3, s9;
	s6 =	sadd.s32 @!p0 $0x88, s6;
	s7 =	simm.s32 @p2 $0x1082  }
0x22: {  	[simem:s7], [sflag:s8] =	dma.local @!p0 [hbm:s6], $0xF7A  }
0x23: {  	s9 =	sor.u32 $0xD0000000, s2;
	s6 =	simm.s32 $0x108;
	_ =	swait.ge @!p0 [sflag:s8], $0x0  }
0x24: {  	s3 =	sadd.s32 $0x88, s3;
	s6 =	simm.s32 @!p1 $0x1082;
	[sflag:s4] =	ssyncset.s32 $0xFFFFF086  }
0x25: {  	[simem:s6], [sflag:s4] =	dma.local [hbm:s3], $0xF7A  }
0x26: {  	[smem:$0x3F94] =	sst s1;
	(tag) =	ssettag s2;
	_ =	strace s9  }
0x27: {  	s1 =	sld [smem:$0x3FA4]  }
0x28: {  	s2 =	sld [smem:$0x3FA5]  }
0x29: {  	s4 =	sld [smem:$0x3FA7]  }
0x2a: {  	p0 =	seq.s32 s5, $0x0;
	s5 =	sld [smem:$0x3FA8]  }
0x2b: {  	s6 =	sld [smem:$0x3FA9]  }
0x2c: {  	s7 =	sld [smem:$0x3FAA]  }
0x2d: {  	s3 =	simm.s32 $0x108;
	s8 =	sld [smem:$0x3FAB]  }
0x2e: {  	s3 =	simm.s32 @!p0 $0x1082;
	s9 =	sld [smem:$0x3FAC]  }
0x2f: {  	lr =	sadd.s32 s0, s3;
	s0 =	sld [smem:$0x3FA3]  }
0x30: {  	s3 =	sld [smem:$0x3FA6]  }
0x31: {  	[smem:$0x3FAF] =	sst s10  }
0x32: {  	s10 =	sld [smem:$0x3FAD];
	_ =	sdelay $0x3  }
0x33: {  	p0 =	seq.s32 s10, $0x1;
	s10 =	sld [smem:$0x3FAF];
	_ =	sdelay $0x3  }
0x34: {  	[smem:$0x3FAF] =	sst s10  }
0x35: {  	s10 =	sld [smem:$0x3FAE];
	_ =	sdelay $0x3  }
0x36: {  	p1 =	seq.s32 s10, $0x1;
	s10 =	sld [smem:$0x3FAF];
	_ =	sdelay $0x3  }
0x37: {  	[smem:$0x3FAF] =	sst s10  }
0x38: {  	s10 =	sld [smem:$0x3FB0]  }
0x39: {  	_ = 	snop;
	(pc) =	sbr.ind lr, $3  }
0x3a: {  	_ = 	snop  }
0x3b: {  	_ = 	snop  }
0x3c: {  	p2 =	seq.s32 s10, $0x1;
	s10 =	sld [smem:$0x3FAF]  }
0x3d: {  	_ =	shalt  }
0x3e: {  	_ =	shalt  }
0x3f: {  	_ =	shalt  }
0x40: {  	_ =	shalt  }
0x41: {  	_ =	shalt  }
0x42: {  	_ =	shalt  }
0x43: {  	_ =	shalt  }
0x44: {  	_ =	shalt  }
0x45: {  	_ =	shalt  }
0x46: {  	_ =	shalt  }
0x47: {  	_ =	shalt  }
0x48: {  	_ =	shalt  }
0x49: {  	_ =	shalt  }
0x4a: {  	_ =	shalt  }
0x4b: {  	_ =	shalt  }
0x4c: {  	_ =	shalt  }
0x4d: {  	_ =	shalt  }
0x4e: {  	_ =	shalt  }
0x4f: {  	_ =	shalt  }
0x50: {  	_ =	shalt  }
0x51: {  	_ =	shalt  }
0x52: {  	_ =	shalt  }
0x53: {  	_ =	shalt  }
0x54: {  	_ =	shalt  }
0x55: {  	_ =	shalt  }
0x56: {  	_ =	shalt  }
0x57: {  	_ =	shalt  }
0x58: {  	_ =	shalt  }
0x59: {  	_ =	shalt  }
0x5a: {  	_ =	shalt  }
0x5b: {  	_ =	shalt  }
0x5c: {  	_ =	shalt  }
0x5d: {  	_ =	shalt  }
0x5e: {  	_ =	shalt  }
0x5f: {  	_ =	shalt  }
0x60: {  	_ =	shalt  }
0x61: {  	_ =	shalt  }
0x62: {  	_ =	shalt  }
0x63: {  	_ =	shalt  }
0x64: {  	_ =	shalt  }
0x65: {  	_ =	shalt  }
0x66: {  	_ =	shalt  }
0x67: {  	_ =	shalt  }
0x68: {  	_ =	shalt  }
0x69: {  	_ =	shalt  }
0x6a: {  	_ =	shalt  }
0x6b: {  	_ =	shalt  }
0x6c: {  	_ =	shalt  }
0x6d: {  	_ =	shalt  }
0x6e: {  	_ =	shalt  }
0x6f: {  	_ =	shalt  }
0x70: {  	_ =	shalt  }
0x71: {  	_ =	shalt  }
0x72: {  	_ =	shalt  }
0x73: {  	_ =	shalt  }
0x74: {  	_ =	shalt  }
0x75: {  	_ =	shalt  }
0x76: {  	_ =	shalt  }
0x77: {  	_ =	shalt  }
0x78: {  	_ =	shalt  }
0x79: {  	_ =	shalt  }
0x7a: {  	_ =	shalt  }
0x7b: {  	_ =	shalt  }
0x7c: {  	_ =	shalt  }
0x7d: {  	_ =	shalt  }
0x7e: {  	_ =	shalt  }
0x7f: {  	_ =	shalt  }
0x80: {  	_ =	shalt  }
0x81: {  	_ =	shalt  }
0x82: {  	_ =	shalt  }
0x83: {  	_ =	shalt  }
0x84: {  	_ =	shalt  }
0x85: {  	_ =	shalt  }
0x86: {  	_ =	shalt  }
0x87: {  	_ =	shalt  }
.Lfunc_end0:
.L_simem_size_0:
called_computation.3_lowered:
.L_overlay_start_0:
0x88: {  	s2 =	sld [smem:$0x3FD9]  }
0x89: {  	s3 =	sld [smem:$0x3FFE];
	_ =	sdelay $0x1  }
0x8a: {  	s1 =	srdreg.scid  }
0x8b: {  	s0 =	sand.u32 $0x1, s1  }
0x8c: {  	s16 =	sshll.u32 s0, $0xA;
	s2 =	sadd.s32 s3, s2  }
0x8d: {  	s2 =	sadd.s32 s2, s16  }
0x8e: {  	[smem:$0x3FBB] =	sst s2  }
0x8f: {  	_ = 	snop  }
0x90: {  	(tm) =	ssettm $0x1  }
0x91: {  	s17 =	sld [smem:$0x3FFB];
	_ =	sdelay $0x3  }
0x92: {  	_ =	strace s17  }
0x93: {  	s2 =	sld [smem:$0x3FFC];
	_ =	sdelay $0x3  }
0x94: {  	_ =	strace s2  }
0x95: {  	s2 =	sld [smem:$0x3FFD];
	_ =	sdelay $0x3  }
0x96: {  	_ =	strace s2  }
0x97: {  	_ =	strace $0x8FFFFFFF  }
0x98: {  	s18 =	sld [smem:$0x3FDB];
	_ =	sdelay $0x1  }
0x99: {  	s19 =	simm.s32 $_scs_section_size  }
0x9a: {  	s4 =	simm.s32 $_size__tile_overlayer_lowered;
	s5 =	simm.s32 $_tile_overlayer_lowered  }
0x9b: {  	s22 =	simm.s32 $0x1BFF;
	s21 =	sshll.u32 s5, $0x1;
	s2 =	sadd.s32 s19, s18  }
0x9c: {  	s6 =	simm.s32 $0x0;
	s20 =	sshll.u32 s4, $0x1;
	s4 =	sadd.s32 s21, s2  }
0x9d: {  	[timem:s6], [sflag:s22] =	dma.local [hbm:s4], s20  }
0x9e: {  	_ =	swait.ge [sflag:s22], s20  }
0x9f: {  	s3 =	ssub.s32 $0x0, s20;
	[sflag:s22] =	ssyncset.done $0x0  }
0xa0: {  	[sflag:s22] =	ssyncadd.s32 s3;
	_ =	sdelay $0x1  }
0xa1: {  	s23 =	simm.s32 $0x1B8B  }
0xa2: {  	_ =	swait.ge [sflag:s23], $0x1  }
0xa3: {  	[sflag:s23] =	ssyncset.done $0x0  }
0xa4: {  	s25 =	simm.s32 $0x1B8E;
	s24 =	sld [smem:$0x3FFE];
	[sflag:s23] =	ssyncadd.s32 $0xFFFFFFFF  }
0xa5: {  	s26 =	simm.s32 $execute0_lowered;
	[smem:$0x3FD2] =	sst s25  }
0xa6: {  	s4 =	sshll.u32 s26, $0x1;
	_ =	strace $0x8000004F;
	[dreg:$0x1] =	wrdreg $0xFFFFFFFF  }
0xa7: {  	s28 =	simm.s32 $_size_execute0_lowered;
	s2 =	sadd.s32 s2, s4;
	[dreg:$0x0] =	wrdreg $0x0  }
0xa8: {  	s4 =	sshll.u32 s28, $0x1;
	[dreg:$0x2] =	wrdreg s2  }
0xa9: {  	[dreg:$0x3] =	wrdreg s4  }
0xaa: {  	[dreg:$0x4] =	wrdreg $0xC0  }
0xab: {  	_ =	task [dreg:s6], $0x5FFFF  }
0xac: {  	[dreg:$0x1] =	wrdreg $0xFFFFFFFF  }
0xad: {  	[dreg:$0x0] =	wrdreg $0x60  }
0xae: {  	[dreg:$0x2] =	wrdreg s24  }
0xaf: {  	[dreg:$0x3] =	wrdreg $0x0  }
0xb0: {  	[dreg:$0x4] =	wrdreg $0x28000  }
0xb1: {  	[dreg:$0x5] =	wrdreg $0x9  }
0xb2: {  	_ =	task.clear_ibuf [dreg:s6], $0x6FFFF;
	_ =	strace $0x9000004F  }
0xb3: {  	s29 =	simm.s32 $0x9;
	_ =	strace $0x80000051  }
0xb4: {  	_ =	swait.ge [sflag:s29], $0x1  }
0xb5: {  	[sflag:s29] =	ssyncadd.s32 $0xFFFFFFFF  }
0xb6: {  	_ =	strace $0x90000051  }
0xb7: {  	_ =	sfence  }
0xb8: {  	s30 =	sld [smem:$0x0];
	_ =	sdelay $0x2  }
0xb9: {  	s31 =	sshll.u32 s1, $0xD;
	s1 =	sshrl.u32 s1, $0x2  }
0xba: {  	s3 =	sand.u32 $0x4000, s31;
	s1 =	sadd.s32 s1, s30  }
0xbb: {  	s0 =	sor.u32 s3, s0;
	s1 =	sshll.u32 s1, $0x11  }
0xbc: {  	s0 =	sor.u32 s1, s0  }
0xbd: {  	s0 =	sadd.s32 $0x8F2B, s0  }
0xbe: {  	[sflag:s0] =	ssyncadd.remote.s32 $0x1  }
0xbf: {  	_ =	sfence.sel $0xFFFF  }
0xc0: {  	[dreg:$0x0] =	wrdreg $0xFFFFFFFF;
	(pc) =	sbr.abs _section_cstart, $3  }
0xc1: {  	[dreg:$0x1] =	wrdreg $0xFFFFFFFF  }
0xc2: {  	_ =	task.clear_ibuf [dreg:s6], $0x2FFFF;
	_ =	strace $0x9FFFFFFF  }
0xc3: {  	(tm) =	ssettm $0x7FFFFFFF  }
tec
execute0_lowered:
.L_overlay_start_1:
0x0: {  	(tag) =	ssettag $0x1  }
0x1: {  	s5 =	rddreg [dreg:$0x0];
	s0 =	stileid.u32  }
0x2: {  	s1 =	srdreg.scid;
	s2 =	rddreg [dreg:$0x1]  }
0x3: {  	s3 =	rddreg [dreg:$0x2];
	s4 =	simm.s32 $0x0;
	s16 =	simm.s32 $0x6180  }
0x4: {  	s17 =	simm.s32 $0x7D;
	s18 =	simm.s32 $0x7300;
	s7 =	smul.u32 $0x2800, s0  }
0x5: {  	s6 =	sand.u32 $0x1, s1;
	s1 =	rddreg [dreg:$0x3];
	s9 =	smul.u32 $0x1180, s0  }
0x6: {  	s19 =	simm.s32 $0x0;
	[smem:$0x7FF] =	sst s4;
	s8 =	smul.u32 $0x11800, s6  }
0x7: {  	s31 =	sshll.u32 s0, $0x6;
	s11 =	smul.u32 $0x28000, s6;
	s6 =	ssub.s32 $0x2, s6  }
0x8: {  	_ =	strace $0x80000050;
	s10 =	sshrl.u32 s7, $0x3;
	s30 =	sshrl.u32 s6, $0x1  }
0x9: {  	s14 =	sadd.s32 s7, s2;
	s15 =	sadd.s32 s7, s3;
	s10 =	sadd.s32 s10, s5  }
0xa: {  	s8 =	sadd.s32 s9, s8;
	s29 =	sadd.s32 s7, s11;
	s11 =	ssub.s32 s6, s30  }
0xb: {  	s6 =	sor.u32 $0x1C01, s31;
	s8 =	sshrl.u32 s8, $0x3;
	s9 =	sshrl.u32 s29, $0x3  }
0xc: {  	s7 =	sadd.s32 $0xD400, s10;
	s11 =	smax.u32 s11, $0x1;
	s12 =	sadd.s32 s8, s5  }
0xd: {  	s13 =	sadd.s32 s9, s5;
	s5 =	sadd.s32 $0x8400, s10;
	s8 =	sadd.s32 $0xDAA00, s12  }
0xe: {  	s9 =	sadd.s32 $0x3E00, s12;
	s10 =	sadd.s32 $0x12400, s13;
	s12 =	sshrl.u32 s14, $0x3  }
0xf: {  	s13 =	simm.s32 $0x1;
	s14 =	sshrl.u32 s15, $0x3;
	s15 =	simm.s32 $0x5000  }
.LBB2_1:
0x10: {  	[spmem:s12], [sflag:s6] =	dma.local [hbm:s5], $0x500  }
0x11: {  	_ =	swait.ge [sflag:s13], $0x500  }
0x12: {  	[sflag:s13] =	ssyncset.done $0x0  }
0x13: {  	[sflag:s13] =	ssyncadd.s32 $0xFFFFFB00  }
0x14: {  	[spmem:s14], [sflag:s6] =	dma.local [hbm:s7], $0x500  }
0x15: {  	_ =	swait.ge [sflag:s13], $0x500  }
0x16: {  	[sflag:s13] =	ssyncset.done $0x0  }
0x17: {  	[sflag:s13] =	ssyncadd.s32 $0xFFFFFB00  }
0x18: {  	[tilespmem:s15], [sflag:$0x1] =	stream.linear.gather [hbm4b:s8+s4], $0x1180, $0x38;
	[tilespmem:$0x7AD0] =	vst v63  }
0x19: {  	_ =	swait.ge [sflag:s13], $0x1180  }
0x1a: {  	[sflag:s13] =	ssyncset.done $0x0  }
0x1b: {  	[sflag:s13] =	ssyncadd.s32 $0xFFFFEE80  }
0x1c: {  	[tilespmem:s16], [sflag:$0x1] =	stream.linear.gather [hbm4b:s9+s4], $0x1180, $0x38;
	[tilespmem:$0x7AD0] =	vst v63  }
0x1d: {  	_ =	swait.ge [sflag:s13], $0x1180  }
0x1e: {  	[sflag:s13] =	ssyncset.done $0x0  }
0x1f: {  	[sflag:s13] =	ssyncadd.s32 $0xFFFFEE80  }
0x20: {  	s20 =	simm.s32 $0x5000;
	[bflag:$0x0] =	sbarrier.arrive $0xFFFF  }
0x21: {  	[tilespmem:s18], [sflag:$0x1] =	stream.indirect.gather [spmem:s3], $0x10, s20, s17, $0xb8;
	[tilespmem:$0x7AD0] =	vst v63  }
0x22: {  	_ =	swait.ge [sflag:s13], $0x7D0  }
0x23: {  	[sflag:s13] =	ssyncset.done $0x0  }
0x24: {  	s31 =	simm.s32 $0x6180;
	[sflag:s13] =	ssyncadd.s32 $0xFFFFF830  }
0x25: {  	[spmem:s2] =	stream.indirect.scatter.add.f32 [tilespmem:s18], [sflag:$0x1], $0x10, s31, s17, $0xb8;
	[tilespmem:$0x7AD0] =	vst v63  }
0x26: {  	_ =	swait.ge [sflag:s13], $0x7D0  }
0x27: {  	s21 =	simm.s32 $0x400;
	s20 =	simm.s32 $0x80;
	[sflag:s13] =	ssyncset.done $0x0  }
.LBB2_2:
0x28: {  	s22 =	sadd.s32 $0x5000, s20  }
0x29: {  	[sflag:s13] =	ssyncadd.s32 $0xFFFFF830;
	s23 =	smov.u32 s21;
	s24 =	sadd.s32 $0x200, s21  }
0x2a: {  	[tilespmem:s18], [sflag:$0x1] =	stream.indirect.gather [spmem:s3], $0x10, s22, s17, $0xb8;
	[tilespmem:$0x7AD0] =	vst v63  }
0x2b: {  	p0 =	sne.s32 s21, $0x4400;
	_ =	swait.ge [sflag:s13], $0x7D0  }
.Ltmp0:
0x2c: {  	[sflag:s13] =	ssyncset.done $0x0;
	(pc) =	sbr.rel @p0 .LBB2_2-.Ltmp0, $4  }
0x2d: {  	s20 =	sadd.s32 $0x6180, s20;
	[sflag:s13] =	ssyncadd.s32 $0xFFFFF830  }
0x2e: {  	[spmem:s2] =	stream.indirect.scatter.add.f32 [tilespmem:s18], [sflag:$0x1], $0x10, s20, s17, $0xb8;
	[tilespmem:$0x7AD0] =	vst v63  }
0x2f: {  	_ =	swait.ge [sflag:s13], $0x7D0  }
0x30: {  	s21 =	smov.u32 s24;
	s20 =	sshra.s32 s23, $0x2;
	[sflag:s13] =	ssyncset.done $0x0  }
0x31: {  	s21 =	sadd.s32 $0x5000, s20;
	[sflag:s13] =	ssyncadd.s32 $0xFFFFF830  }
0x32: {  	[tilespmem:s18], [sflag:$0x1] =	stream.indirect.gather [spmem:s3], $0x10, s21, s17, $0xb8;
	[tilespmem:$0x7AD0] =	vst v63  }
0x33: {  	_ =	swait.ge [sflag:s13], $0x7D0  }
0x34: {  	[sflag:s13] =	ssyncset.done $0x0  }
0x35: {  	s31 =	sadd.s32 $0x6180, s20;
	[sflag:s13] =	ssyncadd.s32 $0xFFFFF830  }
0x36: {  	[spmem:s2] =	stream.indirect.scatter.add.f32 [tilespmem:s18], [sflag:$0x1], $0x10, s31, s17, $0xb8;
	[tilespmem:$0x7AD0] =	vst v63  }
0x37: {  	_ =	swait.ge [sflag:s13], $0x7D0  }
0x38: {  	s19 =	sadd.s32 $0x1, s19;
	[sflag:s13] =	ssyncset.done $0x0  }
0x39: {  	p0 =	sne.s32 s19, s11;
	[sflag:s13] =	ssyncadd.s32 $0xFFFFF830  }
.Ltmp1:
0x3a: {  	[bflag:$0x0] =	sbarrier.arrive $0xFFFF;
	(pc) =	sbr.rel @p0 .LBB2_1-.Ltmp1, $4  }
0x3b: {  	[hbm:s10], [sflag:s6] =	dma.local [spmem:s12], $0x500  }
0x3c: {  	_ =	swait.ge [sflag:s13], $0x500  }
0x3d: {  	[sflag:s13] =	ssyncset.done $0x0  }
0x3e: {  	[sflag:s13] =	ssyncadd.s32 $0xFFFFFB00  }
0x3f: {  	_ =	sfence.sel $0x180000  }
0x40: {  	[bflag:$0x0] =	sbarrier.arrive $0xFFFF  }
0x41: {  	p0 =	sne.s32 s0, $0x0;
	_ =	strace $0x90000050  }
0x42: {  	s0 =	sadd.s32 @!p0 $0x100000, s1;
	[bflag:$0x2] =	sbarrier.arrive $0xFFFF  }
0x43: {  	[sflag:s0] =	ssyncadd.tile.s32 @!p0 $0x1;
	_ =	shalt  }
.Lfunc_end2:
_tile_overlayer_lowered:
.L_overlay_start_2:
0x44: {  	(tag) =	ssettag $0x2  }
0x45: {  	s0 =	rddreg [dreg:$0x0];
	s2 =	stileid.u32  }
0x46: {  	s1 =	rddreg [dreg:$0x1];
	p0 =	sne.s32 s2, $0x0  }
0x47: {  	s3 =	rddreg [dreg:$0x2];
	[bflag:$0x3] =	sbarrier.arrive $0xFFFF;
	s2 =	simm.s32 @!p0 $0x1C01  }
0x48: {  	[timem:s3], [sflag:s2] =	dma.local @!p0 [hbm:s0], s1  }
0x49: {  	s0 =	simm.s32 @!p0 $0x1  }
0x4a: {  	_ =	swait.ge @!p0 [sflag:s0], s1  }
0x4b: {  	s1 =	ssub.s32 @!p0 $0x0, s1;
	[sflag:s0] =	ssyncset.done @!p0 $0x0  }
0x4c: {  	[sflag:s0] =	ssyncadd.s32 @!p0 s1  }
0x4d: {  	[bflag:$0x3] =	sbarrier.arrive $0xFFFF  }
0x4e: {  	_ =	shalt  }

// kernel: kernel.24.cloned.1.call-start
scs
__scs_entry_jumppad:
0x0: {  	(pc) =	sbr.rel $0x88, $3  }
0x1: {  	(tag) =	ssettag $0x0;
	lr =	simm.s32 $0x1  }
0x2: {  	[smem:$0x3F94] =	sst lr;
	_ =	strace $0xD0000000  }
0x3: {  	_ = 	snop  }
0x4: {  	_ = 	snop  }
0x5: {  	_ = 	snop  }
0x6: {  	_ = 	snop  }
0x7: {  	_ = 	snop  }
__scs_overlays_trampoline_lowered:
0x8: {  	[smem:$0x3FA3] =	sst s0  }
0x9: {  	[smem:$0x3FA4] =	sst s1  }
0xa: {  	[smem:$0x3FA5] =	sst s2  }
0xb: {  	[smem:$0x3FA6] =	sst s3  }
0xc: {  	[smem:$0x3FA7] =	sst s4  }
0xd: {  	[smem:$0x3FA8] =	sst s5  }
0xe: {  	[smem:$0x3FA9] =	sst s6  }
0xf: {  	[smem:$0x3FAA] =	sst s7  }
0x10: {  	[smem:$0x3FAB] =	sst s8  }
0x11: {  	[smem:$0x3FAC] =	sst s9;
	s0 =	simm.s32 @!p0 $0x0  }
0x12: {  	s1 =	sld [smem:$0x3F92];
	s0 =	simm.s32 @p0 $0x1  }
0x13: {  	[smem:$0x3FAD] =	sst s0;
	s0 =	simm.s32 @!p1 $0x0  }
0x14: {  	s2 =	sld [smem:$0x3F91];
	s0 =	simm.s32 @p1 $0x1  }
0x15: {  	[smem:$0x3FAE] =	sst s0;
	s0 =	simm.s32 @!p2 $0x0  }
0x16: {  	s3 =	sld [smem:$0x3FDB];
	s0 =	simm.s32 @p2 $0x1  }
0x17: {  	s4 =	simm.s32 $0x1BF5;
	[smem:$0x3FB0] =	sst s0  }
0x18: {  	s0 =	sld [smem:$0x3F93];
	_ =	swait.ge [sflag:s4], $0x0  }
0x19: {  	s7 =	sld [smem:$0x3F94]  }
0x1a: {  	s8 =	sadd.s32 $0xFFFFE003, lr  }
0x1b: {  	s9 =	sadd.s32 $0xFFFFFEF7, lr;
	s5 =	simm.s32 $0xFFFFFFFF;
	p2 =	slt.u32 s8, $0xFFFFF086  }
0x1c: {  	p1 =	slt.u32 s9, $0xF7A;
	s5 =	simm.s32 @!p2 $0x0  }
0x1d: {  	s5 =	simm.s32 @p1 $0x1;
	p0 =	seq.s32 s7, s2  }
0x1e: {  	s7 =	smul.u32 @!p0 $0xF7A, s2;
	p2 =	seq.s32 @!p0 s5, $0x0  }
0x1f: {  	s9 =	smul.u32 $0xF7A, s1;
	s8 =	simm.s32 @!p0 $0x1BF5;
	p2 =	por !p2, p0  }
0x20: {  	[sflag:s8] =	ssyncset.s32 @!p0 $0xFFFFF086;
	s6 =	sadd.s32 @!p0 s3, s7;
	s7 =	simm.s32 @!p0 $0x108  }
0x21: {  	s3 =	sadd.s32 s3, s9;
	s6 =	sadd.s32 @!p0 $0x88, s6;
	s7 =	simm.s32 @p2 $0x1082  }
0x22: {  	[simem:s7], [sflag:s8] =	dma.local @!p0 [hbm:s6], $0xF7A  }
0x23: {  	s9 =	sor.u32 $0xD0000000, s2;
	s6 =	simm.s32 $0x108;
	_ =	swait.ge @!p0 [sflag:s8], $0x0  }
0x24: {  	s3 =	sadd.s32 $0x88, s3;
	s6 =	simm.s32 @!p1 $0x1082;
	[sflag:s4] =	ssyncset.s32 $0xFFFFF086  }
0x25: {  	[simem:s6], [sflag:s4] =	dma.local [hbm:s3], $0xF7A  }
0x26: {  	[smem:$0x3F94] =	sst s1;
	(tag) =	ssettag s2;
	_ =	strace s9  }
0x27: {  	s1 =	sld [smem:$0x3FA4]  }
0x28: {  	s2 =	sld [smem:$0x3FA5]  }
0x29: {  	s4 =	sld [smem:$0x3FA7]  }
0x2a: {  	p0 =	seq.s32 s5, $0x0;
	s5 =	sld [smem:$0x3FA8]  }
0x2b: {  	s6 =	sld [smem:$0x3FA9]  }
0x2c: {  	s7 =	sld [smem:$0x3FAA]  }
0x2d: {  	s3 =	simm.s32 $0x108;
	s8 =	sld [smem:$0x3FAB]  }
0x2e: {  	s3 =	simm.s32 @!p0 $0x1082;
	s9 =	sld [smem:$0x3FAC]  }
0x2f: {  	lr =	sadd.s32 s0, s3;
	s0 =	sld [smem:$0x3FA3]  }
0x30: {  	s3 =	sld [smem:$0x3FA6]  }
0x31: {  	[smem:$0x3FAF] =	sst s10  }
0x32: {  	s10 =	sld [smem:$0x3FAD];
	_ =	sdelay $0x3  }
0x33: {  	p0 =	seq.s32 s10, $0x1;
	s10 =	sld [smem:$0x3FAF];
	_ =	sdelay $0x3  }
0x34: {  	[smem:$0x3FAF] =	sst s10  }
0x35: {  	s10 =	sld [smem:$0x3FAE];
	_ =	sdelay $0x3  }
0x36: {  	p1 =	seq.s32 s10, $0x1;
	s10 =	sld [smem:$0x3FAF];
	_ =	sdelay $0x3  }
0x37: {  	[smem:$0x3FAF] =	sst s10  }
0x38: {  	s10 =	sld [smem:$0x3FB0]  }
0x39: {  	_ = 	snop;
	(pc) =	sbr.ind lr, $3  }
0x3a: {  	_ = 	snop  }
0x3b: {  	_ = 	snop  }
0x3c: {  	p2 =	seq.s32 s10, $0x1;
	s10 =	sld [smem:$0x3FAF]  }
0x3d: {  	_ =	shalt  }
0x3e: {  	_ =	shalt  }
0x3f: {  	_ =	shalt  }
0x40: {  	_ =	shalt  }
0x41: {  	_ =	shalt  }
0x42: {  	_ =	shalt  }
0x43: {  	_ =	shalt  }
0x44: {  	_ =	shalt  }
0x45: {  	_ =	shalt  }
0x46: {  	_ =	shalt  }
0x47: {  	_ =	shalt  }
0x48: {  	_ =	shalt  }
0x49: {  	_ =	shalt  }
0x4a: {  	_ =	shalt  }
0x4b: {  	_ =	shalt  }
0x4c: {  	_ =	shalt  }
0x4d: {  	_ =	shalt  }
0x4e: {  	_ =	shalt  }
0x4f: {  	_ =	shalt  }
0x50: {  	_ =	shalt  }
0x51: {  	_ =	shalt  }
0x52: {  	_ =	shalt  }
0x53: {  	_ =	shalt  }
0x54: {  	_ =	shalt  }
0x55: {  	_ =	shalt  }
0x56: {  	_ =	shalt  }
0x57: {  	_ =	shalt  }
0x58: {  	_ =	shalt  }
0x59: {  	_ =	shalt  }
0x5a: {  	_ =	shalt  }
0x5b: {  	_ =	shalt  }
0x5c: {  	_ =	shalt  }
0x5d: {  	_ =	shalt  }
0x5e: {  	_ =	shalt  }
0x5f: {  	_ =	shalt  }
0x60: {  	_ =	shalt  }
0x61: {  	_ =	shalt  }
0x62: {  	_ =	shalt  }
0x63: {  	_ =	shalt  }
0x64: {  	_ =	shalt  }
0x65: {  	_ =	shalt  }
0x66: {  	_ =	shalt  }
0x67: {  	_ =	shalt  }
0x68: {  	_ =	shalt  }
0x69: {  	_ =	shalt  }
0x6a: {  	_ =	shalt  }
0x6b: {  	_ =	shalt  }
0x6c: {  	_ =	shalt  }
0x6d: {  	_ =	shalt  }
0x6e: {  	_ =	shalt  }
0x6f: {  	_ =	shalt  }
0x70: {  	_ =	shalt  }
0x71: {  	_ =	shalt  }
0x72: {  	_ =	shalt  }
0x73: {  	_ =	shalt  }
0x74: {  	_ =	shalt  }
0x75: {  	_ =	shalt  }
0x76: {  	_ =	shalt  }
0x77: {  	_ =	shalt  }
0x78: {  	_ =	shalt  }
0x79: {  	_ =	shalt  }
0x7a: {  	_ =	shalt  }
0x7b: {  	_ =	shalt  }
0x7c: {  	_ =	shalt  }
0x7d: {  	_ =	shalt  }
0x7e: {  	_ =	shalt  }
0x7f: {  	_ =	shalt  }
0x80: {  	_ =	shalt  }
0x81: {  	_ =	shalt  }
0x82: {  	_ =	shalt  }
0x83: {  	_ =	shalt  }
0x84: {  	_ =	shalt  }
0x85: {  	_ =	shalt  }
0x86: {  	_ =	shalt  }
0x87: {  	_ =	shalt  }
.Lfunc_end0:
.L_simem_size_0:
called_computation.4_lowered:
.L_overlay_start_0:
0x88: {  	s2 =	sld [smem:$0x3FD9]  }
0x89: {  	s3 =	sld [smem:$0x3FFE];
	_ =	sdelay $0x1  }
0x8a: {  	s1 =	srdreg.scid  }
0x8b: {  	s0 =	sand.u32 $0x1, s1  }
0x8c: {  	s16 =	sshll.u32 s0, $0xA;
	s2 =	sadd.s32 s3, s2  }
0x8d: {  	s2 =	sadd.s32 s2, s16  }
0x8e: {  	[smem:$0x3FBB] =	sst s2  }
0x8f: {  	_ = 	snop  }
0x90: {  	(tm) =	ssettm $0x1  }
0x91: {  	s17 =	sld [smem:$0x3FFB];
	_ =	sdelay $0x3  }
0x92: {  	_ =	strace s17  }
0x93: {  	s2 =	sld [smem:$0x3FFC];
	_ =	sdelay $0x3  }
0x94: {  	_ =	strace s2  }
0x95: {  	s2 =	sld [smem:$0x3FFD];
	_ =	sdelay $0x3  }
0x96: {  	_ =	strace s2  }
0x97: {  	_ =	strace $0x8FFFFFFF  }
0x98: {  	s18 =	sld [smem:$0x3FDB];
	_ =	sdelay $0x1  }
0x99: {  	s19 =	simm.s32 $_scs_section_size  }
0x9a: {  	s4 =	simm.s32 $_size__tile_overlayer_lowered;
	s5 =	simm.s32 $_tile_overlayer_lowered  }
0x9b: {  	s22 =	simm.s32 $0x1BFF;
	s21 =	sshll.u32 s5, $0x1;
	s2 =	sadd.s32 s19, s18  }
0x9c: {  	s6 =	simm.s32 $0x0;
	s20 =	sshll.u32 s4, $0x1;
	s4 =	sadd.s32 s21, s2  }
0x9d: {  	[timem:s6], [sflag:s22] =	dma.local [hbm:s4], s20  }
0x9e: {  	_ =	swait.ge [sflag:s22], s20  }
0x9f: {  	s3 =	ssub.s32 $0x0, s20;
	[sflag:s22] =	ssyncset.done $0x0  }
0xa0: {  	[sflag:s22] =	ssyncadd.s32 s3;
	_ =	sdelay $0x1  }
0xa1: {  	s23 =	simm.s32 $0x1B8B  }
0xa2: {  	_ =	swait.ge [sflag:s23], $0x1  }
0xa3: {  	[sflag:s23] =	ssyncset.done $0x0  }
0xa4: {  	s25 =	simm.s32 $0x1B8E;
	s24 =	sld [smem:$0x3FFE];
	[sflag:s23] =	ssyncadd.s32 $0xFFFFFFFF  }
0xa5: {  	s26 =	simm.s32 $execute0_lowered;
	[smem:$0x3FD2] =	sst s25  }
0xa6: {  	s4 =	sshll.u32 s26, $0x1;
	_ =	strace $0x80000052;
	[dreg:$0x1] =	wrdreg $0xFFFFFFFF  }
0xa7: {  	s28 =	simm.s32 $_size_execute0_lowered;
	s2 =	sadd.s32 s2, s4;
	[dreg:$0x0] =	wrdreg $0x0  }
0xa8: {  	s4 =	sshll.u32 s28, $0x1;
	[dreg:$0x2] =	wrdreg s2  }
0xa9: {  	[dreg:$0x3] =	wrdreg s4  }
0xaa: {  	[dreg:$0x4] =	wrdreg $0xC0  }
0xab: {  	_ =	task [dreg:s6], $0x5FFFF  }
0xac: {  	[dreg:$0x1] =	wrdreg $0xFFFFFFFF  }
0xad: {  	[dreg:$0x0] =	wrdreg $0x60  }
0xae: {  	[dreg:$0x2] =	wrdreg s24  }
0xaf: {  	[dreg:$0x3] =	wrdreg $0x0  }
0xb0: {  	[dreg:$0x4] =	wrdreg $0x4200  }
0xb1: {  	[dreg:$0x5] =	wrdreg $0x9  }
0xb2: {  	_ =	task.clear_ibuf [dreg:s6], $0x6FFFF;
	_ =	strace $0x90000052  }
0xb3: {  	s29 =	simm.s32 $0x9;
	_ =	strace $0x80000054  }
0xb4: {  	_ =	swait.ge [sflag:s29], $0x1  }
0xb5: {  	[sflag:s29] =	ssyncadd.s32 $0xFFFFFFFF  }
0xb6: {  	_ =	strace $0x90000054  }
0xb7: {  	_ =	sfence  }
0xb8: {  	s30 =	sld [smem:$0x0];
	_ =	sdelay $0x2  }
0xb9: {  	s31 =	sshll.u32 s1, $0xD;
	s1 =	sshrl.u32 s1, $0x2  }
0xba: {  	s3 =	sand.u32 $0x4000, s31;
	s1 =	sadd.s32 s1, s30  }
0xbb: {  	s0 =	sor.u32 s3, s0;
	s1 =	sshll.u32 s1, $0x11  }
0xbc: {  	s0 =	sor.u32 s1, s0  }
0xbd: {  	s0 =	sadd.s32 $0x8F2B, s0  }
0xbe: {  	[sflag:s0] =	ssyncadd.remote.s32 $0x1  }
0xbf: {  	_ =	sfence.sel $0xFFFF  }
0xc0: {  	[dreg:$0x0] =	wrdreg $0xFFFFFFFF;
	(pc) =	sbr.abs _section_cstart, $3  }
0xc1: {  	[dreg:$0x1] =	wrdreg $0xFFFFFFFF  }
0xc2: {  	_ =	task.clear_ibuf [dreg:s6], $0x2FFFF;
	_ =	strace $0x9FFFFFFF  }
0xc3: {  	(tm) =	ssettm $0x7FFFFFFF  }
tec
execute0_lowered:
.L_overlay_start_1:
0x0: {  	(tag) =	ssettag $0x1  }
0x1: {  	s28 =	rddreg [dreg:$0x0]  }
0x2: {  	s2 =	rddreg [dreg:$0x1]  }
0x3: {  	s1 =	srdreg.scid;
	s0 =	stileid.u32  }
0x4: {  	s3 =	rddreg [dreg:$0x2];
	s4 =	simm.s32 $0x0;
	s29 =	smul.u32 $0x420, s0  }
0x5: {  	s26 =	sand.u32 $0x1, s1;
	s1 =	rddreg [dreg:$0x3];
	s10 =	smul.u32 $0x140, s0  }
0x6: {  	[smem:$0x7FF] =	sst s4;
	s30 =	smul.u32 $0x60, s0;
	s6 =	sshll.u32 s0, $0x6  }
0x7: {  	s9 =	smul.u32 $0x1400, s26;
	_ =	strace $0x80000053;
	s5 =	sshrl.u32 s29, $0x3  }
0x8: {  	s6 =	sor.u32 $0x1C01, s6;
	s7 =	sadd.s32 s29, s2;
	s5 =	sadd.s32 s5, s28  }
0x9: {  	s8 =	sshrl.u32 s7, $0x3;
	s7 =	simm.s32 $0x1;
	s5 =	sadd.s32 $0x3E00, s5  }
0xa: {  	[spmem:s8], [sflag:s6] =	dma.local [hbm:s5], $0x84  }
0xb: {  	s25 =	sshrl.u32 s30, $0x3;
	s31 =	sadd.s32 s30, s3;
	_ =	swait.ge [sflag:s7], $0x84  }
0xc: {  	s11 =	sadd.s32 s10, s9;
	s9 =	sadd.s32 s25, s28;
	[sflag:s7] =	ssyncset.done $0x0  }
0xd: {  	s10 =	sshrl.u32 s31, $0x3;
	s9 =	sadd.s32 $0x4800, s9;
	[sflag:s7] =	ssyncadd.s32 $0xFFFFFF7C  }
0xe: {  	[spmem:s10], [sflag:s6] =	dma.local [hbm:s9], $0xC  }
0xf: {  	s11 =	sshrl.u32 s11, $0x3;
	_ =	swait.ge [sflag:s7], $0xC  }
0x10: {  	s11 =	sadd.s32 s11, s28;
	[sflag:s7] =	ssyncset.done $0x0  }
0x11: {  	s12 =	simm.s32 $0x480;
	s11 =	sadd.s32 $0x1C400, s11;
	[sflag:s7] =	ssyncadd.s32 $0xFFFFFFF4  }
0x12: {  	[tilespmem:s12], [sflag:$0x1] =	stream.linear.gather [hbm4b:s11+s4], $0x140, $0x38;
	[tilespmem:$0x35C0] =	vst v63  }
0x13: {  	_ =	swait.ge [sflag:s7], $0x140  }
0x14: {  	s14 =	simm.s32 $0x31C0;
	s13 =	sshll.u32 s26, $0x4;
	[sflag:s7] =	ssyncset.done $0x0  }
0x15: {  	s15 =	sor.u32 s0, s13;
	s13 =	sadd.s32 $0x4A00, s28;
	[sflag:s7] =	ssyncadd.s32 $0xFFFFFEC0  }
0x16: {  	[tilespmem:s14], [sflag:$0x1] =	stream.linear.gather [hbm4b:s13+s4], $0x400, $0x38;
	[tilespmem:$0x35C0] =	vst v63  }
0x17: {  	s15 =	smul.u32 $0x1B80, s15;
	_ =	swait.ge [sflag:s7], $0x400  }
0x18: {  	[sflag:s7] =	ssyncset.done $0x0  }
0x19: {  	s24 =	sadd.s32 s15, s28;
	[sflag:s7] =	ssyncadd.s32 $0xFFFFFC00  }
0x1a: {  	s16 =	simm.s32 $0x5C0;
	s15 =	sadd.s32 $0x1CA00, s24;
	[bflag:$0x0] =	sbarrier.arrive $0xFFFF  }
0x1b: {  	[tilespmem:s16], [sflag:$0x1] =	stream.linear.gather [hbm4b:s15+s4], $0x2C00, $0x38;
	[tilespmem:$0x35C0] =	vst v63  }
0x1c: {  	_ =	swait.ge [sflag:s7], $0x2C00  }
0x1d: {  	[sflag:s7] =	ssyncset.done $0x0  }
0x1e: {  	s17 =	simm.s32 $0x40;
	[sflag:s7] =	ssyncadd.s32 $0xFFFFD400  }
0x1f: {  	[spmem:s2] =	stream.indirect.scatter.add.f32 [tilespmem:s16], [sflag:$0x1], $0xB0, s12, s17, $0xb8;
	[tilespmem:$0x35C0] =	vst v63  }
0x20: {  	_ =	swait.ge [sflag:s7], $0x2C00  }
0x21: {  	[sflag:s7] =	ssyncset.done $0x0  }
0x22: {  	[sflag:s7] =	ssyncadd.s32 $0xFFFFD400  }
0x23: {  	[spmem:s3] =	stream.indirect.scatter.add.f32 [tilespmem:s14], [sflag:$0x1], $0x10, s12, s17, $0xb8;
	[tilespmem:$0x35C0] =	vst v63  }
0x24: {  	_ =	swait.ge [sflag:s7], $0x400  }
0x25: {  	[sflag:s7] =	ssyncset.done $0x0  }
0x26: {  	s18 =	sadd.s32 $0x1CF80, s24;
	[sflag:s7] =	ssyncadd.s32 $0xFFFFFC00  }
0x27: {  	[tilespmem:s16], [sflag:$0x1] =	stream.linear.gather [hbm4b:s18+s4], $0x2C00, $0x38;
	[tilespmem:$0x35C0] =	vst v63  }
0x28: {  	_ =	swait.ge [sflag:s7], $0x2C00  }
0x29: {  	[sflag:s7] =	ssyncset.done $0x0  }
0x2a: {  	s19 =	simm.s32 $0x4C0;
	[sflag:s7] =	ssyncadd.s32 $0xFFFFD400  }
0x2b: {  	[spmem:s2] =	stream.indirect.scatter.add.f32 [tilespmem:s16], [sflag:$0x1], $0xB0, s19, s17, $0xb8;
	[tilespmem:$0x35C0] =	vst v63  }
0x2c: {  	_ =	swait.ge [sflag:s7], $0x2C00  }
0x2d: {  	[sflag:s7] =	ssyncset.done $0x0  }
0x2e: {  	[sflag:s7] =	ssyncadd.s32 $0xFFFFD400  }
0x2f: {  	[spmem:s3] =	stream.indirect.scatter.add.f32 [tilespmem:s14], [sflag:$0x1], $0x10, s19, s17, $0xb8;
	[tilespmem:$0x35C0] =	vst v63  }
0x30: {  	_ =	swait.ge [sflag:s7], $0x400  }
0x31: {  	[sflag:s7] =	ssyncset.done $0x0  }
0x32: {  	s20 =	sadd.s32 $0x1D500, s24;
	[sflag:s7] =	ssyncadd.s32 $0xFFFFFC00  }
0x33: {  	[tilespmem:s16], [sflag:$0x1] =	stream.linear.gather [hbm4b:s20+s4], $0x2C00, $0x38;
	[tilespmem:$0x35C0] =	vst v63  }
0x34: {  	_ =	swait.ge [sflag:s7], $0x2C00  }
0x35: {  	[sflag:s7] =	ssyncset.done $0x0  }
0x36: {  	s21 =	simm.s32 $0x500;
	[sflag:s7] =	ssyncadd.s32 $0xFFFFD400  }
0x37: {  	[spmem:s2] =	stream.indirect.scatter.add.f32 [tilespmem:s16], [sflag:$0x1], $0xB0, s21, s17, $0xb8;
	[tilespmem:$0x35C0] =	vst v63  }
0x38: {  	_ =	swait.ge [sflag:s7], $0x2C00  }
0x39: {  	[sflag:s7] =	ssyncset.done $0x0  }
0x3a: {  	[sflag:s7] =	ssyncadd.s32 $0xFFFFD400  }
0x3b: {  	[spmem:s3] =	stream.indirect.scatter.add.f32 [tilespmem:s14], [sflag:$0x1], $0x10, s21, s17, $0xb8;
	[tilespmem:$0x35C0] =	vst v63  }
0x3c: {  	_ =	swait.ge [sflag:s7], $0x400  }
0x3d: {  	[sflag:s7] =	ssyncset.done $0x0  }
0x3e: {  	s22 =	sadd.s32 $0x1DA80, s24;
	[sflag:s7] =	ssyncadd.s32 $0xFFFFFC00  }
0x3f: {  	[tilespmem:s16], [sflag:$0x1] =	stream.linear.gather [hbm4b:s22+s4], $0x2C00, $0x38;
	[tilespmem:$0x35C0] =	vst v63  }
0x40: {  	_ =	swait.ge [sflag:s7], $0x2C00  }
0x41: {  	[sflag:s7] =	ssyncset.done $0x0  }
0x42: {  	s23 =	simm.s32 $0x540;
	[sflag:s7] =	ssyncadd.s32 $0xFFFFD400  }
0x43: {  	[spmem:s2] =	stream.indirect.scatter.add.f32 [tilespmem:s16], [sflag:$0x1], $0xB0, s23, s17, $0xb8;
	[tilespmem:$0x35C0] =	vst v63  }
0x44: {  	_ =	swait.ge [sflag:s7], $0x2C00  }
0x45: {  	[sflag:s7] =	ssyncset.done $0x0  }
0x46: {  	[sflag:s7] =	ssyncadd.s32 $0xFFFFD400  }
0x47: {  	[spmem:s3] =	stream.indirect.scatter.add.f32 [tilespmem:s14], [sflag:$0x1], $0x10, s23, s17, $0xb8;
	[tilespmem:$0x35C0] =	vst v63  }
0x48: {  	_ =	swait.ge [sflag:s7], $0x400  }
0x49: {  	[sflag:s7] =	ssyncset.done $0x0  }
0x4a: {  	s24 =	sadd.s32 $0x1E000, s24;
	[sflag:s7] =	ssyncadd.s32 $0xFFFFFC00  }
0x4b: {  	[tilespmem:s16], [sflag:$0x1] =	stream.linear.gather [hbm4b:s24+s4], $0x2C00, $0x38;
	[tilespmem:$0x35C0] =	vst v63  }
0x4c: {  	_ =	swait.ge [sflag:s7], $0x2C00  }
0x4d: {  	[sflag:s7] =	ssyncset.done $0x0  }
0x4e: {  	s25 =	simm.s32 $0x580;
	s31 =	smul.u32 $0x4200, s26;
	[sflag:s7] =	ssyncadd.s32 $0xFFFFD400  }
0x4f: {  	[spmem:s2] =	stream.indirect.scatter.add.f32 [tilespmem:s16], [sflag:$0x1], $0xB0, s25, s17, $0xb8;
	[tilespmem:$0x35C0] =	vst v63  }
0x50: {  	s29 =	sadd.s32 s29, s31;
	s31 =	smul.u32 $0x600, s26;
	_ =	swait.ge [sflag:s7], $0x2C00  }
0x51: {  	s29 =	sshrl.u32 s29, $0x3;
	[sflag:s7] =	ssyncset.done $0x0  }
0x52: {  	s30 =	sadd.s32 s30, s31;
	s29 =	sadd.s32 s29, s28;
	[sflag:s7] =	ssyncadd.s32 $0xFFFFD400  }
0x53: {  	[spmem:s3] =	stream.indirect.scatter.add.f32 [tilespmem:s14], [sflag:$0x1], $0x10, s25, s17, $0xb8;
	[tilespmem:$0x35C0] =	vst v63  }
0x54: {  	s31 =	ssub.s32 $0x2, s26;
	s26 =	sadd.s32 $0x4C00, s29;
	_ =	swait.ge [sflag:s7], $0x400  }
0x55: {  	s29 =	sshrl.u32 s30, $0x3;
	s30 =	sshrl.u32 s31, $0x1;
	[sflag:s7] =	ssyncset.done $0x0  }
0x56: {  	s28 =	sadd.s32 s29, s28;
	s29 =	ssub.s32 s31, s30;
	[sflag:s7] =	ssyncadd.s32 $0xFFFFFC00  }
0x57: {  	s29 =	smax.u32 s29, $0x1;
	[bflag:$0x0] =	sbarrier.arrive $0xFFFF  }
0x58: {  	[hbm:s26], [sflag:s6] =	dma.local [spmem:s8], $0x84  }
0x59: {  	p0 =	sne.s32 s29, $0x1;
	_ =	swait.ge [sflag:s7], $0x84  }
.Ltmp0:
0x5a: {  	[sflag:s7] =	ssyncset.done $0x0;
	(pc) =	sbr.rel @!p0 .LBB2_2-.Ltmp0, $4  }
0x5b: {  	s28 =	sadd.s32 $0x5E00, s28;
	[sflag:s7] =	ssyncadd.s32 $0xFFFFFF7C  }
0x5c: {  	[hbm:s28], [sflag:s6] =	dma.local [spmem:s10], $0xC  }
0x5d: {  	_ =	swait.ge [sflag:s7], $0xC  }
0x5e: {  	s29 =	sadd.s32 $0xFFFFFFFF, s29;
	[sflag:s7] =	ssyncset.done $0x0  }
.LBB2_1:
0x5f: {  	p0 =	sne.s32 s29, $0x1;
	s29 =	sadd.s32 $0xFFFFFFFF, s29;
	[sflag:s7] =	ssyncadd.s32 $0xFFFFFFF4  }
0x60: {  	[spmem:s8], [sflag:s6] =	dma.local [hbm:s5], $0x84  }
0x61: {  	_ =	swait.ge [sflag:s7], $0x84  }
0x62: {  	[sflag:s7] =	ssyncset.done $0x0  }
0x63: {  	[sflag:s7] =	ssyncadd.s32 $0xFFFFFF7C  }
0x64: {  	[spmem:s10], [sflag:s6] =	dma.local [hbm:s9], $0xC  }
0x65: {  	_ =	swait.ge [sflag:s7], $0xC  }
0x66: {  	[sflag:s7] =	ssyncset.done $0x0  }
0x67: {  	[sflag:s7] =	ssyncadd.s32 $0xFFFFFFF4  }
0x68: {  	[tilespmem:s12], [sflag:$0x1] =	stream.linear.gather [hbm4b:s11+s4], $0x140, $0x38;
	[tilespmem:$0x35C0] =	vst v63  }
0x69: {  	_ =	swait.ge [sflag:s7], $0x140  }
0x6a: {  	[sflag:s7] =	ssyncset.done $0x0  }
0x6b: {  	[sflag:s7] =	ssyncadd.s32 $0xFFFFFEC0  }
0x6c: {  	[tilespmem:s14], [sflag:$0x1] =	stream.linear.gather [hbm4b:s13+s4], $0x400, $0x38;
	[tilespmem:$0x35C0] =	vst v63  }
0x6d: {  	_ =	swait.ge [sflag:s7], $0x400  }
0x6e: {  	[sflag:s7] =	ssyncset.done $0x0  }
0x6f: {  	[sflag:s7] =	ssyncadd.s32 $0xFFFFFC00  }
0x70: {  	[bflag:$0x0] =	sbarrier.arrive $0xFFFF  }
0x71: {  	[tilespmem:s16], [sflag:$0x1] =	stream.linear.gather [hbm4b:s15+s4], $0x2C00, $0x38;
	[tilespmem:$0x35C0] =	vst v63  }
0x72: {  	_ =	swait.ge [sflag:s7], $0x2C00  }
0x73: {  	[sflag:s7] =	ssyncset.done $0x0  }
0x74: {  	[sflag:s7] =	ssyncadd.s32 $0xFFFFD400  }
0x75: {  	[spmem:s2] =	stream.indirect.scatter.add.f32 [tilespmem:s16], [sflag:$0x1], $0xB0, s12, s17, $0xb8;
	[tilespmem:$0x35C0] =	vst v63  }
0x76: {  	_ =	swait.ge [sflag:s7], $0x2C00  }
0x77: {  	[sflag:s7] =	ssyncset.done $0x0  }
0x78: {  	[sflag:s7] =	ssyncadd.s32 $0xFFFFD400  }
0x79: {  	[spmem:s3] =	stream.indirect.scatter.add.f32 [tilespmem:s14], [sflag:$0x1], $0x10, s12, s17, $0xb8;
	[tilespmem:$0x35C0] =	vst v63  }
0x7a: {  	_ =	swait.ge [sflag:s7], $0x400  }
0x7b: {  	[sflag:s7] =	ssyncset.done $0x0  }
0x7c: {  	[sflag:s7] =	ssyncadd.s32 $0xFFFFFC00  }
0x7d: {  	[tilespmem:s16], [sflag:$0x1] =	stream.linear.gather [hbm4b:s18+s4], $0x2C00, $0x38;
	[tilespmem:$0x35C0] =	vst v63  }
0x7e: {  	_ =	swait.ge [sflag:s7], $0x2C00  }
0x7f: {  	[sflag:s7] =	ssyncset.done $0x0  }
0x80: {  	[sflag:s7] =	ssyncadd.s32 $0xFFFFD400  }
0x81: {  	[spmem:s2] =	stream.indirect.scatter.add.f32 [tilespmem:s16], [sflag:$0x1], $0xB0, s19, s17, $0xb8;
	[tilespmem:$0x35C0] =	vst v63  }
0x82: {  	_ =	swait.ge [sflag:s7], $0x2C00  }
0x83: {  	[sflag:s7] =	ssyncset.done $0x0  }
0x84: {  	[sflag:s7] =	ssyncadd.s32 $0xFFFFD400  }
0x85: {  	[spmem:s3] =	stream.indirect.scatter.add.f32 [tilespmem:s14], [sflag:$0x1], $0x10, s19, s17, $0xb8;
	[tilespmem:$0x35C0] =	vst v63  }
0x86: {  	_ =	swait.ge [sflag:s7], $0x400  }
0x87: {  	[sflag:s7] =	ssyncset.done $0x0  }
0x88: {  	[sflag:s7] =	ssyncadd.s32 $0xFFFFFC00  }
0x89: {  	[tilespmem:s16], [sflag:$0x1] =	stream.linear.gather [hbm4b:s20+s4], $0x2C00, $0x38;
	[tilespmem:$0x35C0] =	vst v63  }
0x8a: {  	_ =	swait.ge [sflag:s7], $0x2C00  }
0x8b: {  	[sflag:s7] =	ssyncset.done $0x0  }
0x8c: {  	[sflag:s7] =	ssyncadd.s32 $0xFFFFD400  }
0x8d: {  	[spmem:s2] =	stream.indirect.scatter.add.f32 [tilespmem:s16], [sflag:$0x1], $0xB0, s21, s17, $0xb8;
	[tilespmem:$0x35C0] =	vst v63  }
0x8e: {  	_ =	swait.ge [sflag:s7], $0x2C00  }
0x8f: {  	[sflag:s7] =	ssyncset.done $0x0  }
0x90: {  	[sflag:s7] =	ssyncadd.s32 $0xFFFFD400  }
0x91: {  	[spmem:s3] =	stream.indirect.scatter.add.f32 [tilespmem:s14], [sflag:$0x1], $0x10, s21, s17, $0xb8;
	[tilespmem:$0x35C0] =	vst v63  }
0x92: {  	_ =	swait.ge [sflag:s7], $0x400  }
0x93: {  	[sflag:s7] =	ssyncset.done $0x0  }
0x94: {  	[sflag:s7] =	ssyncadd.s32 $0xFFFFFC00  }
0x95: {  	[tilespmem:s16], [sflag:$0x1] =	stream.linear.gather [hbm4b:s22+s4], $0x2C00, $0x38;
	[tilespmem:$0x35C0] =	vst v63  }
0x96: {  	_ =	swait.ge [sflag:s7], $0x2C00  }
0x97: {  	[sflag:s7] =	ssyncset.done $0x0  }
0x98: {  	[sflag:s7] =	ssyncadd.s32 $0xFFFFD400  }
0x99: {  	[spmem:s2] =	stream.indirect.scatter.add.f32 [tilespmem:s16], [sflag:$0x1], $0xB0, s23, s17, $0xb8;
	[tilespmem:$0x35C0] =	vst v63  }
0x9a: {  	_ =	swait.ge [sflag:s7], $0x2C00  }
0x9b: {  	[sflag:s7] =	ssyncset.done $0x0  }
0x9c: {  	[sflag:s7] =	ssyncadd.s32 $0xFFFFD400  }
0x9d: {  	[spmem:s3] =	stream.indirect.scatter.add.f32 [tilespmem:s14], [sflag:$0x1], $0x10, s23, s17, $0xb8;
	[tilespmem:$0x35C0] =	vst v63  }
0x9e: {  	_ =	swait.ge [sflag:s7], $0x400  }
0x9f: {  	[sflag:s7] =	ssyncset.done $0x0  }
0xa0: {  	[sflag:s7] =	ssyncadd.s32 $0xFFFFFC00  }
0xa1: {  	[tilespmem:s16], [sflag:$0x1] =	stream.linear.gather [hbm4b:s24+s4], $0x2C00, $0x38;
	[tilespmem:$0x35C0] =	vst v63  }
0xa2: {  	_ =	swait.ge [sflag:s7], $0x2C00  }
0xa3: {  	[sflag:s7] =	ssyncset.done $0x0  }
0xa4: {  	[sflag:s7] =	ssyncadd.s32 $0xFFFFD400  }
0xa5: {  	[spmem:s2] =	stream.indirect.scatter.add.f32 [tilespmem:s16], [sflag:$0x1], $0xB0, s25, s17, $0xb8;
	[tilespmem:$0x35C0] =	vst v63  }
0xa6: {  	_ =	swait.ge [sflag:s7], $0x2C00  }
0xa7: {  	[sflag:s7] =	ssyncset.done $0x0  }
0xa8: {  	[sflag:s7] =	ssyncadd.s32 $0xFFFFD400  }
0xa9: {  	[spmem:s3] =	stream.indirect.scatter.add.f32 [tilespmem:s14], [sflag:$0x1], $0x10, s25, s17, $0xb8;
	[tilespmem:$0x35C0] =	vst v63  }
0xaa: {  	_ =	swait.ge [sflag:s7], $0x400  }
0xab: {  	[sflag:s7] =	ssyncset.done $0x0  }
0xac: {  	[sflag:s7] =	ssyncadd.s32 $0xFFFFFC00  }
0xad: {  	[bflag:$0x0] =	sbarrier.arrive $0xFFFF  }
0xae: {  	[hbm:s26], [sflag:s6] =	dma.local [spmem:s8], $0x84  }
0xaf: {  	_ =	swait.ge [sflag:s7], $0x84  }
.Ltmp1:
0xb0: {  	[sflag:s7] =	ssyncset.done $0x0;
	(pc) =	sbr.rel @p0 .LBB2_1-.Ltmp1, $4  }
0xb1: {  	[sflag:s7] =	ssyncadd.s32 $0xFFFFFF7C  }
0xb2: {  	[hbm:s28], [sflag:s6] =	dma.local [spmem:s10], $0xC  }
0xb3: {  	_ =	swait.ge [sflag:s7], $0xC  }
0xb4: {  	[sflag:s7] =	ssyncset.done $0x0  }
.LBB2_2:
0xb5: {  	[sflag:s7] =	ssyncadd.s32 $0xFFFFFFF4  }
0xb6: {  	_ =	sfence.sel $0x180000  }
0xb7: {  	[bflag:$0x0] =	sbarrier.arrive $0xFFFF  }
0xb8: {  	p0 =	sne.s32 s0, $0x0;
	_ =	strace $0x90000053  }
0xb9: {  	s0 =	sadd.s32 @!p0 $0x100000, s1;
	[bflag:$0x2] =	sbarrier.arrive $0xFFFF  }
0xba: {  	[sflag:s0] =	ssyncadd.tile.s32 @!p0 $0x1;
	_ =	shalt  }
.Lfunc_end2:
_tile_overlayer_lowered:
.L_overlay_start_2:
0xbb: {  	(tag) =	ssettag $0x2  }
0xbc: {  	s0 =	rddreg [dreg:$0x0];
	s2 =	stileid.u32  }
0xbd: {  	s1 =	rddreg [dreg:$0x1];
	p0 =	sne.s32 s2, $0x0  }
0xbe: {  	s3 =	rddreg [dreg:$0x2];
	[bflag:$0x3] =	sbarrier.arrive $0xFFFF;
	s2 =	simm.s32 @!p0 $0x1C01  }
0xbf: {  	[timem:s3], [sflag:s2] =	dma.local @!p0 [hbm:s0], s1  }
0xc0: {  	s0 =	simm.s32 @!p0 $0x1  }
0xc1: {  	_ =	swait.ge @!p0 [sflag:s0], s1  }
0xc2: {  	s1 =	ssub.s32 @!p0 $0x0, s1;
	[sflag:s0] =	ssyncset.done @!p0 $0x0  }
0xc3: {  	[sflag:s0] =	ssyncadd.s32 @!p0 s1  }
0xc4: {  	[bflag:$0x3] =	sbarrier.arrive $0xFFFF  }
0xc5: {  	_ =	shalt  }

</sc_bundles>
